<compile_context>
chip_gen: v7x
topology: tpu7x:2x2x1
jax: 0.10.2.dev20260603
libtpu: 0.0.44.dev20260713+nightly
codegen_flags: <defaults>
</compile_context>

<pallas_src>
import functools

import jax
import jax.numpy as jnp
from jax import lax
from jax.experimental import pallas as pl
from jax.experimental.pallas import tpu as pltpu
from jax.experimental.pallas import tpu_sc as plsc
from jax._src.pallas import mpmd as plmpmd
from jax._src.pallas import core as _pallas_core

_B = 8192
_D = 4096
_NW = 32
_BSCS = 1024
_BTEC = _B - 2 * _BSCS
_BPW = _BTEC // _NW
_R = 8
_NCH = _BPW // _R
_NBUF = 2
_K = 8
_RG = 8

_VMESH = plsc.VectorSubcoreMesh(core_axis_name="c", subcore_axis_name="s")
_SMESH = plsc.ScalarSubcoreMesh(axis_name="c", num_cores=2)


def _tec_fn(idx_hbm, table_hbm, out_hbm, idx_v, bufs, gsems, wsems,
            idx_s, sp, sgsems, swsems):
    del idx_s, sp, sgsems, swsems
    wid = lax.axis_index("s") * 2 + lax.axis_index("c")
    base = wid * _BPW
    pltpu.sync_copy(idx_hbm.at[pl.ds(base, _BPW)], idx_v)

    def body(i, carry):
        for b in range(_NBUF):
            g = i * _NBUF + b

            @pl.when(i > 0)
            def _wait_prev_write():
                pltpu.make_async_copy(
                    bufs.at[b],
                    out_hbm.at[pl.ds(base + (g - _NBUF) * _R, _R)],
                    wsems.at[b]).wait()

            pltpu.async_copy(
                table_hbm.at[idx_v.at[pl.ds(g * _R, _R)]],
                bufs.at[b], gsems.at[b])
        for b in range(_NBUF):
            g = i * _NBUF + b
            pltpu.make_async_copy(
                table_hbm.at[idx_v.at[pl.ds(g * _R, _R)]],
                bufs.at[b], gsems.at[b]).wait()
            pltpu.async_copy(
                bufs.at[b], out_hbm.at[pl.ds(base + g * _R, _R)], wsems.at[b])
        return carry

    lax.fori_loop(0, _NCH // _NBUF, body, 0)

    for b in range(_NBUF):
        g = _NCH - _NBUF + b
        pltpu.make_async_copy(
            bufs.at[b], out_hbm.at[pl.ds(base + g * _R, _R)],
            wsems.at[b]).wait()


def _scs_fn(idx_hbm, table_hbm, out_hbm, idx_v, bufs, gsems, wsems,
            idx_s, sp, sgsems, swsems):
    del idx_v, bufs, gsems, wsems
    c = lax.axis_index("c")
    base = _BTEC + c * _BSCS
    pltpu.sync_copy(idx_hbm.at[pl.ds(base, _BSCS)], idx_s)

    def body(i, carry):
        for k in range(_K):
            j0 = i * _K * _RG + k * _RG

            @pl.when(i > 0)
            def _wait_prev_write():
                pltpu.make_async_copy(
                    sp.at[k], out_hbm.at[pl.ds(base + j0 - _K * _RG, _RG)],
                    swsems.at[k]).wait()

            for q in range(_RG):
                r = idx_s[j0 + q]
                pltpu.async_copy(
                    table_hbm.at[pl.ds(r, 1)], sp.at[k, pl.ds(q, 1)],
                    sgsems.at[k])
        for k in range(_K):
            j0 = i * _K * _RG + k * _RG
            pltpu.make_async_copy(
                table_hbm.at[pl.ds(0, _RG)], sp.at[k], sgsems.at[k]).wait()
            pltpu.async_copy(
                sp.at[k], out_hbm.at[pl.ds(base + j0, _RG)], swsems.at[k])
        return carry

    lax.fori_loop(0, _BSCS // (_K * _RG), body, 0)

    for k in range(_K):
        j0 = _BSCS - _K * _RG + k * _RG
        pltpu.make_async_copy(
            sp.at[k], out_hbm.at[pl.ds(base + j0, _RG)], swsems.at[k]).wait()


def kernel(prefix, embedding_weight):
    idx_flat = prefix.reshape(_B)
    tec_vmem = pltpu.MemorySpace.VMEM @ _VMESH
    tec_sem = _pallas_core.CoreMemorySpace(pltpu.MemorySpace.SEMAPHORE, _VMESH)
    scs_smem = pltpu.MemorySpace.SMEM @ _SMESH
    scs_sem = _pallas_core.CoreMemorySpace(pltpu.MemorySpace.SEMAPHORE, _SMESH)
    dma_sem = pltpu.SemaphoreType.DMA.dtype
    out = plmpmd.mpmd_map(
        [(_VMESH, _tec_fn), (_SMESH, _scs_fn)],
        out_types=jax.ShapeDtypeStruct((_B, _D), jnp.float32),
        scratch_types=[
            tec_vmem((_BPW,), jnp.int32),
            tec_vmem((_NBUF, _R, _D), jnp.float32),
            tec_sem((_NBUF,), dma_sem),
            tec_sem((_NBUF,), dma_sem),
            scs_smem((_BSCS,), jnp.int32),
            pltpu.MemorySpace.VMEM_SHARED((_K, _RG, _D), jnp.float32),
            scs_sem((_K,), dma_sem),
            scs_sem((_K,), dma_sem),
        ],
    )(idx_flat, embedding_weight)
    return out.reshape(4, 2048, _D)

# --- scband reference (transcript-rebuilt; emitter-appended) ---
"""Pipeline reference for scband-prefix-encoder-79078937853993 (READ-ONLY COPY).

The authoritative reference and input builder live on the scoring server;
editing this copy changes nothing except your own understanding.
"""

import jax, jax.numpy as jnp
import numpy as np

PREFIX_SEQ_LEN = 2048
HIDDEN_SIZE = 4096
BATCH = 4
PREFIX_LEN = 2048


def setup_inputs(seed: int = 0) -> dict:
    key = jax.random.key(seed)
    k1, k2 = jax.random.split(key)
    prefix = jax.random.randint(k1, (BATCH, PREFIX_LEN), 0, PREFIX_SEQ_LEN, dtype=jnp.int32)
    embedding_weight = jax.random.normal(k2, (PREFIX_SEQ_LEN, HIDDEN_SIZE), dtype=jnp.float32)
    return {"prefix": prefix, "embedding_weight": embedding_weight}


def reference(prefix, embedding_weight):
    # prefix_projection=False branch: plain embedding lookup
    prompt_output = jnp.take(embedding_weight, prefix, axis=0)
    return prompt_output

if __name__ == "__main__":
    import jax
    _d = setup_inputs()
    print(jax.jit(kernel)(*tuple(_d.values())))

</pallas_src>

<mosaic_0001>
#map = affine_map<(d0, d1) -> (0)>
#map1 = affine_map<(d0, d1) -> (0, 0)>
#map2 = affine_map<(d0) -> (0)>
#map3 = affine_map<(d0) -> (0, 0)>
module attributes {stable_mosaic.version = 14 : i64} {
  func.func @_tec_fn(%arg0: i32, %arg1: i32, %arg2: memref<8192xi32, #tpu.memory_space<hbm>>, %arg3: memref<2048x4096xf32, #tpu.memory_space<hbm>>, %arg4: memref<8192x4096xf32, #tpu.memory_space<hbm>>, %arg5: memref<192xi32, #tpu.memory_space<vmem>>, %arg6: memref<2x8x4096xf32, #tpu.memory_space<vmem>>, %arg7: memref<2x!tpu.dma_semaphore, #tpu.memory_space<semaphore_mem>>, %arg8: memref<2x!tpu.dma_semaphore, #tpu.memory_space<semaphore_mem>>, %arg9: memref<1024xi32, #tpu.memory_space<smem, sc_scalar_subcore>>, %arg10: memref<8x8x4096xf32, #tpu.memory_space<vmem_shared>>, %arg11: memref<8x!tpu.dma_semaphore, #tpu.memory_space<semaphore_mem, sc_scalar_subcore>>, %arg12: memref<8x!tpu.dma_semaphore, #tpu.memory_space<semaphore_mem, sc_scalar_subcore>>) attributes {dimension_semantics = [#tpu.dimension_semantics<core_parallel>, #tpu.dimension_semantics<subcore_parallel>], iteration_bounds = array<i64: 2, 16>, scalar_prefetch = 0 : i64, scratch_operands = 8 : i64, tpu.core_type = #tpu.core_type<sc_vector_subcore>, window_params = [{transform_indices = #map}, {transform_indices = #map1}, {transform_indices = #map1}]} {
    %mul3A = arith.constant 2 : i32
    %mul3A_0 = arith.muli %arg1, %mul3A : i32
    %add3A = arith.addi %mul3A_0, %arg0 : i32
    %mul3A_1 = arith.constant 192 : i32
    %mul3A_2 = arith.muli %add3A, %mul3A_1 : i32
    "tpu.region"() ({
      %run_scoped3A = tpu.sem_alloc : memref<!tpu.dma_semaphore, #tpu.memory_space<semaphore_mem>>
      %dma_start3A = tpu.memref_slice %arg2[%mul3A_2] : memref<8192xi32, #tpu.memory_space<hbm>> -> memref<192xi32, #tpu.memory_space<hbm>>
      %dma_start3A_43 = tpu.memref_slice %arg2[%mul3A_2] : memref<8192xi32, #tpu.memory_space<hbm>> -> memref<192xi32, #tpu.memory_space<hbm>>
      tpu.enqueue_dma source(%dma_start3A_43 : memref<192xi32, #tpu.memory_space<hbm>>) target(%arg5 : memref<192xi32, #tpu.memory_space<vmem>>) target_semaphore(%run_scoped3A : memref<!tpu.dma_semaphore, #tpu.memory_space<semaphore_mem>>)
      %dma_wait3A_44 = tpu.memref_slice %arg2[%mul3A_2] : memref<8192xi32, #tpu.memory_space<hbm>> -> memref<192xi32, #tpu.memory_space<hbm>>
      %dma_wait3A_45 = tpu.memref_slice %arg2[%mul3A_2] : memref<8192xi32, #tpu.memory_space<hbm>> -> memref<192xi32, #tpu.memory_space<hbm>>
      tpu.wait_dma2 semaphore(%run_scoped3A : memref<!tpu.dma_semaphore, #tpu.memory_space<semaphore_mem>>) src(%dma_wait3A_45 : memref<192xi32, #tpu.memory_space<hbm>>) dst(%arg5 : memref<192xi32, #tpu.memory_space<vmem>>)
      tpu.yield
    }) : () -> ()
    %scan3A = arith.constant 0 : i32
    %scan3A_3 = arith.constant 0 : i32
    %scan3A_4 = arith.constant 12 : i32
    %scan3A_5 = arith.addi %scan3A_3, %scan3A_4 : i32
    %scan3A_6 = arith.constant 1 : i32
    scf.for %scan3A_43 = %scan3A_3 to %scan3A_5 step %scan3A_6  : i32 {
      %mul3A_44 = arith.constant 2 : i32
      %mul3A_45 = arith.muli %scan3A_43, %mul3A_44 : i32
      %add3A_46 = arith.constant 0 : i32
      %add3A_47 = arith.addi %mul3A_45, %add3A_46 : i32
      %gt3A = arith.constant 0 : i32
      %gt3A_48 = arith.cmpi sgt, %scan3A_43, %gt3A : i32
      %convert_element_type3A = arith.extui %gt3A_48 : i1 to i32
      %cond3A = arith.constant 0 : i32
      %cond3A_49 = arith.cmpi ne, %convert_element_type3A, %cond3A : i32
      scf.if %cond3A_49 {
        %sub3A = arith.constant 2 : i32
        %sub3A_160 = arith.subi %add3A_47, %sub3A : i32
        %mul3A_161 = arith.constant 8 : i32
        %mul3A_162 = arith.muli %sub3A_160, %mul3A_161 : i32
        %add3A_163 = arith.addi %mul3A_2, %mul3A_162 : i32
        %dma_wait3A_164 = arith.constant 0 : i32
        %dma_wait3A_165 = arith.constant 0 : i32
        %dma_wait3A_166 = arith.constant 0 : i32
        %dma_wait3A_167 = arith.constant 0 : i32
        %dma_wait3A_168 = tpu.memref_slice %arg6[%dma_wait3A_164, %dma_wait3A_166, %dma_wait3A_167] : memref<2x8x4096xf32, #tpu.memory_space<vmem>> -> memref<1x8x4096xf32, #tpu.memory_space<vmem>>
        %dma_wait3A_169 = tpu.memref_squeeze %dma_wait3A_168 : memref<1x8x4096xf32, #tpu.memory_space<vmem>> -> memref<8x4096xf32, #tpu.memory_space<vmem>>
        %dma_wait3A_170 = arith.constant 0 : i32
        %dma_wait3A_171 = tpu.memref_slice %arg4[%add3A_163, %dma_wait3A_170] : memref<8192x4096xf32, #tpu.memory_space<hbm>> -> memref<8x4096xf32, #tpu.memory_space<hbm>>
        %dma_wait3A_172 = tpu.memref_slice %arg8[%dma_wait3A_165] : memref<2x!tpu.dma_semaphore, #tpu.memory_space<semaphore_mem>> -> memref<1x!tpu.dma_semaphore, #tpu.memory_space<semaphore_mem>>
        %dma_wait3A_173 = tpu.memref_squeeze %dma_wait3A_172 : memref<1x!tpu.dma_semaphore, #tpu.memory_space<semaphore_mem>> -> memref<!tpu.dma_semaphore, #tpu.memory_space<semaphore_mem>>
        %dma_wait3A_174 = arith.constant 0 : i32
        %dma_wait3A_175 = tpu.memref_slice %arg4[%add3A_163, %dma_wait3A_174] : memref<8192x4096xf32, #tpu.memory_space<hbm>> -> memref<8x4096xf32, #tpu.memory_space<hbm>>
        %dma_wait3A_176 = arith.constant 0 : i32
        %dma_wait3A_177 = arith.constant 0 : i32
        %dma_wait3A_178 = tpu.memref_slice %arg6[%dma_wait3A_164, %dma_wait3A_176, %dma_wait3A_177] : memref<2x8x4096xf32, #tpu.memory_space<vmem>> -> memref<1x8x4096xf32, #tpu.memory_space<vmem>>
        %dma_wait3A_179 = tpu.memref_squeeze %dma_wait3A_178 : memref<1x8x4096xf32, #tpu.memory_space<vmem>> -> memref<8x4096xf32, #tpu.memory_space<vmem>>
        tpu.wait_dma2 semaphore(%dma_wait3A_173 : memref<!tpu.dma_semaphore, #tpu.memory_space<semaphore_mem>>) src(%dma_wait3A_179 : memref<8x4096xf32, #tpu.memory_space<vmem>>) dst(%dma_wait3A_175 : memref<8x4096xf32, #tpu.memory_space<hbm>>)
      } else {
      }
      %mul3A_50 = arith.constant 8 : i32
      %mul3A_51 = arith.muli %add3A_47, %mul3A_50 : i32
      %dma_start3A = arith.constant 0 : i32
      %dma_start3A_52 = arith.constant 0 : i32
      %dma_start3A_53 = arith.constant 0 : i32
      %dma_start3A_54 = arith.constant 0 : i32
      %dma_start3A_55 = tpu.memref_slice %arg6[%dma_start3A, %dma_start3A_53, %dma_start3A_54] : memref<2x8x4096xf32, #tpu.memory_space<vmem>> -> memref<1x8x4096xf32, #tpu.memory_space<vmem>>
      %dma_start3A_56 = tpu.memref_squeeze %dma_start3A_55 : memref<1x8x4096xf32, #tpu.memory_space<vmem>> -> memref<8x4096xf32, #tpu.memory_space<vmem>>
      %dma_start3A_57 = tpu.memref_slice %arg5[%mul3A_51] : memref<192xi32, #tpu.memory_space<vmem>> -> memref<8xi32, #tpu.memory_space<vmem>>
      %dma_start3A_58 = arith.constant 0 : i32
      %dma_start3A_59 = arith.constant 0 : i32
      %dma_start3A_60 = tpu.memref_slice %arg3[%dma_start3A_58, %dma_start3A_59] : memref<2048x4096xf32, #tpu.memory_space<hbm>> -> memref<2048x4096xf32, #tpu.memory_space<hbm>>
      %dma_start3A_61 = tpu.memref_slice %arg7[%dma_start3A_52] : memref<2x!tpu.dma_semaphore, #tpu.memory_space<semaphore_mem>> -> memref<1x!tpu.dma_semaphore, #tpu.memory_space<semaphore_mem>>
      %dma_start3A_62 = tpu.memref_squeeze %dma_start3A_61 : memref<1x!tpu.dma_semaphore, #tpu.memory_space<semaphore_mem>> -> memref<!tpu.dma_semaphore, #tpu.memory_space<semaphore_mem>>
      tpu.enqueue_indirect_dma source(%dma_start3A_60 : memref<2048x4096xf32, #tpu.memory_space<hbm>>) target(%dma_start3A_56 : memref<8x4096xf32, #tpu.memory_space<vmem>>) offsets(%dma_start3A_57 : memref<8xi32, #tpu.memory_space<vmem>>) semaphore(%dma_start3A_62 : memref<!tpu.dma_semaphore, #tpu.memory_space<semaphore_mem>>)
      %mul3A_63 = arith.constant 2 : i32
      %mul3A_64 = arith.muli %scan3A_43, %mul3A_63 : i32
      %add3A_65 = arith.constant 1 : i32
      %add3A_66 = arith.addi %mul3A_64, %add3A_65 : i32
      %gt3A_67 = arith.constant 0 : i32
      %gt3A_68 = arith.cmpi sgt, %scan3A_43, %gt3A_67 : i32
      %convert_element_type3A_69 = arith.extui %gt3A_68 : i1 to i32
      %cond3A_70 = arith.constant 0 : i32
      %cond3A_71 = arith.cmpi ne, %convert_element_type3A_69, %cond3A_70 : i32
      scf.if %cond3A_71 {
        %sub3A = arith.constant 2 : i32
        %sub3A_160 = arith.subi %add3A_66, %sub3A : i32
        %mul3A_161 = arith.constant 8 : i32
        %mul3A_162 = arith.muli %sub3A_160, %mul3A_161 : i32
        %add3A_163 = arith.addi %mul3A_2, %mul3A_162 : i32
        %dma_wait3A_164 = arith.constant 1 : i32
        %dma_wait3A_165 = arith.constant 1 : i32
        %dma_wait3A_166 = arith.constant 0 : i32
        %dma_wait3A_167 = arith.constant 0 : i32
        %dma_wait3A_168 = tpu.memref_slice %arg6[%dma_wait3A_164, %dma_wait3A_166, %dma_wait3A_167] : memref<2x8x4096xf32, #tpu.memory_space<vmem>> -> memref<1x8x4096xf32, #tpu.memory_space<vmem>>
        %dma_wait3A_169 = tpu.memref_squeeze %dma_wait3A_168 : memref<1x8x4096xf32, #tpu.memory_space<vmem>> -> memref<8x4096xf32, #tpu.memory_space<vmem>>
        %dma_wait3A_170 = arith.constant 0 : i32
        %dma_wait3A_171 = tpu.memref_slice %arg4[%add3A_163, %dma_wait3A_170] : memref<8192x4096xf32, #tpu.memory_space<hbm>> -> memref<8x4096xf32, #tpu.memory_space<hbm>>
        %dma_wait3A_172 = tpu.memref_slice %arg8[%dma_wait3A_165] : memref<2x!tpu.dma_semaphore, #tpu.memory_space<semaphore_mem>> -> memref<1x!tpu.dma_semaphore, #tpu.memory_space<semaphore_mem>>
        %dma_wait3A_173 = tpu.memref_squeeze %dma_wait3A_172 : memref<1x!tpu.dma_semaphore, #tpu.memory_space<semaphore_mem>> -> memref<!tpu.dma_semaphore, #tpu.memory_space<semaphore_mem>>
        %dma_wait3A_174 = arith.constant 0 : i32
        %dma_wait3A_175 = tpu.memref_slice %arg4[%add3A_163, %dma_wait3A_174] : memref<8192x4096xf32, #tpu.memory_space<hbm>> -> memref<8x4096xf32, #tpu.memory_space<hbm>>
        %dma_wait3A_176 = arith.constant 0 : i32
        %dma_wait3A_177 = arith.constant 0 : i32
        %dma_wait3A_178 = tpu.memref_slice %arg6[%dma_wait3A_164, %dma_wait3A_176, %dma_wait3A_177] : memref<2x8x4096xf32, #tpu.memory_space<vmem>> -> memref<1x8x4096xf32, #tpu.memory_space<vmem>>
        %dma_wait3A_179 = tpu.memref_squeeze %dma_wait3A_178 : memref<1x8x4096xf32, #tpu.memory_space<vmem>> -> memref<8x4096xf32, #tpu.memory_space<vmem>>
        tpu.wait_dma2 semaphore(%dma_wait3A_173 : memref<!tpu.dma_semaphore, #tpu.memory_space<semaphore_mem>>) src(%dma_wait3A_179 : memref<8x4096xf32, #tpu.memory_space<vmem>>) dst(%dma_wait3A_175 : memref<8x4096xf32, #tpu.memory_space<hbm>>)
      } else {
      }
      %mul3A_72 = arith.constant 8 : i32
      %mul3A_73 = arith.muli %add3A_66, %mul3A_72 : i32
      %dma_start3A_74 = arith.constant 1 : i32
      %dma_start3A_75 = arith.constant 1 : i32
      %dma_start3A_76 = arith.constant 0 : i32
      %dma_start3A_77 = arith.constant 0 : i32
      %dma_start3A_78 = tpu.memref_slice %arg6[%dma_start3A_74, %dma_start3A_76, %dma_start3A_77] : memref<2x8x4096xf32, #tpu.memory_space<vmem>> -> memref<1x8x4096xf32, #tpu.memory_space<vmem>>
      %dma_start3A_79 = tpu.memref_squeeze %dma_start3A_78 : memref<1x8x4096xf32, #tpu.memory_space<vmem>> -> memref<8x4096xf32, #tpu.memory_space<vmem>>
      %dma_start3A_80 = tpu.memref_slice %arg5[%mul3A_73] : memref<192xi32, #tpu.memory_space<vmem>> -> memref<8xi32, #tpu.memory_space<vmem>>
      %dma_start3A_81 = arith.constant 0 : i32
      %dma_start3A_82 = arith.constant 0 : i32
      %dma_start3A_83 = tpu.memref_slice %arg3[%dma_start3A_81, %dma_start3A_82] : memref<2048x4096xf32, #tpu.memory_space<hbm>> -> memref<2048x4096xf32, #tpu.memory_space<hbm>>
      %dma_start3A_84 = tpu.memref_slice %arg7[%dma_start3A_75] : memref<2x!tpu.dma_semaphore, #tpu.memory_space<semaphore_mem>> -> memref<1x!tpu.dma_semaphore, #tpu.memory_space<semaphore_mem>>
      %dma_start3A_85 = tpu.memref_squeeze %dma_start3A_84 : memref<1x!tpu.dma_semaphore, #tpu.memory_space<semaphore_mem>> -> memref<!tpu.dma_semaphore, #tpu.memory_space<semaphore_mem>>
      tpu.enqueue_indirect_dma source(%dma_start3A_83 : memref<2048x4096xf32, #tpu.memory_space<hbm>>) target(%dma_start3A_79 : memref<8x4096xf32, #tpu.memory_space<vmem>>) offsets(%dma_start3A_80 : memref<8xi32, #tpu.memory_space<vmem>>) semaphore(%dma_start3A_85 : memref<!tpu.dma_semaphore, #tpu.memory_space<semaphore_mem>>)
      %mul3A_86 = arith.constant 2 : i32
      %mul3A_87 = arith.muli %scan3A_43, %mul3A_86 : i32
      %add3A_88 = arith.constant 0 : i32
      %add3A_89 = arith.addi %mul3A_87, %add3A_88 : i32
      %mul3A_90 = arith.constant 8 : i32
      %mul3A_91 = arith.muli %add3A_89, %mul3A_90 : i32
      %dma_wait3A_92 = arith.constant 0 : i32
      %dma_wait3A_93 = arith.constant 0 : i32
      %dma_wait3A_94 = arith.constant 0 : i32
      %dma_wait3A_95 = arith.constant 0 : i32
      %dma_wait3A_96 = tpu.memref_slice %arg6[%dma_wait3A_92, %dma_wait3A_94, %dma_wait3A_95] : memref<2x8x4096xf32, #tpu.memory_space<vmem>> -> memref<1x8x4096xf32, #tpu.memory_space<vmem>>
      %dma_wait3A_97 = tpu.memref_squeeze %dma_wait3A_96 : memref<1x8x4096xf32, #tpu.memory_space<vmem>> -> memref<8x4096xf32, #tpu.memory_space<vmem>>
      %dma_wait3A_98 = tpu.memref_slice %arg5[%mul3A_91] : memref<192xi32, #tpu.memory_space<vmem>> -> memref<8xi32, #tpu.memory_space<vmem>>
      %dma_wait3A_99 = arith.constant 0 : i32
      %dma_wait3A_100 = arith.constant 0 : i32
      %dma_wait3A_101 = tpu.memref_slice %arg3[%dma_wait3A_99, %dma_wait3A_100] : memref<2048x4096xf32, #tpu.memory_space<hbm>> -> memref<2048x4096xf32, #tpu.memory_space<hbm>>
      %dma_wait3A_102 = tpu.memref_slice %arg7[%dma_wait3A_93] : memref<2x!tpu.dma_semaphore, #tpu.memory_space<semaphore_mem>> -> memref<1x!tpu.dma_semaphore, #tpu.memory_space<semaphore_mem>>
      %dma_wait3A_103 = tpu.memref_squeeze %dma_wait3A_102 : memref<1x!tpu.dma_semaphore, #tpu.memory_space<semaphore_mem>> -> memref<!tpu.dma_semaphore, #tpu.memory_space<semaphore_mem>>
      tpu.wait_indirect_dma semaphore(%dma_wait3A_103 : memref<!tpu.dma_semaphore, #tpu.memory_space<semaphore_mem>>) src(%dma_wait3A_101 : memref<2048x4096xf32, #tpu.memory_space<hbm>>) dst(%dma_wait3A_97 : memref<8x4096xf32, #tpu.memory_space<vmem>>)
      %mul3A_104 = arith.constant 8 : i32
      %mul3A_105 = arith.muli %add3A_89, %mul3A_104 : i32
      %add3A_106 = arith.addi %mul3A_2, %mul3A_105 : i32
      %dma_start3A_107 = arith.constant 0 : i32
      %dma_start3A_108 = arith.constant 0 : i32
      %dma_start3A_109 = arith.constant 0 : i32
      %dma_start3A_110 = arith.constant 0 : i32
      %dma_start3A_111 = tpu.memref_slice %arg6[%dma_start3A_107, %dma_start3A_109, %dma_start3A_110] : memref<2x8x4096xf32, #tpu.memory_space<vmem>> -> memref<1x8x4096xf32, #tpu.memory_space<vmem>>
      %dma_start3A_112 = tpu.memref_squeeze %dma_start3A_111 : memref<1x8x4096xf32, #tpu.memory_space<vmem>> -> memref<8x4096xf32, #tpu.memory_space<vmem>>
      %dma_start3A_113 = arith.constant 0 : i32
      %dma_start3A_114 = tpu.memref_slice %arg4[%add3A_106, %dma_start3A_113] : memref<8192x4096xf32, #tpu.memory_space<hbm>> -> memref<8x4096xf32, #tpu.memory_space<hbm>>
      %dma_start3A_115 = tpu.memref_slice %arg8[%dma_start3A_108] : memref<2x!tpu.dma_semaphore, #tpu.memory_space<semaphore_mem>> -> memref<1x!tpu.dma_semaphore, #tpu.memory_space<semaphore_mem>>
      %dma_start3A_116 = tpu.memref_squeeze %dma_start3A_115 : memref<1x!tpu.dma_semaphore, #tpu.memory_space<semaphore_mem>> -> memref<!tpu.dma_semaphore, #tpu.memory_space<semaphore_mem>>
      %dma_start3A_117 = arith.constant 0 : i32
      %dma_start3A_118 = tpu.memref_slice %arg4[%add3A_106, %dma_start3A_117] : memref<8192x4096xf32, #tpu.memory_space<hbm>> -> memref<8x4096xf32, #tpu.memory_space<hbm>>
      %dma_start3A_119 = arith.constant 0 : i32
      %dma_start3A_120 = arith.constant 0 : i32
      %dma_start3A_121 = tpu.memref_slice %arg6[%dma_start3A_107, %dma_start3A_119, %dma_start3A_120] : memref<2x8x4096xf32, #tpu.memory_space<vmem>> -> memref<1x8x4096xf32, #tpu.memory_space<vmem>>
      %dma_start3A_122 = tpu.memref_squeeze %dma_start3A_121 : memref<1x8x4096xf32, #tpu.memory_space<vmem>> -> memref<8x4096xf32, #tpu.memory_space<vmem>>
      tpu.enqueue_dma source(%dma_start3A_122 : memref<8x4096xf32, #tpu.memory_space<vmem>>) target(%dma_start3A_118 : memref<8x4096xf32, #tpu.memory_space<hbm>>) target_semaphore(%dma_start3A_116 : memref<!tpu.dma_semaphore, #tpu.memory_space<semaphore_mem>>)
      %mul3A_123 = arith.constant 2 : i32
      %mul3A_124 = arith.muli %scan3A_43, %mul3A_123 : i32
      %add3A_125 = arith.constant 1 : i32
      %add3A_126 = arith.addi %mul3A_124, %add3A_125 : i32
      %mul3A_127 = arith.constant 8 : i32
      %mul3A_128 = arith.muli %add3A_126, %mul3A_127 : i32
      %dma_wait3A_129 = arith.constant 1 : i32
      %dma_wait3A_130 = arith.constant 1 : i32
      %dma_wait3A_131 = arith.constant 0 : i32
      %dma_wait3A_132 = arith.constant 0 : i32
      %dma_wait3A_133 = tpu.memref_slice %arg6[%dma_wait3A_129, %dma_wait3A_131, %dma_wait3A_132] : memref<2x8x4096xf32, #tpu.memory_space<vmem>> -> memref<1x8x4096xf32, #tpu.memory_space<vmem>>
      %dma_wait3A_134 = tpu.memref_squeeze %dma_wait3A_133 : memref<1x8x4096xf32, #tpu.memory_space<vmem>> -> memref<8x4096xf32, #tpu.memory_space<vmem>>
      %dma_wait3A_135 = tpu.memref_slice %arg5[%mul3A_128] : memref<192xi32, #tpu.memory_space<vmem>> -> memref<8xi32, #tpu.memory_space<vmem>>
      %dma_wait3A_136 = arith.constant 0 : i32
      %dma_wait3A_137 = arith.constant 0 : i32
      %dma_wait3A_138 = tpu.memref_slice %arg3[%dma_wait3A_136, %dma_wait3A_137] : memref<2048x4096xf32, #tpu.memory_space<hbm>> -> memref<2048x4096xf32, #tpu.memory_space<hbm>>
      %dma_wait3A_139 = tpu.memref_slice %arg7[%dma_wait3A_130] : memref<2x!tpu.dma_semaphore, #tpu.memory_space<semaphore_mem>> -> memref<1x!tpu.dma_semaphore, #tpu.memory_space<semaphore_mem>>
      %dma_wait3A_140 = tpu.memref_squeeze %dma_wait3A_139 : memref<1x!tpu.dma_semaphore, #tpu.memory_space<semaphore_mem>> -> memref<!tpu.dma_semaphore, #tpu.memory_space<semaphore_mem>>
      tpu.wait_indirect_dma semaphore(%dma_wait3A_140 : memref<!tpu.dma_semaphore, #tpu.memory_space<semaphore_mem>>) src(%dma_wait3A_138 : memref<2048x4096xf32, #tpu.memory_space<hbm>>) dst(%dma_wait3A_134 : memref<8x4096xf32, #tpu.memory_space<vmem>>)
      %mul3A_141 = arith.constant 8 : i32
      %mul3A_142 = arith.muli %add3A_126, %mul3A_141 : i32
      %add3A_143 = arith.addi %mul3A_2, %mul3A_142 : i32
      %dma_start3A_144 = arith.constant 1 : i32
      %dma_start3A_145 = arith.constant 1 : i32
      %dma_start3A_146 = arith.constant 0 : i32
      %dma_start3A_147 = arith.constant 0 : i32
      %dma_start3A_148 = tpu.memref_slice %arg6[%dma_start3A_144, %dma_start3A_146, %dma_start3A_147] : memref<2x8x4096xf32, #tpu.memory_space<vmem>> -> memref<1x8x4096xf32, #tpu.memory_space<vmem>>
      %dma_start3A_149 = tpu.memref_squeeze %dma_start3A_148 : memref<1x8x4096xf32, #tpu.memory_space<vmem>> -> memref<8x4096xf32, #tpu.memory_space<vmem>>
      %dma_start3A_150 = arith.constant 0 : i32
      %dma_start3A_151 = tpu.memref_slice %arg4[%add3A_143, %dma_start3A_150] : memref<8192x4096xf32, #tpu.memory_space<hbm>> -> memref<8x4096xf32, #tpu.memory_space<hbm>>
      %dma_start3A_152 = tpu.memref_slice %arg8[%dma_start3A_145] : memref<2x!tpu.dma_semaphore, #tpu.memory_space<semaphore_mem>> -> memref<1x!tpu.dma_semaphore, #tpu.memory_space<semaphore_mem>>
      %dma_start3A_153 = tpu.memref_squeeze %dma_start3A_152 : memref<1x!tpu.dma_semaphore, #tpu.memory_space<semaphore_mem>> -> memref<!tpu.dma_semaphore, #tpu.memory_space<semaphore_mem>>
      %dma_start3A_154 = arith.constant 0 : i32
      %dma_start3A_155 = tpu.memref_slice %arg4[%add3A_143, %dma_start3A_154] : memref<8192x4096xf32, #tpu.memory_space<hbm>> -> memref<8x4096xf32, #tpu.memory_space<hbm>>
      %dma_start3A_156 = arith.constant 0 : i32
      %dma_start3A_157 = arith.constant 0 : i32
      %dma_start3A_158 = tpu.memref_slice %arg6[%dma_start3A_144, %dma_start3A_156, %dma_start3A_157] : memref<2x8x4096xf32, #tpu.memory_space<vmem>> -> memref<1x8x4096xf32, #tpu.memory_space<vmem>>
      %dma_start3A_159 = tpu.memref_squeeze %dma_start3A_158 : memref<1x8x4096xf32, #tpu.memory_space<vmem>> -> memref<8x4096xf32, #tpu.memory_space<vmem>>
      tpu.enqueue_dma source(%dma_start3A_159 : memref<8x4096xf32, #tpu.memory_space<vmem>>) target(%dma_start3A_155 : memref<8x4096xf32, #tpu.memory_space<hbm>>) target_semaphore(%dma_start3A_153 : memref<!tpu.dma_semaphore, #tpu.memory_space<semaphore_mem>>)
    }
    %scan3A_7 = arith.constant 12 : i32
    %add3A_8 = arith.constant 176 : i32
    %add3A_9 = arith.addi %mul3A_2, %add3A_8 : i32
    %dma_wait3A = arith.constant 0 : i32
    %dma_wait3A_10 = arith.constant 0 : i32
    %dma_wait3A_11 = arith.constant 0 : i32
    %dma_wait3A_12 = arith.constant 0 : i32
    %dma_wait3A_13 = tpu.memref_slice %arg6[%dma_wait3A, %dma_wait3A_11, %dma_wait3A_12] : memref<2x8x4096xf32, #tpu.memory_space<vmem>> -> memref<1x8x4096xf32, #tpu.memory_space<vmem>>
    %dma_wait3A_14 = tpu.memref_squeeze %dma_wait3A_13 : memref<1x8x4096xf32, #tpu.memory_space<vmem>> -> memref<8x4096xf32, #tpu.memory_space<vmem>>
    %dma_wait3A_15 = arith.constant 0 : i32
    %dma_wait3A_16 = tpu.memref_slice %arg4[%add3A_9, %dma_wait3A_15] : memref<8192x4096xf32, #tpu.memory_space<hbm>> -> memref<8x4096xf32, #tpu.memory_space<hbm>>
    %dma_wait3A_17 = tpu.memref_slice %arg8[%dma_wait3A_10] : memref<2x!tpu.dma_semaphore, #tpu.memory_space<semaphore_mem>> -> memref<1x!tpu.dma_semaphore, #tpu.memory_space<semaphore_mem>>
    %dma_wait3A_18 = tpu.memref_squeeze %dma_wait3A_17 : memref<1x!tpu.dma_semaphore, #tpu.memory_space<semaphore_mem>> -> memref<!tpu.dma_semaphore, #tpu.memory_space<semaphore_mem>>
    %dma_wait3A_19 = arith.constant 0 : i32
    %dma_wait3A_20 = tpu.memref_slice %arg4[%add3A_9, %dma_wait3A_19] : memref<8192x4096xf32, #tpu.memory_space<hbm>> -> memref<8x4096xf32, #tpu.memory_space<hbm>>
    %dma_wait3A_21 = arith.constant 0 : i32
    %dma_wait3A_22 = arith.constant 0 : i32
    %dma_wait3A_23 = tpu.memref_slice %arg6[%dma_wait3A, %dma_wait3A_21, %dma_wait3A_22] : memref<2x8x4096xf32, #tpu.memory_space<vmem>> -> memref<1x8x4096xf32, #tpu.memory_space<vmem>>
    %dma_wait3A_24 = tpu.memref_squeeze %dma_wait3A_23 : memref<1x8x4096xf32, #tpu.memory_space<vmem>> -> memref<8x4096xf32, #tpu.memory_space<vmem>>
    tpu.wait_dma2 semaphore(%dma_wait3A_18 : memref<!tpu.dma_semaphore, #tpu.memory_space<semaphore_mem>>) src(%dma_wait3A_24 : memref<8x4096xf32, #tpu.memory_space<vmem>>) dst(%dma_wait3A_20 : memref<8x4096xf32, #tpu.memory_space<hbm>>)
    %add3A_25 = arith.constant 184 : i32
    %add3A_26 = arith.addi %mul3A_2, %add3A_25 : i32
    %dma_wait3A_27 = arith.constant 1 : i32
    %dma_wait3A_28 = arith.constant 1 : i32
    %dma_wait3A_29 = arith.constant 0 : i32
    %dma_wait3A_30 = arith.constant 0 : i32
    %dma_wait3A_31 = tpu.memref_slice %arg6[%dma_wait3A_27, %dma_wait3A_29, %dma_wait3A_30] : memref<2x8x4096xf32, #tpu.memory_space<vmem>> -> memref<1x8x4096xf32, #tpu.memory_space<vmem>>
    %dma_wait3A_32 = tpu.memref_squeeze %dma_wait3A_31 : memref<1x8x4096xf32, #tpu.memory_space<vmem>> -> memref<8x4096xf32, #tpu.memory_space<vmem>>
    %dma_wait3A_33 = arith.constant 0 : i32
    %dma_wait3A_34 = tpu.memref_slice %arg4[%add3A_26, %dma_wait3A_33] : memref<8192x4096xf32, #tpu.memory_space<hbm>> -> memref<8x4096xf32, #tpu.memory_space<hbm>>
    %dma_wait3A_35 = tpu.memref_slice %arg8[%dma_wait3A_28] : memref<2x!tpu.dma_semaphore, #tpu.memory_space<semaphore_mem>> -> memref<1x!tpu.dma_semaphore, #tpu.memory_space<semaphore_mem>>
    %dma_wait3A_36 = tpu.memref_squeeze %dma_wait3A_35 : memref<1x!tpu.dma_semaphore, #tpu.memory_space<semaphore_mem>> -> memref<!tpu.dma_semaphore, #tpu.memory_space<semaphore_mem>>
    %dma_wait3A_37 = arith.constant 0 : i32
    %dma_wait3A_38 = tpu.memref_slice %arg4[%add3A_26, %dma_wait3A_37] : memref<8192x4096xf32, #tpu.memory_space<hbm>> -> memref<8x4096xf32, #tpu.memory_space<hbm>>
    %dma_wait3A_39 = arith.constant 0 : i32
    %dma_wait3A_40 = arith.constant 0 : i32
    %dma_wait3A_41 = tpu.memref_slice %arg6[%dma_wait3A_27, %dma_wait3A_39, %dma_wait3A_40] : memref<2x8x4096xf32, #tpu.memory_space<vmem>> -> memref<1x8x4096xf32, #tpu.memory_space<vmem>>
    %dma_wait3A_42 = tpu.memref_squeeze %dma_wait3A_41 : memref<1x8x4096xf32, #tpu.memory_space<vmem>> -> memref<8x4096xf32, #tpu.memory_space<vmem>>
    tpu.wait_dma2 semaphore(%dma_wait3A_36 : memref<!tpu.dma_semaphore, #tpu.memory_space<semaphore_mem>>) src(%dma_wait3A_42 : memref<8x4096xf32, #tpu.memory_space<vmem>>) dst(%dma_wait3A_38 : memref<8x4096xf32, #tpu.memory_space<hbm>>)
    return
  }
  func.func @_scs_fn(%arg0: i32, %arg1: memref<8192xi32, #tpu.memory_space<hbm>>, %arg2: memref<2048x4096xf32, #tpu.memory_space<hbm>>, %arg3: memref<8192x4096xf32, #tpu.memory_space<hbm>>, %arg4: memref<192xi32, #tpu.memory_space<vmem, sc_vector_subcore>>, %arg5: memref<2x8x4096xf32, #tpu.memory_space<vmem, sc_vector_subcore>>, %arg6: memref<2x!tpu.dma_semaphore, #tpu.memory_space<semaphore_mem, sc_vector_subcore>>, %arg7: memref<2x!tpu.dma_semaphore, #tpu.memory_space<semaphore_mem, sc_vector_subcore>>, %arg8: memref<1024xi32, #tpu.memory_space<smem>>, %arg9: memref<8x8x4096xf32, #tpu.memory_space<vmem_shared>>, %arg10: memref<8x!tpu.dma_semaphore, #tpu.memory_space<semaphore_mem>>, %arg11: memref<8x!tpu.dma_semaphore, #tpu.memory_space<semaphore_mem>>) attributes {dimension_semantics = [#tpu.dimension_semantics<core_parallel>], iteration_bounds = array<i64: 2>, scalar_prefetch = 0 : i64, scratch_operands = 8 : i64, tpu.core_type = #tpu.core_type<sc_scalar_subcore>, window_params = [{transform_indices = #map2}, {transform_indices = #map3}, {transform_indices = #map3}]} {
    %mul3A = arith.constant 1024 : i32
    %mul3A_0 = arith.muli %arg0, %mul3A : i32
    %add3A = arith.constant 6144 : i32
    %add3A_1 = arith.addi %add3A, %mul3A_0 : i32
    "tpu.region"() ({
      %run_scoped3A = tpu.sem_alloc : memref<!tpu.dma_semaphore, #tpu.memory_space<semaphore_mem>>
      %dma_start3A = tpu.memref_slice %arg1[%add3A_1] : memref<8192xi32, #tpu.memory_space<hbm>> -> memref<1024xi32, #tpu.memory_space<hbm>>
      tpu.enqueue_dma source(%dma_start3A : memref<1024xi32, #tpu.memory_space<hbm>>) target(%arg8 : memref<1024xi32, #tpu.memory_space<smem>>) target_semaphore(%run_scoped3A : memref<!tpu.dma_semaphore, #tpu.memory_space<semaphore_mem>>)
      %dma_wait3A_102 = tpu.memref_slice %arg1[%add3A_1] : memref<8192xi32, #tpu.memory_space<hbm>> -> memref<1024xi32, #tpu.memory_space<hbm>>
      tpu.wait_dma2 semaphore(%run_scoped3A : memref<!tpu.dma_semaphore, #tpu.memory_space<semaphore_mem>>) src(%dma_wait3A_102 : memref<1024xi32, #tpu.memory_space<hbm>>) dst(%arg8 : memref<1024xi32, #tpu.memory_space<smem>>)
      tpu.yield
    }) : () -> ()
    %scan3A = arith.constant 0 : i32
    %scan3A_2 = arith.constant 0 : i32
    %scan3A_3 = arith.constant 16 : i32
    %scan3A_4 = arith.addi %scan3A_2, %scan3A_3 : i32
    %scan3A_5 = arith.constant 1 : i32
    scf.for %scan3A_102 = %scan3A_2 to %scan3A_4 step %scan3A_5  : i32 {
      %mul3A_103 = arith.constant 8 : i32
      %mul3A_104 = arith.muli %scan3A_102, %mul3A_103 : i32
      %mul3A_105 = arith.constant 8 : i32
      %mul3A_106 = arith.muli %mul3A_104, %mul3A_105 : i32
      %add3A_107 = arith.constant 0 : i32
      %add3A_108 = arith.addi %mul3A_106, %add3A_107 : i32
      %gt3A = arith.constant 0 : i32
      %gt3A_109 = arith.cmpi sgt, %scan3A_102, %gt3A : i32
      %convert_element_type3A = arith.extui %gt3A_109 : i1 to i32
      %cond3A = arith.constant 0 : i32
      %cond3A_110 = arith.cmpi ne, %convert_element_type3A, %cond3A : i32
      scf.if %cond3A_110 {
        %add3A_1306 = arith.addi %add3A_1, %add3A_108 : i32
        %sub3A = arith.constant 64 : i32
        %sub3A_1307 = arith.subi %add3A_1306, %sub3A : i32
        %dma_wait3A_1308 = arith.constant 0 : i32
        %dma_wait3A_1309 = arith.constant 0 : i32
        %dma_wait3A_1310 = tpu.memref_slice %arg11[%dma_wait3A_1309] : memref<8x!tpu.dma_semaphore, #tpu.memory_space<semaphore_mem>> -> memref<1x!tpu.dma_semaphore, #tpu.memory_space<semaphore_mem>>
        %dma_wait3A_1311 = tpu.memref_squeeze %dma_wait3A_1310 : memref<1x!tpu.dma_semaphore, #tpu.memory_space<semaphore_mem>> -> memref<!tpu.dma_semaphore, #tpu.memory_space<semaphore_mem>>
        %dma_wait3A_1312 = arith.constant 0 : i32
        %dma_wait3A_1313 = tpu.memref_slice %arg3[%sub3A_1307, %dma_wait3A_1312] : memref<8192x4096xf32, #tpu.memory_space<hbm>> -> memref<8x4096xf32, #tpu.memory_space<hbm>>
        %dma_wait3A_1314 = arith.constant 0 : i32
        %dma_wait3A_1315 = arith.constant 0 : i32
        %dma_wait3A_1316 = tpu.memref_slice %arg9[%dma_wait3A_1308, %dma_wait3A_1314, %dma_wait3A_1315] : memref<8x8x4096xf32, #tpu.memory_space<vmem_shared>> -> memref<1x8x4096xf32, #tpu.memory_space<vmem_shared>>
        %dma_wait3A_1317 = tpu.memref_squeeze %dma_wait3A_1316 : memref<1x8x4096xf32, #tpu.memory_space<vmem_shared>> -> memref<8x4096xf32, #tpu.memory_space<vmem_shared>>
        tpu.wait_dma2 semaphore(%dma_wait3A_1311 : memref<!tpu.dma_semaphore, #tpu.memory_space<semaphore_mem>>) src(%dma_wait3A_1317 : memref<8x4096xf32, #tpu.memory_space<vmem_shared>>) dst(%dma_wait3A_1313 : memref<8x4096xf32, #tpu.memory_space<hbm>>)
      } else {
      }
      %add3A_111 = arith.constant 0 : i32
      %add3A_112 = arith.addi %add3A_108, %add3A_111 : i32
      %get3A = arith.index_cast %add3A_112 : i32 to index
      %get3A_113 = memref.load %arg8[%get3A] : memref<1024xi32, #tpu.memory_space<smem>>
      %dma_start3A = arith.constant 0 : i32
      %dma_start3A_114 = arith.constant 0 : i32
      %dma_start3A_115 = tpu.memref_slice %arg10[%dma_start3A_114] : memref<8x!tpu.dma_semaphore, #tpu.memory_space<semaphore_mem>> -> memref<1x!tpu.dma_semaphore, #tpu.memory_space<semaphore_mem>>
      %dma_start3A_116 = tpu.memref_squeeze %dma_start3A_115 : memref<1x!tpu.dma_semaphore, #tpu.memory_space<semaphore_mem>> -> memref<!tpu.dma_semaphore, #tpu.memory_space<semaphore_mem>>
      %dma_start3A_117 = arith.constant 0 : i32
      %dma_start3A_118 = arith.constant 0 : i32
      %dma_start3A_119 = tpu.memref_slice %arg9[%dma_start3A, %dma_start3A_117, %dma_start3A_118] : memref<8x8x4096xf32, #tpu.memory_space<vmem_shared>> -> memref<1x1x4096xf32, #tpu.memory_space<vmem_shared>>
      %dma_start3A_120 = tpu.memref_squeeze %dma_start3A_119 : memref<1x1x4096xf32, #tpu.memory_space<vmem_shared>> -> memref<1x4096xf32, #tpu.memory_space<vmem_shared>>
      %dma_start3A_121 = arith.constant 0 : i32
      %dma_start3A_122 = tpu.memref_slice %arg2[%get3A_113, %dma_start3A_121] : memref<2048x4096xf32, #tpu.memory_space<hbm>> -> memref<1x4096xf32, #tpu.memory_space<hbm>>
      tpu.enqueue_dma source(%dma_start3A_122 : memref<1x4096xf32, #tpu.memory_space<hbm>>) target(%dma_start3A_120 : memref<1x4096xf32, #tpu.memory_space<vmem_shared>>) target_semaphore(%dma_start3A_116 : memref<!tpu.dma_semaphore, #tpu.memory_space<semaphore_mem>>)
      %add3A_123 = arith.constant 1 : i32
      %add3A_124 = arith.addi %add3A_108, %add3A_123 : i32
      %get3A_125 = arith.index_cast %add3A_124 : i32 to index
      %get3A_126 = memref.load %arg8[%get3A_125] : memref<1024xi32, #tpu.memory_space<smem>>
      %dma_start3A_127 = arith.constant 0 : i32
      %dma_start3A_128 = arith.constant 0 : i32
      %dma_start3A_129 = tpu.memref_slice %arg10[%dma_start3A_128] : memref<8x!tpu.dma_semaphore, #tpu.memory_space<semaphore_mem>> -> memref<1x!tpu.dma_semaphore, #tpu.memory_space<semaphore_mem>>
      %dma_start3A_130 = tpu.memref_squeeze %dma_start3A_129 : memref<1x!tpu.dma_semaphore, #tpu.memory_space<semaphore_mem>> -> memref<!tpu.dma_semaphore, #tpu.memory_space<semaphore_mem>>
      %dma_start3A_131 = arith.constant 1 : i32
      %dma_start3A_132 = arith.constant 0 : i32
      %dma_start3A_133 = tpu.memref_slice %arg9[%dma_start3A_127, %dma_start3A_131, %dma_start3A_132] : memref<8x8x4096xf32, #tpu.memory_space<vmem_shared>> -> memref<1x1x4096xf32, #tpu.memory_space<vmem_shared>>
      %dma_start3A_134 = tpu.memref_squeeze %dma_start3A_133 : memref<1x1x4096xf32, #tpu.memory_space<vmem_shared>> -> memref<1x4096xf32, #tpu.memory_space<vmem_shared>>
      %dma_start3A_135 = arith.constant 0 : i32
      %dma_start3A_136 = tpu.memref_slice %arg2[%get3A_126, %dma_start3A_135] : memref<2048x4096xf32, #tpu.memory_space<hbm>> -> memref<1x4096xf32, #tpu.memory_space<hbm>>
      tpu.enqueue_dma source(%dma_start3A_136 : memref<1x4096xf32, #tpu.memory_space<hbm>>) target(%dma_start3A_134 : memref<1x4096xf32, #tpu.memory_space<vmem_shared>>) target_semaphore(%dma_start3A_130 : memref<!tpu.dma_semaphore, #tpu.memory_space<semaphore_mem>>)
      %add3A_137 = arith.constant 2 : i32
      %add3A_138 = arith.addi %add3A_108, %add3A_137 : i32
      %get3A_139 = arith.index_cast %add3A_138 : i32 to index
      %get3A_140 = memref.load %arg8[%get3A_139] : memref<1024xi32, #tpu.memory_space<smem>>
      %dma_start3A_141 = arith.constant 0 : i32
      %dma_start3A_142 = arith.constant 0 : i32
      %dma_start3A_143 = tpu.memref_slice %arg10[%dma_start3A_142] : memref<8x!tpu.dma_semaphore, #tpu.memory_space<semaphore_mem>> -> memref<1x!tpu.dma_semaphore, #tpu.memory_space<semaphore_mem>>
      %dma_start3A_144 = tpu.memref_squeeze %dma_start3A_143 : memref<1x!tpu.dma_semaphore, #tpu.memory_space<semaphore_mem>> -> memref<!tpu.dma_semaphore, #tpu.memory_space<semaphore_mem>>
      %dma_start3A_145 = arith.constant 2 : i32
      %dma_start3A_146 = arith.constant 0 : i32
      %dma_start3A_147 = tpu.memref_slice %arg9[%dma_start3A_141, %dma_start3A_145, %dma_start3A_146] : memref<8x8x4096xf32, #tpu.memory_space<vmem_shared>> -> memref<1x1x4096xf32, #tpu.memory_space<vmem_shared>>
      %dma_start3A_148 = tpu.memref_squeeze %dma_start3A_147 : memref<1x1x4096xf32, #tpu.memory_space<vmem_shared>> -> memref<1x4096xf32, #tpu.memory_space<vmem_shared>>
      %dma_start3A_149 = arith.constant 0 : i32
      %dma_start3A_150 = tpu.memref_slice %arg2[%get3A_140, %dma_start3A_149] : memref<2048x4096xf32, #tpu.memory_space<hbm>> -> memref<1x4096xf32, #tpu.memory_space<hbm>>
      tpu.enqueue_dma source(%dma_start3A_150 : memref<1x4096xf32, #tpu.memory_space<hbm>>) target(%dma_start3A_148 : memref<1x4096xf32, #tpu.memory_space<vmem_shared>>) target_semaphore(%dma_start3A_144 : memref<!tpu.dma_semaphore, #tpu.memory_space<semaphore_mem>>)
      %add3A_151 = arith.constant 3 : i32
      %add3A_152 = arith.addi %add3A_108, %add3A_151 : i32
      %get3A_153 = arith.index_cast %add3A_152 : i32 to index
      %get3A_154 = memref.load %arg8[%get3A_153] : memref<1024xi32, #tpu.memory_space<smem>>
      %dma_start3A_155 = arith.constant 0 : i32
      %dma_start3A_156 = arith.constant 0 : i32
      %dma_start3A_157 = tpu.memref_slice %arg10[%dma_start3A_156] : memref<8x!tpu.dma_semaphore, #tpu.memory_space<semaphore_mem>> -> memref<1x!tpu.dma_semaphore, #tpu.memory_space<semaphore_mem>>
      %dma_start3A_158 = tpu.memref_squeeze %dma_start3A_157 : memref<1x!tpu.dma_semaphore, #tpu.memory_space<semaphore_mem>> -> memref<!tpu.dma_semaphore, #tpu.memory_space<semaphore_mem>>
      %dma_start3A_159 = arith.constant 3 : i32
      %dma_start3A_160 = arith.constant 0 : i32
      %dma_start3A_161 = tpu.memref_slice %arg9[%dma_start3A_155, %dma_start3A_159, %dma_start3A_160] : memref<8x8x4096xf32, #tpu.memory_space<vmem_shared>> -> memref<1x1x4096xf32, #tpu.memory_space<vmem_shared>>
      %dma_start3A_162 = tpu.memref_squeeze %dma_start3A_161 : memref<1x1x4096xf32, #tpu.memory_space<vmem_shared>> -> memref<1x4096xf32, #tpu.memory_space<vmem_shared>>
      %dma_start3A_163 = arith.constant 0 : i32
      %dma_start3A_164 = tpu.memref_slice %arg2[%get3A_154, %dma_start3A_163] : memref<2048x4096xf32, #tpu.memory_space<hbm>> -> memref<1x4096xf32, #tpu.memory_space<hbm>>
      tpu.enqueue_dma source(%dma_start3A_164 : memref<1x4096xf32, #tpu.memory_space<hbm>>) target(%dma_start3A_162 : memref<1x4096xf32, #tpu.memory_space<vmem_shared>>) target_semaphore(%dma_start3A_158 : memref<!tpu.dma_semaphore, #tpu.memory_space<semaphore_mem>>)
      %add3A_165 = arith.constant 4 : i32
      %add3A_166 = arith.addi %add3A_108, %add3A_165 : i32
      %get3A_167 = arith.index_cast %add3A_166 : i32 to index
      %get3A_168 = memref.load %arg8[%get3A_167] : memref<1024xi32, #tpu.memory_space<smem>>
      %dma_start3A_169 = arith.constant 0 : i32
      %dma_start3A_170 = arith.constant 0 : i32
      %dma_start3A_171 = tpu.memref_slice %arg10[%dma_start3A_170] : memref<8x!tpu.dma_semaphore, #tpu.memory_space<semaphore_mem>> -> memref<1x!tpu.dma_semaphore, #tpu.memory_space<semaphore_mem>>
      %dma_start3A_172 = tpu.memref_squeeze %dma_start3A_171 : memref<1x!tpu.dma_semaphore, #tpu.memory_space<semaphore_mem>> -> memref<!tpu.dma_semaphore, #tpu.memory_space<semaphore_mem>>
      %dma_start3A_173 = arith.constant 4 : i32
      %dma_start3A_174 = arith.constant 0 : i32
      %dma_start3A_175 = tpu.memref_slice %arg9[%dma_start3A_169, %dma_start3A_173, %dma_start3A_174] : memref<8x8x4096xf32, #tpu.memory_space<vmem_shared>> -> memref<1x1x4096xf32, #tpu.memory_space<vmem_shared>>
      %dma_start3A_176 = tpu.memref_squeeze %dma_start3A_175 : memref<1x1x4096xf32, #tpu.memory_space<vmem_shared>> -> memref<1x4096xf32, #tpu.memory_space<vmem_shared>>
      %dma_start3A_177 = arith.constant 0 : i32
      %dma_start3A_178 = tpu.memref_slice %arg2[%get3A_168, %dma_start3A_177] : memref<2048x4096xf32, #tpu.memory_space<hbm>> -> memref<1x4096xf32, #tpu.memory_space<hbm>>
      tpu.enqueue_dma source(%dma_start3A_178 : memref<1x4096xf32, #tpu.memory_space<hbm>>) target(%dma_start3A_176 : memref<1x4096xf32, #tpu.memory_space<vmem_shared>>) target_semaphore(%dma_start3A_172 : memref<!tpu.dma_semaphore, #tpu.memory_space<semaphore_mem>>)
      %add3A_179 = arith.constant 5 : i32
      %add3A_180 = arith.addi %add3A_108, %add3A_179 : i32
      %get3A_181 = arith.index_cast %add3A_180 : i32 to index
      %get3A_182 = memref.load %arg8[%get3A_181] : memref<1024xi32, #tpu.memory_space<smem>>
      %dma_start3A_183 = arith.constant 0 : i32
      %dma_start3A_184 = arith.constant 0 : i32
      %dma_start3A_185 = tpu.memref_slice %arg10[%dma_start3A_184] : memref<8x!tpu.dma_semaphore, #tpu.memory_space<semaphore_mem>> -> memref<1x!tpu.dma_semaphore, #tpu.memory_space<semaphore_mem>>
      %dma_start3A_186 = tpu.memref_squeeze %dma_start3A_185 : memref<1x!tpu.dma_semaphore, #tpu.memory_space<semaphore_mem>> -> memref<!tpu.dma_semaphore, #tpu.memory_space<semaphore_mem>>
      %dma_start3A_187 = arith.constant 5 : i32
      %dma_start3A_188 = arith.constant 0 : i32
      %dma_start3A_189 = tpu.memref_slice %arg9[%dma_start3A_183, %dma_start3A_187, %dma_start3A_188] : memref<8x8x4096xf32, #tpu.memory_space<vmem_shared>> -> memref<1x1x4096xf32, #tpu.memory_space<vmem_shared>>
      %dma_start3A_190 = tpu.memref_squeeze %dma_start3A_189 : memref<1x1x4096xf32, #tpu.memory_space<vmem_shared>> -> memref<1x4096xf32, #tpu.memory_space<vmem_shared>>
      %dma_start3A_191 = arith.constant 0 : i32
      %dma_start3A_192 = tpu.memref_slice %arg2[%get3A_182, %dma_start3A_191] : memref<2048x4096xf32, #tpu.memory_space<hbm>> -> memref<1x4096xf32, #tpu.memory_space<hbm>>
      tpu.enqueue_dma source(%dma_start3A_192 : memref<1x4096xf32, #tpu.memory_space<hbm>>) target(%dma_start3A_190 : memref<1x4096xf32, #tpu.memory_space<vmem_shared>>) target_semaphore(%dma_start3A_186 : memref<!tpu.dma_semaphore, #tpu.memory_space<semaphore_mem>>)
      %add3A_193 = arith.constant 6 : i32
      %add3A_194 = arith.addi %add3A_108, %add3A_193 : i32
      %get3A_195 = arith.index_cast %add3A_194 : i32 to index
      %get3A_196 = memref.load %arg8[%get3A_195] : memref<1024xi32, #tpu.memory_space<smem>>
      %dma_start3A_197 = arith.constant 0 : i32
      %dma_start3A_198 = arith.constant 0 : i32
      %dma_start3A_199 = tpu.memref_slice %arg10[%dma_start3A_198] : memref<8x!tpu.dma_semaphore, #tpu.memory_space<semaphore_mem>> -> memref<1x!tpu.dma_semaphore, #tpu.memory_space<semaphore_mem>>
      %dma_start3A_200 = tpu.memref_squeeze %dma_start3A_199 : memref<1x!tpu.dma_semaphore, #tpu.memory_space<semaphore_mem>> -> memref<!tpu.dma_semaphore, #tpu.memory_space<semaphore_mem>>
      %dma_start3A_201 = arith.constant 6 : i32
      %dma_start3A_202 = arith.constant 0 : i32
      %dma_start3A_203 = tpu.memref_slice %arg9[%dma_start3A_197, %dma_start3A_201, %dma_start3A_202] : memref<8x8x4096xf32, #tpu.memory_space<vmem_shared>> -> memref<1x1x4096xf32, #tpu.memory_space<vmem_shared>>
      %dma_start3A_204 = tpu.memref_squeeze %dma_start3A_203 : memref<1x1x4096xf32, #tpu.memory_space<vmem_shared>> -> memref<1x4096xf32, #tpu.memory_space<vmem_shared>>
      %dma_start3A_205 = arith.constant 0 : i32
      %dma_start3A_206 = tpu.memref_slice %arg2[%get3A_196, %dma_start3A_205] : memref<2048x4096xf32, #tpu.memory_space<hbm>> -> memref<1x4096xf32, #tpu.memory_space<hbm>>
      tpu.enqueue_dma source(%dma_start3A_206 : memref<1x4096xf32, #tpu.memory_space<hbm>>) target(%dma_start3A_204 : memref<1x4096xf32, #tpu.memory_space<vmem_shared>>) target_semaphore(%dma_start3A_200 : memref<!tpu.dma_semaphore, #tpu.memory_space<semaphore_mem>>)
      %add3A_207 = arith.constant 7 : i32
      %add3A_208 = arith.addi %add3A_108, %add3A_207 : i32
      %get3A_209 = arith.index_cast %add3A_208 : i32 to index
      %get3A_210 = memref.load %arg8[%get3A_209] : memref<1024xi32, #tpu.memory_space<smem>>
      %dma_start3A_211 = arith.constant 0 : i32
      %dma_start3A_212 = arith.constant 0 : i32
      %dma_start3A_213 = tpu.memref_slice %arg10[%dma_start3A_212] : memref<8x!tpu.dma_semaphore, #tpu.memory_space<semaphore_mem>> -> memref<1x!tpu.dma_semaphore, #tpu.memory_space<semaphore_mem>>
      %dma_start3A_214 = tpu.memref_squeeze %dma_start3A_213 : memref<1x!tpu.dma_semaphore, #tpu.memory_space<semaphore_mem>> -> memref<!tpu.dma_semaphore, #tpu.memory_space<semaphore_mem>>
      %dma_start3A_215 = arith.constant 7 : i32
      %dma_start3A_216 = arith.constant 0 : i32
      %dma_start3A_217 = tpu.memref_slice %arg9[%dma_start3A_211, %dma_start3A_215, %dma_start3A_216] : memref<8x8x4096xf32, #tpu.memory_space<vmem_shared>> -> memref<1x1x4096xf32, #tpu.memory_space<vmem_shared>>
      %dma_start3A_218 = tpu.memref_squeeze %dma_start3A_217 : memref<1x1x4096xf32, #tpu.memory_space<vmem_shared>> -> memref<1x4096xf32, #tpu.memory_space<vmem_shared>>
      %dma_start3A_219 = arith.constant 0 : i32
      %dma_start3A_220 = tpu.memref_slice %arg2[%get3A_210, %dma_start3A_219] : memref<2048x4096xf32, #tpu.memory_space<hbm>> -> memref<1x4096xf32, #tpu.memory_space<hbm>>
      tpu.enqueue_dma source(%dma_start3A_220 : memref<1x4096xf32, #tpu.memory_space<hbm>>) target(%dma_start3A_218 : memref<1x4096xf32, #tpu.memory_space<vmem_shared>>) target_semaphore(%dma_start3A_214 : memref<!tpu.dma_semaphore, #tpu.memory_space<semaphore_mem>>)
      %mul3A_221 = arith.constant 8 : i32
      %mul3A_222 = arith.muli %scan3A_102, %mul3A_221 : i32
      %mul3A_223 = arith.constant 8 : i32
      %mul3A_224 = arith.muli %mul3A_222, %mul3A_223 : i32
      %add3A_225 = arith.constant 8 : i32
      %add3A_226 = arith.addi %mul3A_224, %add3A_225 : i32
      %gt3A_227 = arith.constant 0 : i32
      %gt3A_228 = arith.cmpi sgt, %scan3A_102, %gt3A_227 : i32
      %convert_element_type3A_229 = arith.extui %gt3A_228 : i1 to i32
      %cond3A_230 = arith.constant 0 : i32
      %cond3A_231 = arith.cmpi ne, %convert_element_type3A_229, %cond3A_230 : i32
      scf.if %cond3A_231 {
        %add3A_1306 = arith.addi %add3A_1, %add3A_226 : i32
        %sub3A = arith.constant 64 : i32
        %sub3A_1307 = arith.subi %add3A_1306, %sub3A : i32
        %dma_wait3A_1308 = arith.constant 1 : i32
        %dma_wait3A_1309 = arith.constant 1 : i32
        %dma_wait3A_1310 = tpu.memref_slice %arg11[%dma_wait3A_1309] : memref<8x!tpu.dma_semaphore, #tpu.memory_space<semaphore_mem>> -> memref<1x!tpu.dma_semaphore, #tpu.memory_space<semaphore_mem>>
        %dma_wait3A_1311 = tpu.memref_squeeze %dma_wait3A_1310 : memref<1x!tpu.dma_semaphore, #tpu.memory_space<semaphore_mem>> -> memref<!tpu.dma_semaphore, #tpu.memory_space<semaphore_mem>>
        %dma_wait3A_1312 = arith.constant 0 : i32
        %dma_wait3A_1313 = tpu.memref_slice %arg3[%sub3A_1307, %dma_wait3A_1312] : memref<8192x4096xf32, #tpu.memory_space<hbm>> -> memref<8x4096xf32, #tpu.memory_space<hbm>>
        %dma_wait3A_1314 = arith.constant 0 : i32
        %dma_wait3A_1315 = arith.constant 0 : i32
        %dma_wait3A_1316 = tpu.memref_slice %arg9[%dma_wait3A_1308, %dma_wait3A_1314, %dma_wait3A_1315] : memref<8x8x4096xf32, #tpu.memory_space<vmem_shared>> -> memref<1x8x4096xf32, #tpu.memory_space<vmem_shared>>
        %dma_wait3A_1317 = tpu.memref_squeeze %dma_wait3A_1316 : memref<1x8x4096xf32, #tpu.memory_space<vmem_shared>> -> memref<8x4096xf32, #tpu.memory_space<vmem_shared>>
        tpu.wait_dma2 semaphore(%dma_wait3A_1311 : memref<!tpu.dma_semaphore, #tpu.memory_space<semaphore_mem>>) src(%dma_wait3A_1317 : memref<8x4096xf32, #tpu.memory_space<vmem_shared>>) dst(%dma_wait3A_1313 : memref<8x4096xf32, #tpu.memory_space<hbm>>)
      } else {
      }
      %add3A_232 = arith.constant 0 : i32
      %add3A_233 = arith.addi %add3A_226, %add3A_232 : i32
      %get3A_234 = arith.index_cast %add3A_233 : i32 to index
      %get3A_235 = memref.load %arg8[%get3A_234] : memref<1024xi32, #tpu.memory_space<smem>>
      %dma_start3A_236 = arith.constant 1 : i32
      %dma_start3A_237 = arith.constant 1 : i32
      %dma_start3A_238 = tpu.memref_slice %arg10[%dma_start3A_237] : memref<8x!tpu.dma_semaphore, #tpu.memory_space<semaphore_mem>> -> memref<1x!tpu.dma_semaphore, #tpu.memory_space<semaphore_mem>>
      %dma_start3A_239 = tpu.memref_squeeze %dma_start3A_238 : memref<1x!tpu.dma_semaphore, #tpu.memory_space<semaphore_mem>> -> memref<!tpu.dma_semaphore, #tpu.memory_space<semaphore_mem>>
      %dma_start3A_240 = arith.constant 0 : i32
      %dma_start3A_241 = arith.constant 0 : i32
      %dma_start3A_242 = tpu.memref_slice %arg9[%dma_start3A_236, %dma_start3A_240, %dma_start3A_241] : memref<8x8x4096xf32, #tpu.memory_space<vmem_shared>> -> memref<1x1x4096xf32, #tpu.memory_space<vmem_shared>>
      %dma_start3A_243 = tpu.memref_squeeze %dma_start3A_242 : memref<1x1x4096xf32, #tpu.memory_space<vmem_shared>> -> memref<1x4096xf32, #tpu.memory_space<vmem_shared>>
      %dma_start3A_244 = arith.constant 0 : i32
      %dma_start3A_245 = tpu.memref_slice %arg2[%get3A_235, %dma_start3A_244] : memref<2048x4096xf32, #tpu.memory_space<hbm>> -> memref<1x4096xf32, #tpu.memory_space<hbm>>
      tpu.enqueue_dma source(%dma_start3A_245 : memref<1x4096xf32, #tpu.memory_space<hbm>>) target(%dma_start3A_243 : memref<1x4096xf32, #tpu.memory_space<vmem_shared>>) target_semaphore(%dma_start3A_239 : memref<!tpu.dma_semaphore, #tpu.memory_space<semaphore_mem>>)
      %add3A_246 = arith.constant 1 : i32
      %add3A_247 = arith.addi %add3A_226, %add3A_246 : i32
      %get3A_248 = arith.index_cast %add3A_247 : i32 to index
      %get3A_249 = memref.load %arg8[%get3A_248] : memref<1024xi32, #tpu.memory_space<smem>>
      %dma_start3A_250 = arith.constant 1 : i32
      %dma_start3A_251 = arith.constant 1 : i32
      %dma_start3A_252 = tpu.memref_slice %arg10[%dma_start3A_251] : memref<8x!tpu.dma_semaphore, #tpu.memory_space<semaphore_mem>> -> memref<1x!tpu.dma_semaphore, #tpu.memory_space<semaphore_mem>>
      %dma_start3A_253 = tpu.memref_squeeze %dma_start3A_252 : memref<1x!tpu.dma_semaphore, #tpu.memory_space<semaphore_mem>> -> memref<!tpu.dma_semaphore, #tpu.memory_space<semaphore_mem>>
      %dma_start3A_254 = arith.constant 1 : i32
      %dma_start3A_255 = arith.constant 0 : i32
      %dma_start3A_256 = tpu.memref_slice %arg9[%dma_start3A_250, %dma_start3A_254, %dma_start3A_255] : memref<8x8x4096xf32, #tpu.memory_space<vmem_shared>> -> memref<1x1x4096xf32, #tpu.memory_space<vmem_shared>>
      %dma_start3A_257 = tpu.memref_squeeze %dma_start3A_256 : memref<1x1x4096xf32, #tpu.memory_space<vmem_shared>> -> memref<1x4096xf32, #tpu.memory_space<vmem_shared>>
      %dma_start3A_258 = arith.constant 0 : i32
      %dma_start3A_259 = tpu.memref_slice %arg2[%get3A_249, %dma_start3A_258] : memref<2048x4096xf32, #tpu.memory_space<hbm>> -> memref<1x4096xf32, #tpu.memory_space<hbm>>
      tpu.enqueue_dma source(%dma_start3A_259 : memref<1x4096xf32, #tpu.memory_space<hbm>>) target(%dma_start3A_257 : memref<1x4096xf32, #tpu.memory_space<vmem_shared>>) target_semaphore(%dma_start3A_253 : memref<!tpu.dma_semaphore, #tpu.memory_space<semaphore_mem>>)
      %add3A_260 = arith.constant 2 : i32
      %add3A_261 = arith.addi %add3A_226, %add3A_260 : i32
      %get3A_262 = arith.index_cast %add3A_261 : i32 to index
      %get3A_263 = memref.load %arg8[%get3A_262] : memref<1024xi32, #tpu.memory_space<smem>>
      %dma_start3A_264 = arith.constant 1 : i32
      %dma_start3A_265 = arith.constant 1 : i32
      %dma_start3A_266 = tpu.memref_slice %arg10[%dma_start3A_265] : memref<8x!tpu.dma_semaphore, #tpu.memory_space<semaphore_mem>> -> memref<1x!tpu.dma_semaphore, #tpu.memory_space<semaphore_mem>>
      %dma_start3A_267 = tpu.memref_squeeze %dma_start3A_266 : memref<1x!tpu.dma_semaphore, #tpu.memory_space<semaphore_mem>> -> memref<!tpu.dma_semaphore, #tpu.memory_space<semaphore_mem>>
      %dma_start3A_268 = arith.constant 2 : i32
      %dma_start3A_269 = arith.constant 0 : i32
      %dma_start3A_270 = tpu.memref_slice %arg9[%dma_start3A_264, %dma_start3A_268, %dma_start3A_269] : memref<8x8x4096xf32, #tpu.memory_space<vmem_shared>> -> memref<1x1x4096xf32, #tpu.memory_space<vmem_shared>>
      %dma_start3A_271 = tpu.memref_squeeze %dma_start3A_270 : memref<1x1x4096xf32, #tpu.memory_space<vmem_shared>> -> memref<1x4096xf32, #tpu.memory_space<vmem_shared>>
      %dma_start3A_272 = arith.constant 0 : i32
      %dma_start3A_273 = tpu.memref_slice %arg2[%get3A_263, %dma_start3A_272] : memref<2048x4096xf32, #tpu.memory_space<hbm>> -> memref<1x4096xf32, #tpu.memory_space<hbm>>
      tpu.enqueue_dma source(%dma_start3A_273 : memref<1x4096xf32, #tpu.memory_space<hbm>>) target(%dma_start3A_271 : memref<1x4096xf32, #tpu.memory_space<vmem_shared>>) target_semaphore(%dma_start3A_267 : memref<!tpu.dma_semaphore, #tpu.memory_space<semaphore_mem>>)
      %add3A_274 = arith.constant 3 : i32
      %add3A_275 = arith.addi %add3A_226, %add3A_274 : i32
      %get3A_276 = arith.index_cast %add3A_275 : i32 to index
      %get3A_277 = memref.load %arg8[%get3A_276] : memref<1024xi32, #tpu.memory_space<smem>>
      %dma_start3A_278 = arith.constant 1 : i32
      %dma_start3A_279 = arith.constant 1 : i32
      %dma_start3A_280 = tpu.memref_slice %arg10[%dma_start3A_279] : memref<8x!tpu.dma_semaphore, #tpu.memory_space<semaphore_mem>> -> memref<1x!tpu.dma_semaphore, #tpu.memory_space<semaphore_mem>>
      %dma_start3A_281 = tpu.memref_squeeze %dma_start3A_280 : memref<1x!tpu.dma_semaphore, #tpu.memory_space<semaphore_mem>> -> memref<!tpu.dma_semaphore, #tpu.memory_space<semaphore_mem>>
      %dma_start3A_282 = arith.constant 3 : i32
      %dma_start3A_283 = arith.constant 0 : i32
      %dma_start3A_284 = tpu.memref_slice %arg9[%dma_start3A_278, %dma_start3A_282, %dma_start3A_283] : memref<8x8x4096xf32, #tpu.memory_space<vmem_shared>> -> memref<1x1x4096xf32, #tpu.memory_space<vmem_shared>>
      %dma_start3A_285 = tpu.memref_squeeze %dma_start3A_284 : memref<1x1x4096xf32, #tpu.memory_space<vmem_shared>> -> memref<1x4096xf32, #tpu.memory_space<vmem_shared>>
      %dma_start3A_286 = arith.constant 0 : i32
      %dma_start3A_287 = tpu.memref_slice %arg2[%get3A_277, %dma_start3A_286] : memref<2048x4096xf32, #tpu.memory_space<hbm>> -> memref<1x4096xf32, #tpu.memory_space<hbm>>
      tpu.enqueue_dma source(%dma_start3A_287 : memref<1x4096xf32, #tpu.memory_space<hbm>>) target(%dma_start3A_285 : memref<1x4096xf32, #tpu.memory_space<vmem_shared>>) target_semaphore(%dma_start3A_281 : memref<!tpu.dma_semaphore, #tpu.memory_space<semaphore_mem>>)
      %add3A_288 = arith.constant 4 : i32
      %add3A_289 = arith.addi %add3A_226, %add3A_288 : i32
      %get3A_290 = arith.index_cast %add3A_289 : i32 to index
      %get3A_291 = memref.load %arg8[%get3A_290] : memref<1024xi32, #tpu.memory_space<smem>>
      %dma_start3A_292 = arith.constant 1 : i32
      %dma_start3A_293 = arith.constant 1 : i32
      %dma_start3A_294 = tpu.memref_slice %arg10[%dma_start3A_293] : memref<8x!tpu.dma_semaphore, #tpu.memory_space<semaphore_mem>> -> memref<1x!tpu.dma_semaphore, #tpu.memory_space<semaphore_mem>>
      %dma_start3A_295 = tpu.memref_squeeze %dma_start3A_294 : memref<1x!tpu.dma_semaphore, #tpu.memory_space<semaphore_mem>> -> memref<!tpu.dma_semaphore, #tpu.memory_space<semaphore_mem>>
      %dma_start3A_296 = arith.constant 4 : i32
      %dma_start3A_297 = arith.constant 0 : i32
      %dma_start3A_298 = tpu.memref_slice %arg9[%dma_start3A_292, %dma_start3A_296, %dma_start3A_297] : memref<8x8x4096xf32, #tpu.memory_space<vmem_shared>> -> memref<1x1x4096xf32, #tpu.memory_space<vmem_shared>>
      %dma_start3A_299 = tpu.memref_squeeze %dma_start3A_298 : memref<1x1x4096xf32, #tpu.memory_space<vmem_shared>> -> memref<1x4096xf32, #tpu.memory_space<vmem_shared>>
      %dma_start3A_300 = arith.constant 0 : i32
      %dma_start3A_301 = tpu.memref_slice %arg2[%get3A_291, %dma_start3A_300] : memref<2048x4096xf32, #tpu.memory_space<hbm>> -> memref<1x4096xf32, #tpu.memory_space<hbm>>
      tpu.enqueue_dma source(%dma_start3A_301 : memref<1x4096xf32, #tpu.memory_space<hbm>>) target(%dma_start3A_299 : memref<1x4096xf32, #tpu.memory_space<vmem_shared>>) target_semaphore(%dma_start3A_295 : memref<!tpu.dma_semaphore, #tpu.memory_space<semaphore_mem>>)
      %add3A_302 = arith.constant 5 : i32
      %add3A_303 = arith.addi %add3A_226, %add3A_302 : i32
      %get3A_304 = arith.index_cast %add3A_303 : i32 to index
      %get3A_305 = memref.load %arg8[%get3A_304] : memref<1024xi32, #tpu.memory_space<smem>>
      %dma_start3A_306 = arith.constant 1 : i32
      %dma_start3A_307 = arith.constant 1 : i32
      %dma_start3A_308 = tpu.memref_slice %arg10[%dma_start3A_307] : memref<8x!tpu.dma_semaphore, #tpu.memory_space<semaphore_mem>> -> memref<1x!tpu.dma_semaphore, #tpu.memory_space<semaphore_mem>>
      %dma_start3A_309 = tpu.memref_squeeze %dma_start3A_308 : memref<1x!tpu.dma_semaphore, #tpu.memory_space<semaphore_mem>> -> memref<!tpu.dma_semaphore, #tpu.memory_space<semaphore_mem>>
      %dma_start3A_310 = arith.constant 5 : i32
      %dma_start3A_311 = arith.constant 0 : i32
      %dma_start3A_312 = tpu.memref_slice %arg9[%dma_start3A_306, %dma_start3A_310, %dma_start3A_311] : memref<8x8x4096xf32, #tpu.memory_space<vmem_shared>> -> memref<1x1x4096xf32, #tpu.memory_space<vmem_shared>>
      %dma_start3A_313 = tpu.memref_squeeze %dma_start3A_312 : memref<1x1x4096xf32, #tpu.memory_space<vmem_shared>> -> memref<1x4096xf32, #tpu.memory_space<vmem_shared>>
      %dma_start3A_314 = arith.constant 0 : i32
      %dma_start3A_315 = tpu.memref_slice %arg2[%get3A_305, %dma_start3A_314] : memref<2048x4096xf32, #tpu.memory_space<hbm>> -> memref<1x4096xf32, #tpu.memory_space<hbm>>
      tpu.enqueue_dma source(%dma_start3A_315 : memref<1x4096xf32, #tpu.memory_space<hbm>>) target(%dma_start3A_313 : memref<1x4096xf32, #tpu.memory_space<vmem_shared>>) target_semaphore(%dma_start3A_309 : memref<!tpu.dma_semaphore, #tpu.memory_space<semaphore_mem>>)
      %add3A_316 = arith.constant 6 : i32
      %add3A_317 = arith.addi %add3A_226, %add3A_316 : i32
      %get3A_318 = arith.index_cast %add3A_317 : i32 to index
      %get3A_319 = memref.load %arg8[%get3A_318] : memref<1024xi32, #tpu.memory_space<smem>>
      %dma_start3A_320 = arith.constant 1 : i32
      %dma_start3A_321 = arith.constant 1 : i32
      %dma_start3A_322 = tpu.memref_slice %arg10[%dma_start3A_321] : memref<8x!tpu.dma_semaphore, #tpu.memory_space<semaphore_mem>> -> memref<1x!tpu.dma_semaphore, #tpu.memory_space<semaphore_mem>>
      %dma_start3A_323 = tpu.memref_squeeze %dma_start3A_322 : memref<1x!tpu.dma_semaphore, #tpu.memory_space<semaphore_mem>> -> memref<!tpu.dma_semaphore, #tpu.memory_space<semaphore_mem>>
      %dma_start3A_324 = arith.constant 6 : i32
      %dma_start3A_325 = arith.constant 0 : i32
      %dma_start3A_326 = tpu.memref_slice %arg9[%dma_start3A_320, %dma_start3A_324, %dma_start3A_325] : memref<8x8x4096xf32, #tpu.memory_space<vmem_shared>> -> memref<1x1x4096xf32, #tpu.memory_space<vmem_shared>>
      %dma_start3A_327 = tpu.memref_squeeze %dma_start3A_326 : memref<1x1x4096xf32, #tpu.memory_space<vmem_shared>> -> memref<1x4096xf32, #tpu.memory_space<vmem_shared>>
      %dma_start3A_328 = arith.constant 0 : i32
      %dma_start3A_329 = tpu.memref_slice %arg2[%get3A_319, %dma_start3A_328] : memref<2048x4096xf32, #tpu.memory_space<hbm>> -> memref<1x4096xf32, #tpu.memory_space<hbm>>
      tpu.enqueue_dma source(%dma_start3A_329 : memref<1x4096xf32, #tpu.memory_space<hbm>>) target(%dma_start3A_327 : memref<1x4096xf32, #tpu.memory_space<vmem_shared>>) target_semaphore(%dma_start3A_323 : memref<!tpu.dma_semaphore, #tpu.memory_space<semaphore_mem>>)
      %add3A_330 = arith.constant 7 : i32
      %add3A_331 = arith.addi %add3A_226, %add3A_330 : i32
      %get3A_332 = arith.index_cast %add3A_331 : i32 to index
      %get3A_333 = memref.load %arg8[%get3A_332] : memref<1024xi32, #tpu.memory_space<smem>>
      %dma_start3A_334 = arith.constant 1 : i32
      %dma_start3A_335 = arith.constant 1 : i32
      %dma_start3A_336 = tpu.memref_slice %arg10[%dma_start3A_335] : memref<8x!tpu.dma_semaphore, #tpu.memory_space<semaphore_mem>> -> memref<1x!tpu.dma_semaphore, #tpu.memory_space<semaphore_mem>>
      %dma_start3A_337 = tpu.memref_squeeze %dma_start3A_336 : memref<1x!tpu.dma_semaphore, #tpu.memory_space<semaphore_mem>> -> memref<!tpu.dma_semaphore, #tpu.memory_space<semaphore_mem>>
      %dma_start3A_338 = arith.constant 7 : i32
      %dma_start3A_339 = arith.constant 0 : i32
      %dma_start3A_340 = tpu.memref_slice %arg9[%dma_start3A_334, %dma_start3A_338, %dma_start3A_339] : memref<8x8x4096xf32, #tpu.memory_space<vmem_shared>> -> memref<1x1x4096xf32, #tpu.memory_space<vmem_shared>>
      %dma_start3A_341 = tpu.memref_squeeze %dma_start3A_340 : memref<1x1x4096xf32, #tpu.memory_space<vmem_shared>> -> memref<1x4096xf32, #tpu.memory_space<vmem_shared>>
      %dma_start3A_342 = arith.constant 0 : i32
      %dma_start3A_343 = tpu.memref_slice %arg2[%get3A_333, %dma_start3A_342] : memref<2048x4096xf32, #tpu.memory_space<hbm>> -> memref<1x4096xf32, #tpu.memory_space<hbm>>
      tpu.enqueue_dma source(%dma_start3A_343 : memref<1x4096xf32, #tpu.memory_space<hbm>>) target(%dma_start3A_341 : memref<1x4096xf32, #tpu.memory_space<vmem_shared>>) target_semaphore(%dma_start3A_337 : memref<!tpu.dma_semaphore, #tpu.memory_space<semaphore_mem>>)
      %mul3A_344 = arith.constant 8 : i32
      %mul3A_345 = arith.muli %scan3A_102, %mul3A_344 : i32
      %mul3A_346 = arith.constant 8 : i32
      %mul3A_347 = arith.muli %mul3A_345, %mul3A_346 : i32
      %add3A_348 = arith.constant 16 : i32
      %add3A_349 = arith.addi %mul3A_347, %add3A_348 : i32
      %gt3A_350 = arith.constant 0 : i32
      %gt3A_351 = arith.cmpi sgt, %scan3A_102, %gt3A_350 : i32
      %convert_element_type3A_352 = arith.extui %gt3A_351 : i1 to i32
      %cond3A_353 = arith.constant 0 : i32
      %cond3A_354 = arith.cmpi ne, %convert_element_type3A_352, %cond3A_353 : i32
      scf.if %cond3A_354 {
        %add3A_1306 = arith.addi %add3A_1, %add3A_349 : i32
        %sub3A = arith.constant 64 : i32
        %sub3A_1307 = arith.subi %add3A_1306, %sub3A : i32
        %dma_wait3A_1308 = arith.constant 2 : i32
        %dma_wait3A_1309 = arith.constant 2 : i32
        %dma_wait3A_1310 = tpu.memref_slice %arg11[%dma_wait3A_1309] : memref<8x!tpu.dma_semaphore, #tpu.memory_space<semaphore_mem>> -> memref<1x!tpu.dma_semaphore, #tpu.memory_space<semaphore_mem>>
        %dma_wait3A_1311 = tpu.memref_squeeze %dma_wait3A_1310 : memref<1x!tpu.dma_semaphore, #tpu.memory_space<semaphore_mem>> -> memref<!tpu.dma_semaphore, #tpu.memory_space<semaphore_mem>>
        %dma_wait3A_1312 = arith.constant 0 : i32
        %dma_wait3A_1313 = tpu.memref_slice %arg3[%sub3A_1307, %dma_wait3A_1312] : memref<8192x4096xf32, #tpu.memory_space<hbm>> -> memref<8x4096xf32, #tpu.memory_space<hbm>>
        %dma_wait3A_1314 = arith.constant 0 : i32
        %dma_wait3A_1315 = arith.constant 0 : i32
        %dma_wait3A_1316 = tpu.memref_slice %arg9[%dma_wait3A_1308, %dma_wait3A_1314, %dma_wait3A_1315] : memref<8x8x4096xf32, #tpu.memory_space<vmem_shared>> -> memref<1x8x4096xf32, #tpu.memory_space<vmem_shared>>
        %dma_wait3A_1317 = tpu.memref_squeeze %dma_wait3A_1316 : memref<1x8x4096xf32, #tpu.memory_space<vmem_shared>> -> memref<8x4096xf32, #tpu.memory_space<vmem_shared>>
        tpu.wait_dma2 semaphore(%dma_wait3A_1311 : memref<!tpu.dma_semaphore, #tpu.memory_space<semaphore_mem>>) src(%dma_wait3A_1317 : memref<8x4096xf32, #tpu.memory_space<vmem_shared>>) dst(%dma_wait3A_1313 : memref<8x4096xf32, #tpu.memory_space<hbm>>)
      } else {
      }
      %add3A_355 = arith.constant 0 : i32
      %add3A_356 = arith.addi %add3A_349, %add3A_355 : i32
      %get3A_357 = arith.index_cast %add3A_356 : i32 to index
      %get3A_358 = memref.load %arg8[%get3A_357] : memref<1024xi32, #tpu.memory_space<smem>>
      %dma_start3A_359 = arith.constant 2 : i32
      %dma_start3A_360 = arith.constant 2 : i32
      %dma_start3A_361 = tpu.memref_slice %arg10[%dma_start3A_360] : memref<8x!tpu.dma_semaphore, #tpu.memory_space<semaphore_mem>> -> memref<1x!tpu.dma_semaphore, #tpu.memory_space<semaphore_mem>>
      %dma_start3A_362 = tpu.memref_squeeze %dma_start3A_361 : memref<1x!tpu.dma_semaphore, #tpu.memory_space<semaphore_mem>> -> memref<!tpu.dma_semaphore, #tpu.memory_space<semaphore_mem>>
      %dma_start3A_363 = arith.constant 0 : i32
      %dma_start3A_364 = arith.constant 0 : i32
      %dma_start3A_365 = tpu.memref_slice %arg9[%dma_start3A_359, %dma_start3A_363, %dma_start3A_364] : memref<8x8x4096xf32, #tpu.memory_space<vmem_shared>> -> memref<1x1x4096xf32, #tpu.memory_space<vmem_shared>>
      %dma_start3A_366 = tpu.memref_squeeze %dma_start3A_365 : memref<1x1x4096xf32, #tpu.memory_space<vmem_shared>> -> memref<1x4096xf32, #tpu.memory_space<vmem_shared>>
      %dma_start3A_367 = arith.constant 0 : i32
      %dma_start3A_368 = tpu.memref_slice %arg2[%get3A_358, %dma_start3A_367] : memref<2048x4096xf32, #tpu.memory_space<hbm>> -> memref<1x4096xf32, #tpu.memory_space<hbm>>
      tpu.enqueue_dma source(%dma_start3A_368 : memref<1x4096xf32, #tpu.memory_space<hbm>>) target(%dma_start3A_366 : memref<1x4096xf32, #tpu.memory_space<vmem_shared>>) target_semaphore(%dma_start3A_362 : memref<!tpu.dma_semaphore, #tpu.memory_space<semaphore_mem>>)
      %add3A_369 = arith.constant 1 : i32
      %add3A_370 = arith.addi %add3A_349, %add3A_369 : i32
      %get3A_371 = arith.index_cast %add3A_370 : i32 to index
      %get3A_372 = memref.load %arg8[%get3A_371] : memref<1024xi32, #tpu.memory_space<smem>>
      %dma_start3A_373 = arith.constant 2 : i32
      %dma_start3A_374 = arith.constant 2 : i32
      %dma_start3A_375 = tpu.memref_slice %arg10[%dma_start3A_374] : memref<8x!tpu.dma_semaphore, #tpu.memory_space<semaphore_mem>> -> memref<1x!tpu.dma_semaphore, #tpu.memory_space<semaphore_mem>>
      %dma_start3A_376 = tpu.memref_squeeze %dma_start3A_375 : memref<1x!tpu.dma_semaphore, #tpu.memory_space<semaphore_mem>> -> memref<!tpu.dma_semaphore, #tpu.memory_space<semaphore_mem>>
      %dma_start3A_377 = arith.constant 1 : i32
      %dma_start3A_378 = arith.constant 0 : i32
      %dma_start3A_379 = tpu.memref_slice %arg9[%dma_start3A_373, %dma_start3A_377, %dma_start3A_378] : memref<8x8x4096xf32, #tpu.memory_space<vmem_shared>> -> memref<1x1x4096xf32, #tpu.memory_space<vmem_shared>>
      %dma_start3A_380 = tpu.memref_squeeze %dma_start3A_379 : memref<1x1x4096xf32, #tpu.memory_space<vmem_shared>> -> memref<1x4096xf32, #tpu.memory_space<vmem_shared>>
      %dma_start3A_381 = arith.constant 0 : i32
      %dma_start3A_382 = tpu.memref_slice %arg2[%get3A_372, %dma_start3A_381] : memref<2048x4096xf32, #tpu.memory_space<hbm>> -> memref<1x4096xf32, #tpu.memory_space<hbm>>
      tpu.enqueue_dma source(%dma_start3A_382 : memref<1x4096xf32, #tpu.memory_space<hbm>>) target(%dma_start3A_380 : memref<1x4096xf32, #tpu.memory_space<vmem_shared>>) target_semaphore(%dma_start3A_376 : memref<!tpu.dma_semaphore, #tpu.memory_space<semaphore_mem>>)
      %add3A_383 = arith.constant 2 : i32
      %add3A_384 = arith.addi %add3A_349, %add3A_383 : i32
      %get3A_385 = arith.index_cast %add3A_384 : i32 to index
      %get3A_386 = memref.load %arg8[%get3A_385] : memref<1024xi32, #tpu.memory_space<smem>>
      %dma_start3A_387 = arith.constant 2 : i32
      %dma_start3A_388 = arith.constant 2 : i32
      %dma_start3A_389 = tpu.memref_slice %arg10[%dma_start3A_388] : memref<8x!tpu.dma_semaphore, #tpu.memory_space<semaphore_mem>> -> memref<1x!tpu.dma_semaphore, #tpu.memory_space<semaphore_mem>>
      %dma_start3A_390 = tpu.memref_squeeze %dma_start3A_389 : memref<1x!tpu.dma_semaphore, #tpu.memory_space<semaphore_mem>> -> memref<!tpu.dma_semaphore, #tpu.memory_space<semaphore_mem>>
      %dma_start3A_391 = arith.constant 2 : i32
      %dma_start3A_392 = arith.constant 0 : i32
      %dma_start3A_393 = tpu.memref_slice %arg9[%dma_start3A_387, %dma_start3A_391, %dma_start3A_392] : memref<8x8x4096xf32, #tpu.memory_space<vmem_shared>> -> memref<1x1x4096xf32, #tpu.memory_space<vmem_shared>>
      %dma_start3A_394 = tpu.memref_squeeze %dma_start3A_393 : memref<1x1x4096xf32, #tpu.memory_space<vmem_shared>> -> memref<1x4096xf32, #tpu.memory_space<vmem_shared>>
      %dma_start3A_395 = arith.constant 0 : i32
      %dma_start3A_396 = tpu.memref_slice %arg2[%get3A_386, %dma_start3A_395] : memref<2048x4096xf32, #tpu.memory_space<hbm>> -> memref<1x4096xf32, #tpu.memory_space<hbm>>
      tpu.enqueue_dma source(%dma_start3A_396 : memref<1x4096xf32, #tpu.memory_space<hbm>>) target(%dma_start3A_394 : memref<1x4096xf32, #tpu.memory_space<vmem_shared>>) target_semaphore(%dma_start3A_390 : memref<!tpu.dma_semaphore, #tpu.memory_space<semaphore_mem>>)
      %add3A_397 = arith.constant 3 : i32
      %add3A_398 = arith.addi %add3A_349, %add3A_397 : i32
      %get3A_399 = arith.index_cast %add3A_398 : i32 to index
      %get3A_400 = memref.load %arg8[%get3A_399] : memref<1024xi32, #tpu.memory_space<smem>>
      %dma_start3A_401 = arith.constant 2 : i32
      %dma_start3A_402 = arith.constant 2 : i32
      %dma_start3A_403 = tpu.memref_slice %arg10[%dma_start3A_402] : memref<8x!tpu.dma_semaphore, #tpu.memory_space<semaphore_mem>> -> memref<1x!tpu.dma_semaphore, #tpu.memory_space<semaphore_mem>>
      %dma_start3A_404 = tpu.memref_squeeze %dma_start3A_403 : memref<1x!tpu.dma_semaphore, #tpu.memory_space<semaphore_mem>> -> memref<!tpu.dma_semaphore, #tpu.memory_space<semaphore_mem>>
      %dma_start3A_405 = arith.constant 3 : i32
      %dma_start3A_406 = arith.constant 0 : i32
      %dma_start3A_407 = tpu.memref_slice %arg9[%dma_start3A_401, %dma_start3A_405, %dma_start3A_406] : memref<8x8x4096xf32, #tpu.memory_space<vmem_shared>> -> memref<1x1x4096xf32, #tpu.memory_space<vmem_shared>>
      %dma_start3A_408 = tpu.memref_squeeze %dma_start3A_407 : memref<1x1x4096xf32, #tpu.memory_space<vmem_shared>> -> memref<1x4096xf32, #tpu.memory_space<vmem_shared>>
      %dma_start3A_409 = arith.constant 0 : i32
      %dma_start3A_410 = tpu.memref_slice %arg2[%get3A_400, %dma_start3A_409] : memref<2048x4096xf32, #tpu.memory_space<hbm>> -> memref<1x4096xf32, #tpu.memory_space<hbm>>
      tpu.enqueue_dma source(%dma_start3A_410 : memref<1x4096xf32, #tpu.memory_space<hbm>>) target(%dma_start3A_408 : memref<1x4096xf32, #tpu.memory_space<vmem_shared>>) target_semaphore(%dma_start3A_404 : memref<!tpu.dma_semaphore, #tpu.memory_space<semaphore_mem>>)
      %add3A_411 = arith.constant 4 : i32
      %add3A_412 = arith.addi %add3A_349, %add3A_411 : i32
      %get3A_413 = arith.index_cast %add3A_412 : i32 to index
      %get3A_414 = memref.load %arg8[%get3A_413] : memref<1024xi32, #tpu.memory_space<smem>>
      %dma_start3A_415 = arith.constant 2 : i32
      %dma_start3A_416 = arith.constant 2 : i32
      %dma_start3A_417 = tpu.memref_slice %arg10[%dma_start3A_416] : memref<8x!tpu.dma_semaphore, #tpu.memory_space<semaphore_mem>> -> memref<1x!tpu.dma_semaphore, #tpu.memory_space<semaphore_mem>>
      %dma_start3A_418 = tpu.memref_squeeze %dma_start3A_417 : memref<1x!tpu.dma_semaphore, #tpu.memory_space<semaphore_mem>> -> memref<!tpu.dma_semaphore, #tpu.memory_space<semaphore_mem>>
      %dma_start3A_419 = arith.constant 4 : i32
      %dma_start3A_420 = arith.constant 0 : i32
      %dma_start3A_421 = tpu.memref_slice %arg9[%dma_start3A_415, %dma_start3A_419, %dma_start3A_420] : memref<8x8x4096xf32, #tpu.memory_space<vmem_shared>> -> memref<1x1x4096xf32, #tpu.memory_space<vmem_shared>>
      %dma_start3A_422 = tpu.memref_squeeze %dma_start3A_421 : memref<1x1x4096xf32, #tpu.memory_space<vmem_shared>> -> memref<1x4096xf32, #tpu.memory_space<vmem_shared>>
      %dma_start3A_423 = arith.constant 0 : i32
      %dma_start3A_424 = tpu.memref_slice %arg2[%get3A_414, %dma_start3A_423] : memref<2048x4096xf32, #tpu.memory_space<hbm>> -> memref<1x4096xf32, #tpu.memory_space<hbm>>
      tpu.enqueue_dma source(%dma_start3A_424 : memref<1x4096xf32, #tpu.memory_space<hbm>>) target(%dma_start3A_422 : memref<1x4096xf32, #tpu.memory_space<vmem_shared>>) target_semaphore(%dma_start3A_418 : memref<!tpu.dma_semaphore, #tpu.memory_space<semaphore_mem>>)
      %add3A_425 = arith.constant 5 : i32
      %add3A_426 = arith.addi %add3A_349, %add3A_425 : i32
      %get3A_427 = arith.index_cast %add3A_426 : i32 to index
      %get3A_428 = memref.load %arg8[%get3A_427] : memref<1024xi32, #tpu.memory_space<smem>>
      %dma_start3A_429 = arith.constant 2 : i32
      %dma_start3A_430 = arith.constant 2 : i32
      %dma_start3A_431 = tpu.memref_slice %arg10[%dma_start3A_430] : memref<8x!tpu.dma_semaphore, #tpu.memory_space<semaphore_mem>> -> memref<1x!tpu.dma_semaphore, #tpu.memory_space<semaphore_mem>>
      %dma_start3A_432 = tpu.memref_squeeze %dma_start3A_431 : memref<1x!tpu.dma_semaphore, #tpu.memory_space<semaphore_mem>> -> memref<!tpu.dma_semaphore, #tpu.memory_space<semaphore_mem>>
      %dma_start3A_433 = arith.constant 5 : i32
      %dma_start3A_434 = arith.constant 0 : i32
      %dma_start3A_435 = tpu.memref_slice %arg9[%dma_start3A_429, %dma_start3A_433, %dma_start3A_434] : memref<8x8x4096xf32, #tpu.memory_space<vmem_shared>> -> memref<1x1x4096xf32, #tpu.memory_space<vmem_shared>>
      %dma_start3A_436 = tpu.memref_squeeze %dma_start3A_435 : memref<1x1x4096xf32, #tpu.memory_space<vmem_shared>> -> memref<1x4096xf32, #tpu.memory_space<vmem_shared>>
      %dma_start3A_437 = arith.constant 0 : i32
      %dma_start3A_438 = tpu.memref_slice %arg2[%get3A_428, %dma_start3A_437] : memref<2048x4096xf32, #tpu.memory_space<hbm>> -> memref<1x4096xf32, #tpu.memory_space<hbm>>
      tpu.enqueue_dma source(%dma_start3A_438 : memref<1x4096xf32, #tpu.memory_space<hbm>>) target(%dma_start3A_436 : memref<1x4096xf32, #tpu.memory_space<vmem_shared>>) target_semaphore(%dma_start3A_432 : memref<!tpu.dma_semaphore, #tpu.memory_space<semaphore_mem>>)
      %add3A_439 = arith.constant 6 : i32
      %add3A_440 = arith.addi %add3A_349, %add3A_439 : i32
      %get3A_441 = arith.index_cast %add3A_440 : i32 to index
      %get3A_442 = memref.load %arg8[%get3A_441] : memref<1024xi32, #tpu.memory_space<smem>>
      %dma_start3A_443 = arith.constant 2 : i32
      %dma_start3A_444 = arith.constant 2 : i32
      %dma_start3A_445 = tpu.memref_slice %arg10[%dma_start3A_444] : memref<8x!tpu.dma_semaphore, #tpu.memory_space<semaphore_mem>> -> memref<1x!tpu.dma_semaphore, #tpu.memory_space<semaphore_mem>>
      %dma_start3A_446 = tpu.memref_squeeze %dma_start3A_445 : memref<1x!tpu.dma_semaphore, #tpu.memory_space<semaphore_mem>> -> memref<!tpu.dma_semaphore, #tpu.memory_space<semaphore_mem>>
      %dma_start3A_447 = arith.constant 6 : i32
      %dma_start3A_448 = arith.constant 0 : i32
      %dma_start3A_449 = tpu.memref_slice %arg9[%dma_start3A_443, %dma_start3A_447, %dma_start3A_448] : memref<8x8x4096xf32, #tpu.memory_space<vmem_shared>> -> memref<1x1x4096xf32, #tpu.memory_space<vmem_shared>>
      %dma_start3A_450 = tpu.memref_squeeze %dma_start3A_449 : memref<1x1x4096xf32, #tpu.memory_space<vmem_shared>> -> memref<1x4096xf32, #tpu.memory_space<vmem_shared>>
      %dma_start3A_451 = arith.constant 0 : i32
      %dma_start3A_452 = tpu.memref_slice %arg2[%get3A_442, %dma_start3A_451] : memref<2048x4096xf32, #tpu.memory_space<hbm>> -> memref<1x4096xf32, #tpu.memory_space<hbm>>
      tpu.enqueue_dma source(%dma_start3A_452 : memref<1x4096xf32, #tpu.memory_space<hbm>>) target(%dma_start3A_450 : memref<1x4096xf32, #tpu.memory_space<vmem_shared>>) target_semaphore(%dma_start3A_446 : memref<!tpu.dma_semaphore, #tpu.memory_space<semaphore_mem>>)
      %add3A_453 = arith.constant 7 : i32
      %add3A_454 = arith.addi %add3A_349, %add3A_453 : i32
      %get3A_455 = arith.index_cast %add3A_454 : i32 to index
      %get3A_456 = memref.load %arg8[%get3A_455] : memref<1024xi32, #tpu.memory_space<smem>>
      %dma_start3A_457 = arith.constant 2 : i32
      %dma_start3A_458 = arith.constant 2 : i32
      %dma_start3A_459 = tpu.memref_slice %arg10[%dma_start3A_458] : memref<8x!tpu.dma_semaphore, #tpu.memory_space<semaphore_mem>> -> memref<1x!tpu.dma_semaphore, #tpu.memory_space<semaphore_mem>>
      %dma_start3A_460 = tpu.memref_squeeze %dma_start3A_459 : memref<1x!tpu.dma_semaphore, #tpu.memory_space<semaphore_mem>> -> memref<!tpu.dma_semaphore, #tpu.memory_space<semaphore_mem>>
      %dma_start3A_461 = arith.constant 7 : i32
      %dma_start3A_462 = arith.constant 0 : i32
      %dma_start3A_463 = tpu.memref_slice %arg9[%dma_start3A_457, %dma_start3A_461, %dma_start3A_462] : memref<8x8x4096xf32, #tpu.memory_space<vmem_shared>> -> memref<1x1x4096xf32, #tpu.memory_space<vmem_shared>>
      %dma_start3A_464 = tpu.memref_squeeze %dma_start3A_463 : memref<1x1x4096xf32, #tpu.memory_space<vmem_shared>> -> memref<1x4096xf32, #tpu.memory_space<vmem_shared>>
      %dma_start3A_465 = arith.constant 0 : i32
      %dma_start3A_466 = tpu.memref_slice %arg2[%get3A_456, %dma_start3A_465] : memref<2048x4096xf32, #tpu.memory_space<hbm>> -> memref<1x4096xf32, #tpu.memory_space<hbm>>
      tpu.enqueue_dma source(%dma_start3A_466 : memref<1x4096xf32, #tpu.memory_space<hbm>>) target(%dma_start3A_464 : memref<1x4096xf32, #tpu.memory_space<vmem_shared>>) target_semaphore(%dma_start3A_460 : memref<!tpu.dma_semaphore, #tpu.memory_space<semaphore_mem>>)
      %mul3A_467 = arith.constant 8 : i32
      %mul3A_468 = arith.muli %scan3A_102, %mul3A_467 : i32
      %mul3A_469 = arith.constant 8 : i32
      %mul3A_470 = arith.muli %mul3A_468, %mul3A_469 : i32
      %add3A_471 = arith.constant 24 : i32
      %add3A_472 = arith.addi %mul3A_470, %add3A_471 : i32
      %gt3A_473 = arith.constant 0 : i32
      %gt3A_474 = arith.cmpi sgt, %scan3A_102, %gt3A_473 : i32
      %convert_element_type3A_475 = arith.extui %gt3A_474 : i1 to i32
      %cond3A_476 = arith.constant 0 : i32
      %cond3A_477 = arith.cmpi ne, %convert_element_type3A_475, %cond3A_476 : i32
      scf.if %cond3A_477 {
        %add3A_1306 = arith.addi %add3A_1, %add3A_472 : i32
        %sub3A = arith.constant 64 : i32
        %sub3A_1307 = arith.subi %add3A_1306, %sub3A : i32
        %dma_wait3A_1308 = arith.constant 3 : i32
        %dma_wait3A_1309 = arith.constant 3 : i32
        %dma_wait3A_1310 = tpu.memref_slice %arg11[%dma_wait3A_1309] : memref<8x!tpu.dma_semaphore, #tpu.memory_space<semaphore_mem>> -> memref<1x!tpu.dma_semaphore, #tpu.memory_space<semaphore_mem>>
        %dma_wait3A_1311 = tpu.memref_squeeze %dma_wait3A_1310 : memref<1x!tpu.dma_semaphore, #tpu.memory_space<semaphore_mem>> -> memref<!tpu.dma_semaphore, #tpu.memory_space<semaphore_mem>>
        %dma_wait3A_1312 = arith.constant 0 : i32
        %dma_wait3A_1313 = tpu.memref_slice %arg3[%sub3A_1307, %dma_wait3A_1312] : memref<8192x4096xf32, #tpu.memory_space<hbm>> -> memref<8x4096xf32, #tpu.memory_space<hbm>>
        %dma_wait3A_1314 = arith.constant 0 : i32
        %dma_wait3A_1315 = arith.constant 0 : i32
        %dma_wait3A_1316 = tpu.memref_slice %arg9[%dma_wait3A_1308, %dma_wait3A_1314, %dma_wait3A_1315] : memref<8x8x4096xf32, #tpu.memory_space<vmem_shared>> -> memref<1x8x4096xf32, #tpu.memory_space<vmem_shared>>
        %dma_wait3A_1317 = tpu.memref_squeeze %dma_wait3A_1316 : memref<1x8x4096xf32, #tpu.memory_space<vmem_shared>> -> memref<8x4096xf32, #tpu.memory_space<vmem_shared>>
        tpu.wait_dma2 semaphore(%dma_wait3A_1311 : memref<!tpu.dma_semaphore, #tpu.memory_space<semaphore_mem>>) src(%dma_wait3A_1317 : memref<8x4096xf32, #tpu.memory_space<vmem_shared>>) dst(%dma_wait3A_1313 : memref<8x4096xf32, #tpu.memory_space<hbm>>)
      } else {
      }
      %add3A_478 = arith.constant 0 : i32
      %add3A_479 = arith.addi %add3A_472, %add3A_478 : i32
      %get3A_480 = arith.index_cast %add3A_479 : i32 to index
      %get3A_481 = memref.load %arg8[%get3A_480] : memref<1024xi32, #tpu.memory_space<smem>>
      %dma_start3A_482 = arith.constant 3 : i32
      %dma_start3A_483 = arith.constant 3 : i32
      %dma_start3A_484 = tpu.memref_slice %arg10[%dma_start3A_483] : memref<8x!tpu.dma_semaphore, #tpu.memory_space<semaphore_mem>> -> memref<1x!tpu.dma_semaphore, #tpu.memory_space<semaphore_mem>>
      %dma_start3A_485 = tpu.memref_squeeze %dma_start3A_484 : memref<1x!tpu.dma_semaphore, #tpu.memory_space<semaphore_mem>> -> memref<!tpu.dma_semaphore, #tpu.memory_space<semaphore_mem>>
      %dma_start3A_486 = arith.constant 0 : i32
      %dma_start3A_487 = arith.constant 0 : i32
      %dma_start3A_488 = tpu.memref_slice %arg9[%dma_start3A_482, %dma_start3A_486, %dma_start3A_487] : memref<8x8x4096xf32, #tpu.memory_space<vmem_shared>> -> memref<1x1x4096xf32, #tpu.memory_space<vmem_shared>>
      %dma_start3A_489 = tpu.memref_squeeze %dma_start3A_488 : memref<1x1x4096xf32, #tpu.memory_space<vmem_shared>> -> memref<1x4096xf32, #tpu.memory_space<vmem_shared>>
      %dma_start3A_490 = arith.constant 0 : i32
      %dma_start3A_491 = tpu.memref_slice %arg2[%get3A_481, %dma_start3A_490] : memref<2048x4096xf32, #tpu.memory_space<hbm>> -> memref<1x4096xf32, #tpu.memory_space<hbm>>
      tpu.enqueue_dma source(%dma_start3A_491 : memref<1x4096xf32, #tpu.memory_space<hbm>>) target(%dma_start3A_489 : memref<1x4096xf32, #tpu.memory_space<vmem_shared>>) target_semaphore(%dma_start3A_485 : memref<!tpu.dma_semaphore, #tpu.memory_space<semaphore_mem>>)
      %add3A_492 = arith.constant 1 : i32
      %add3A_493 = arith.addi %add3A_472, %add3A_492 : i32
      %get3A_494 = arith.index_cast %add3A_493 : i32 to index
      %get3A_495 = memref.load %arg8[%get3A_494] : memref<1024xi32, #tpu.memory_space<smem>>
      %dma_start3A_496 = arith.constant 3 : i32
      %dma_start3A_497 = arith.constant 3 : i32
      %dma_start3A_498 = tpu.memref_slice %arg10[%dma_start3A_497] : memref<8x!tpu.dma_semaphore, #tpu.memory_space<semaphore_mem>> -> memref<1x!tpu.dma_semaphore, #tpu.memory_space<semaphore_mem>>
      %dma_start3A_499 = tpu.memref_squeeze %dma_start3A_498 : memref<1x!tpu.dma_semaphore, #tpu.memory_space<semaphore_mem>> -> memref<!tpu.dma_semaphore, #tpu.memory_space<semaphore_mem>>
      %dma_start3A_500 = arith.constant 1 : i32
      %dma_start3A_501 = arith.constant 0 : i32
      %dma_start3A_502 = tpu.memref_slice %arg9[%dma_start3A_496, %dma_start3A_500, %dma_start3A_501] : memref<8x8x4096xf32, #tpu.memory_space<vmem_shared>> -> memref<1x1x4096xf32, #tpu.memory_space<vmem_shared>>
      %dma_start3A_503 = tpu.memref_squeeze %dma_start3A_502 : memref<1x1x4096xf32, #tpu.memory_space<vmem_shared>> -> memref<1x4096xf32, #tpu.memory_space<vmem_shared>>
      %dma_start3A_504 = arith.constant 0 : i32
      %dma_start3A_505 = tpu.memref_slice %arg2[%get3A_495, %dma_start3A_504] : memref<2048x4096xf32, #tpu.memory_space<hbm>> -> memref<1x4096xf32, #tpu.memory_space<hbm>>
      tpu.enqueue_dma source(%dma_start3A_505 : memref<1x4096xf32, #tpu.memory_space<hbm>>) target(%dma_start3A_503 : memref<1x4096xf32, #tpu.memory_space<vmem_shared>>) target_semaphore(%dma_start3A_499 : memref<!tpu.dma_semaphore, #tpu.memory_space<semaphore_mem>>)
      %add3A_506 = arith.constant 2 : i32
      %add3A_507 = arith.addi %add3A_472, %add3A_506 : i32
      %get3A_508 = arith.index_cast %add3A_507 : i32 to index
      %get3A_509 = memref.load %arg8[%get3A_508] : memref<1024xi32, #tpu.memory_space<smem>>
      %dma_start3A_510 = arith.constant 3 : i32
      %dma_start3A_511 = arith.constant 3 : i32
      %dma_start3A_512 = tpu.memref_slice %arg10[%dma_start3A_511] : memref<8x!tpu.dma_semaphore, #tpu.memory_space<semaphore_mem>> -> memref<1x!tpu.dma_semaphore, #tpu.memory_space<semaphore_mem>>
      %dma_start3A_513 = tpu.memref_squeeze %dma_start3A_512 : memref<1x!tpu.dma_semaphore, #tpu.memory_space<semaphore_mem>> -> memref<!tpu.dma_semaphore, #tpu.memory_space<semaphore_mem>>
      %dma_start3A_514 = arith.constant 2 : i32
      %dma_start3A_515 = arith.constant 0 : i32
      %dma_start3A_516 = tpu.memref_slice %arg9[%dma_start3A_510, %dma_start3A_514, %dma_start3A_515] : memref<8x8x4096xf32, #tpu.memory_space<vmem_shared>> -> memref<1x1x4096xf32, #tpu.memory_space<vmem_shared>>
      %dma_start3A_517 = tpu.memref_squeeze %dma_start3A_516 : memref<1x1x4096xf32, #tpu.memory_space<vmem_shared>> -> memref<1x4096xf32, #tpu.memory_space<vmem_shared>>
      %dma_start3A_518 = arith.constant 0 : i32
      %dma_start3A_519 = tpu.memref_slice %arg2[%get3A_509, %dma_start3A_518] : memref<2048x4096xf32, #tpu.memory_space<hbm>> -> memref<1x4096xf32, #tpu.memory_space<hbm>>
      tpu.enqueue_dma source(%dma_start3A_519 : memref<1x4096xf32, #tpu.memory_space<hbm>>) target(%dma_start3A_517 : memref<1x4096xf32, #tpu.memory_space<vmem_shared>>) target_semaphore(%dma_start3A_513 : memref<!tpu.dma_semaphore, #tpu.memory_space<semaphore_mem>>)
      %add3A_520 = arith.constant 3 : i32
      %add3A_521 = arith.addi %add3A_472, %add3A_520 : i32
      %get3A_522 = arith.index_cast %add3A_521 : i32 to index
      %get3A_523 = memref.load %arg8[%get3A_522] : memref<1024xi32, #tpu.memory_space<smem>>
      %dma_start3A_524 = arith.constant 3 : i32
      %dma_start3A_525 = arith.constant 3 : i32
      %dma_start3A_526 = tpu.memref_slice %arg10[%dma_start3A_525] : memref<8x!tpu.dma_semaphore, #tpu.memory_space<semaphore_mem>> -> memref<1x!tpu.dma_semaphore, #tpu.memory_space<semaphore_mem>>
      %dma_start3A_527 = tpu.memref_squeeze %dma_start3A_526 : memref<1x!tpu.dma_semaphore, #tpu.memory_space<semaphore_mem>> -> memref<!tpu.dma_semaphore, #tpu.memory_space<semaphore_mem>>
      %dma_start3A_528 = arith.constant 3 : i32
      %dma_start3A_529 = arith.constant 0 : i32
      %dma_start3A_530 = tpu.memref_slice %arg9[%dma_start3A_524, %dma_start3A_528, %dma_start3A_529] : memref<8x8x4096xf32, #tpu.memory_space<vmem_shared>> -> memref<1x1x4096xf32, #tpu.memory_space<vmem_shared>>
      %dma_start3A_531 = tpu.memref_squeeze %dma_start3A_530 : memref<1x1x4096xf32, #tpu.memory_space<vmem_shared>> -> memref<1x4096xf32, #tpu.memory_space<vmem_shared>>
      %dma_start3A_532 = arith.constant 0 : i32
      %dma_start3A_533 = tpu.memref_slice %arg2[%get3A_523, %dma_start3A_532] : memref<2048x4096xf32, #tpu.memory_space<hbm>> -> memref<1x4096xf32, #tpu.memory_space<hbm>>
      tpu.enqueue_dma source(%dma_start3A_533 : memref<1x4096xf32, #tpu.memory_space<hbm>>) target(%dma_start3A_531 : memref<1x4096xf32, #tpu.memory_space<vmem_shared>>) target_semaphore(%dma_start3A_527 : memref<!tpu.dma_semaphore, #tpu.memory_space<semaphore_mem>>)
      %add3A_534 = arith.constant 4 : i32
      %add3A_535 = arith.addi %add3A_472, %add3A_534 : i32
      %get3A_536 = arith.index_cast %add3A_535 : i32 to index
      %get3A_537 = memref.load %arg8[%get3A_536] : memref<1024xi32, #tpu.memory_space<smem>>
      %dma_start3A_538 = arith.constant 3 : i32
      %dma_start3A_539 = arith.constant 3 : i32
      %dma_start3A_540 = tpu.memref_slice %arg10[%dma_start3A_539] : memref<8x!tpu.dma_semaphore, #tpu.memory_space<semaphore_mem>> -> memref<1x!tpu.dma_semaphore, #tpu.memory_space<semaphore_mem>>
      %dma_start3A_541 = tpu.memref_squeeze %dma_start3A_540 : memref<1x!tpu.dma_semaphore, #tpu.memory_space<semaphore_mem>> -> memref<!tpu.dma_semaphore, #tpu.memory_space<semaphore_mem>>
      %dma_start3A_542 = arith.constant 4 : i32
      %dma_start3A_543 = arith.constant 0 : i32
      %dma_start3A_544 = tpu.memref_slice %arg9[%dma_start3A_538, %dma_start3A_542, %dma_start3A_543] : memref<8x8x4096xf32, #tpu.memory_space<vmem_shared>> -> memref<1x1x4096xf32, #tpu.memory_space<vmem_shared>>
      %dma_start3A_545 = tpu.memref_squeeze %dma_start3A_544 : memref<1x1x4096xf32, #tpu.memory_space<vmem_shared>> -> memref<1x4096xf32, #tpu.memory_space<vmem_shared>>
      %dma_start3A_546 = arith.constant 0 : i32
      %dma_start3A_547 = tpu.memref_slice %arg2[%get3A_537, %dma_start3A_546] : memref<2048x4096xf32, #tpu.memory_space<hbm>> -> memref<1x4096xf32, #tpu.memory_space<hbm>>
      tpu.enqueue_dma source(%dma_start3A_547 : memref<1x4096xf32, #tpu.memory_space<hbm>>) target(%dma_start3A_545 : memref<1x4096xf32, #tpu.memory_space<vmem_shared>>) target_semaphore(%dma_start3A_541 : memref<!tpu.dma_semaphore, #tpu.memory_space<semaphore_mem>>)
      %add3A_548 = arith.constant 5 : i32
      %add3A_549 = arith.addi %add3A_472, %add3A_548 : i32
      %get3A_550 = arith.index_cast %add3A_549 : i32 to index
      %get3A_551 = memref.load %arg8[%get3A_550] : memref<1024xi32, #tpu.memory_space<smem>>
      %dma_start3A_552 = arith.constant 3 : i32
      %dma_start3A_553 = arith.constant 3 : i32
      %dma_start3A_554 = tpu.memref_slice %arg10[%dma_start3A_553] : memref<8x!tpu.dma_semaphore, #tpu.memory_space<semaphore_mem>> -> memref<1x!tpu.dma_semaphore, #tpu.memory_space<semaphore_mem>>
      %dma_start3A_555 = tpu.memref_squeeze %dma_start3A_554 : memref<1x!tpu.dma_semaphore, #tpu.memory_space<semaphore_mem>> -> memref<!tpu.dma_semaphore, #tpu.memory_space<semaphore_mem>>
      %dma_start3A_556 = arith.constant 5 : i32
      %dma_start3A_557 = arith.constant 0 : i32
      %dma_start3A_558 = tpu.memref_slice %arg9[%dma_start3A_552, %dma_start3A_556, %dma_start3A_557] : memref<8x8x4096xf32, #tpu.memory_space<vmem_shared>> -> memref<1x1x4096xf32, #tpu.memory_space<vmem_shared>>
      %dma_start3A_559 = tpu.memref_squeeze %dma_start3A_558 : memref<1x1x4096xf32, #tpu.memory_space<vmem_shared>> -> memref<1x4096xf32, #tpu.memory_space<vmem_shared>>
      %dma_start3A_560 = arith.constant 0 : i32
      %dma_start3A_561 = tpu.memref_slice %arg2[%get3A_551, %dma_start3A_560] : memref<2048x4096xf32, #tpu.memory_space<hbm>> -> memref<1x4096xf32, #tpu.memory_space<hbm>>
      tpu.enqueue_dma source(%dma_start3A_561 : memref<1x4096xf32, #tpu.memory_space<hbm>>) target(%dma_start3A_559 : memref<1x4096xf32, #tpu.memory_space<vmem_shared>>) target_semaphore(%dma_start3A_555 : memref<!tpu.dma_semaphore, #tpu.memory_space<semaphore_mem>>)
      %add3A_562 = arith.constant 6 : i32
      %add3A_563 = arith.addi %add3A_472, %add3A_562 : i32
      %get3A_564 = arith.index_cast %add3A_563 : i32 to index
      %get3A_565 = memref.load %arg8[%get3A_564] : memref<1024xi32, #tpu.memory_space<smem>>
      %dma_start3A_566 = arith.constant 3 : i32
      %dma_start3A_567 = arith.constant 3 : i32
      %dma_start3A_568 = tpu.memref_slice %arg10[%dma_start3A_567] : memref<8x!tpu.dma_semaphore, #tpu.memory_space<semaphore_mem>> -> memref<1x!tpu.dma_semaphore, #tpu.memory_space<semaphore_mem>>
      %dma_start3A_569 = tpu.memref_squeeze %dma_start3A_568 : memref<1x!tpu.dma_semaphore, #tpu.memory_space<semaphore_mem>> -> memref<!tpu.dma_semaphore, #tpu.memory_space<semaphore_mem>>
      %dma_start3A_570 = arith.constant 6 : i32
      %dma_start3A_571 = arith.constant 0 : i32
      %dma_start3A_572 = tpu.memref_slice %arg9[%dma_start3A_566, %dma_start3A_570, %dma_start3A_571] : memref<8x8x4096xf32, #tpu.memory_space<vmem_shared>> -> memref<1x1x4096xf32, #tpu.memory_space<vmem_shared>>
      %dma_start3A_573 = tpu.memref_squeeze %dma_start3A_572 : memref<1x1x4096xf32, #tpu.memory_space<vmem_shared>> -> memref<1x4096xf32, #tpu.memory_space<vmem_shared>>
      %dma_start3A_574 = arith.constant 0 : i32
      %dma_start3A_575 = tpu.memref_slice %arg2[%get3A_565, %dma_start3A_574] : memref<2048x4096xf32, #tpu.memory_space<hbm>> -> memref<1x4096xf32, #tpu.memory_space<hbm>>
      tpu.enqueue_dma source(%dma_start3A_575 : memref<1x4096xf32, #tpu.memory_space<hbm>>) target(%dma_start3A_573 : memref<1x4096xf32, #tpu.memory_space<vmem_shared>>) target_semaphore(%dma_start3A_569 : memref<!tpu.dma_semaphore, #tpu.memory_space<semaphore_mem>>)
      %add3A_576 = arith.constant 7 : i32
      %add3A_577 = arith.addi %add3A_472, %add3A_576 : i32
      %get3A_578 = arith.index_cast %add3A_577 : i32 to index
      %get3A_579 = memref.load %arg8[%get3A_578] : memref<1024xi32, #tpu.memory_space<smem>>
      %dma_start3A_580 = arith.constant 3 : i32
      %dma_start3A_581 = arith.constant 3 : i32
      %dma_start3A_582 = tpu.memref_slice %arg10[%dma_start3A_581] : memref<8x!tpu.dma_semaphore, #tpu.memory_space<semaphore_mem>> -> memref<1x!tpu.dma_semaphore, #tpu.memory_space<semaphore_mem>>
      %dma_start3A_583 = tpu.memref_squeeze %dma_start3A_582 : memref<1x!tpu.dma_semaphore, #tpu.memory_space<semaphore_mem>> -> memref<!tpu.dma_semaphore, #tpu.memory_space<semaphore_mem>>
      %dma_start3A_584 = arith.constant 7 : i32
      %dma_start3A_585 = arith.constant 0 : i32
      %dma_start3A_586 = tpu.memref_slice %arg9[%dma_start3A_580, %dma_start3A_584, %dma_start3A_585] : memref<8x8x4096xf32, #tpu.memory_space<vmem_shared>> -> memref<1x1x4096xf32, #tpu.memory_space<vmem_shared>>
      %dma_start3A_587 = tpu.memref_squeeze %dma_start3A_586 : memref<1x1x4096xf32, #tpu.memory_space<vmem_shared>> -> memref<1x4096xf32, #tpu.memory_space<vmem_shared>>
      %dma_start3A_588 = arith.constant 0 : i32
      %dma_start3A_589 = tpu.memref_slice %arg2[%get3A_579, %dma_start3A_588] : memref<2048x4096xf32, #tpu.memory_space<hbm>> -> memref<1x4096xf32, #tpu.memory_space<hbm>>
      tpu.enqueue_dma source(%dma_start3A_589 : memref<1x4096xf32, #tpu.memory_space<hbm>>) target(%dma_start3A_587 : memref<1x4096xf32, #tpu.memory_space<vmem_shared>>) target_semaphore(%dma_start3A_583 : memref<!tpu.dma_semaphore, #tpu.memory_space<semaphore_mem>>)
      %mul3A_590 = arith.constant 8 : i32
      %mul3A_591 = arith.muli %scan3A_102, %mul3A_590 : i32
      %mul3A_592 = arith.constant 8 : i32
      %mul3A_593 = arith.muli %mul3A_591, %mul3A_592 : i32
      %add3A_594 = arith.constant 32 : i32
      %add3A_595 = arith.addi %mul3A_593, %add3A_594 : i32
      %gt3A_596 = arith.constant 0 : i32
      %gt3A_597 = arith.cmpi sgt, %scan3A_102, %gt3A_596 : i32
      %convert_element_type3A_598 = arith.extui %gt3A_597 : i1 to i32
      %cond3A_599 = arith.constant 0 : i32
      %cond3A_600 = arith.cmpi ne, %convert_element_type3A_598, %cond3A_599 : i32
      scf.if %cond3A_600 {
        %add3A_1306 = arith.addi %add3A_1, %add3A_595 : i32
        %sub3A = arith.constant 64 : i32
        %sub3A_1307 = arith.subi %add3A_1306, %sub3A : i32
        %dma_wait3A_1308 = arith.constant 4 : i32
        %dma_wait3A_1309 = arith.constant 4 : i32
        %dma_wait3A_1310 = tpu.memref_slice %arg11[%dma_wait3A_1309] : memref<8x!tpu.dma_semaphore, #tpu.memory_space<semaphore_mem>> -> memref<1x!tpu.dma_semaphore, #tpu.memory_space<semaphore_mem>>
        %dma_wait3A_1311 = tpu.memref_squeeze %dma_wait3A_1310 : memref<1x!tpu.dma_semaphore, #tpu.memory_space<semaphore_mem>> -> memref<!tpu.dma_semaphore, #tpu.memory_space<semaphore_mem>>
        %dma_wait3A_1312 = arith.constant 0 : i32
        %dma_wait3A_1313 = tpu.memref_slice %arg3[%sub3A_1307, %dma_wait3A_1312] : memref<8192x4096xf32, #tpu.memory_space<hbm>> -> memref<8x4096xf32, #tpu.memory_space<hbm>>
        %dma_wait3A_1314 = arith.constant 0 : i32
        %dma_wait3A_1315 = arith.constant 0 : i32
        %dma_wait3A_1316 = tpu.memref_slice %arg9[%dma_wait3A_1308, %dma_wait3A_1314, %dma_wait3A_1315] : memref<8x8x4096xf32, #tpu.memory_space<vmem_shared>> -> memref<1x8x4096xf32, #tpu.memory_space<vmem_shared>>
        %dma_wait3A_1317 = tpu.memref_squeeze %dma_wait3A_1316 : memref<1x8x4096xf32, #tpu.memory_space<vmem_shared>> -> memref<8x4096xf32, #tpu.memory_space<vmem_shared>>
        tpu.wait_dma2 semaphore(%dma_wait3A_1311 : memref<!tpu.dma_semaphore, #tpu.memory_space<semaphore_mem>>) src(%dma_wait3A_1317 : memref<8x4096xf32, #tpu.memory_space<vmem_shared>>) dst(%dma_wait3A_1313 : memref<8x4096xf32, #tpu.memory_space<hbm>>)
      } else {
      }
      %add3A_601 = arith.constant 0 : i32
      %add3A_602 = arith.addi %add3A_595, %add3A_601 : i32
      %get3A_603 = arith.index_cast %add3A_602 : i32 to index
      %get3A_604 = memref.load %arg8[%get3A_603] : memref<1024xi32, #tpu.memory_space<smem>>
      %dma_start3A_605 = arith.constant 4 : i32
      %dma_start3A_606 = arith.constant 4 : i32
      %dma_start3A_607 = tpu.memref_slice %arg10[%dma_start3A_606] : memref<8x!tpu.dma_semaphore, #tpu.memory_space<semaphore_mem>> -> memref<1x!tpu.dma_semaphore, #tpu.memory_space<semaphore_mem>>
      %dma_start3A_608 = tpu.memref_squeeze %dma_start3A_607 : memref<1x!tpu.dma_semaphore, #tpu.memory_space<semaphore_mem>> -> memref<!tpu.dma_semaphore, #tpu.memory_space<semaphore_mem>>
      %dma_start3A_609 = arith.constant 0 : i32
      %dma_start3A_610 = arith.constant 0 : i32
      %dma_start3A_611 = tpu.memref_slice %arg9[%dma_start3A_605, %dma_start3A_609, %dma_start3A_610] : memref<8x8x4096xf32, #tpu.memory_space<vmem_shared>> -> memref<1x1x4096xf32, #tpu.memory_space<vmem_shared>>
      %dma_start3A_612 = tpu.memref_squeeze %dma_start3A_611 : memref<1x1x4096xf32, #tpu.memory_space<vmem_shared>> -> memref<1x4096xf32, #tpu.memory_space<vmem_shared>>
      %dma_start3A_613 = arith.constant 0 : i32
      %dma_start3A_614 = tpu.memref_slice %arg2[%get3A_604, %dma_start3A_613] : memref<2048x4096xf32, #tpu.memory_space<hbm>> -> memref<1x4096xf32, #tpu.memory_space<hbm>>
      tpu.enqueue_dma source(%dma_start3A_614 : memref<1x4096xf32, #tpu.memory_space<hbm>>) target(%dma_start3A_612 : memref<1x4096xf32, #tpu.memory_space<vmem_shared>>) target_semaphore(%dma_start3A_608 : memref<!tpu.dma_semaphore, #tpu.memory_space<semaphore_mem>>)
      %add3A_615 = arith.constant 1 : i32
      %add3A_616 = arith.addi %add3A_595, %add3A_615 : i32
      %get3A_617 = arith.index_cast %add3A_616 : i32 to index
      %get3A_618 = memref.load %arg8[%get3A_617] : memref<1024xi32, #tpu.memory_space<smem>>
      %dma_start3A_619 = arith.constant 4 : i32
      %dma_start3A_620 = arith.constant 4 : i32
      %dma_start3A_621 = tpu.memref_slice %arg10[%dma_start3A_620] : memref<8x!tpu.dma_semaphore, #tpu.memory_space<semaphore_mem>> -> memref<1x!tpu.dma_semaphore, #tpu.memory_space<semaphore_mem>>
      %dma_start3A_622 = tpu.memref_squeeze %dma_start3A_621 : memref<1x!tpu.dma_semaphore, #tpu.memory_space<semaphore_mem>> -> memref<!tpu.dma_semaphore, #tpu.memory_space<semaphore_mem>>
      %dma_start3A_623 = arith.constant 1 : i32
      %dma_start3A_624 = arith.constant 0 : i32
      %dma_start3A_625 = tpu.memref_slice %arg9[%dma_start3A_619, %dma_start3A_623, %dma_start3A_624] : memref<8x8x4096xf32, #tpu.memory_space<vmem_shared>> -> memref<1x1x4096xf32, #tpu.memory_space<vmem_shared>>
      %dma_start3A_626 = tpu.memref_squeeze %dma_start3A_625 : memref<1x1x4096xf32, #tpu.memory_space<vmem_shared>> -> memref<1x4096xf32, #tpu.memory_space<vmem_shared>>
      %dma_start3A_627 = arith.constant 0 : i32
      %dma_start3A_628 = tpu.memref_slice %arg2[%get3A_618, %dma_start3A_627] : memref<2048x4096xf32, #tpu.memory_space<hbm>> -> memref<1x4096xf32, #tpu.memory_space<hbm>>
      tpu.enqueue_dma source(%dma_start3A_628 : memref<1x4096xf32, #tpu.memory_space<hbm>>) target(%dma_start3A_626 : memref<1x4096xf32, #tpu.memory_space<vmem_shared>>) target_semaphore(%dma_start3A_622 : memref<!tpu.dma_semaphore, #tpu.memory_space<semaphore_mem>>)
      %add3A_629 = arith.constant 2 : i32
      %add3A_630 = arith.addi %add3A_595, %add3A_629 : i32
      %get3A_631 = arith.index_cast %add3A_630 : i32 to index
      %get3A_632 = memref.load %arg8[%get3A_631] : memref<1024xi32, #tpu.memory_space<smem>>
      %dma_start3A_633 = arith.constant 4 : i32
      %dma_start3A_634 = arith.constant 4 : i32
      %dma_start3A_635 = tpu.memref_slice %arg10[%dma_start3A_634] : memref<8x!tpu.dma_semaphore, #tpu.memory_space<semaphore_mem>> -> memref<1x!tpu.dma_semaphore, #tpu.memory_space<semaphore_mem>>
      %dma_start3A_636 = tpu.memref_squeeze %dma_start3A_635 : memref<1x!tpu.dma_semaphore, #tpu.memory_space<semaphore_mem>> -> memref<!tpu.dma_semaphore, #tpu.memory_space<semaphore_mem>>
      %dma_start3A_637 = arith.constant 2 : i32
      %dma_start3A_638 = arith.constant 0 : i32
      %dma_start3A_639 = tpu.memref_slice %arg9[%dma_start3A_633, %dma_start3A_637, %dma_start3A_638] : memref<8x8x4096xf32, #tpu.memory_space<vmem_shared>> -> memref<1x1x4096xf32, #tpu.memory_space<vmem_shared>>
      %dma_start3A_640 = tpu.memref_squeeze %dma_start3A_639 : memref<1x1x4096xf32, #tpu.memory_space<vmem_shared>> -> memref<1x4096xf32, #tpu.memory_space<vmem_shared>>
      %dma_start3A_641 = arith.constant 0 : i32
      %dma_start3A_642 = tpu.memref_slice %arg2[%get3A_632, %dma_start3A_641] : memref<2048x4096xf32, #tpu.memory_space<hbm>> -> memref<1x4096xf32, #tpu.memory_space<hbm>>
      tpu.enqueue_dma source(%dma_start3A_642 : memref<1x4096xf32, #tpu.memory_space<hbm>>) target(%dma_start3A_640 : memref<1x4096xf32, #tpu.memory_space<vmem_shared>>) target_semaphore(%dma_start3A_636 : memref<!tpu.dma_semaphore, #tpu.memory_space<semaphore_mem>>)
      %add3A_643 = arith.constant 3 : i32
      %add3A_644 = arith.addi %add3A_595, %add3A_643 : i32
      %get3A_645 = arith.index_cast %add3A_644 : i32 to index
      %get3A_646 = memref.load %arg8[%get3A_645] : memref<1024xi32, #tpu.memory_space<smem>>
      %dma_start3A_647 = arith.constant 4 : i32
      %dma_start3A_648 = arith.constant 4 : i32
      %dma_start3A_649 = tpu.memref_slice %arg10[%dma_start3A_648] : memref<8x!tpu.dma_semaphore, #tpu.memory_space<semaphore_mem>> -> memref<1x!tpu.dma_semaphore, #tpu.memory_space<semaphore_mem>>
      %dma_start3A_650 = tpu.memref_squeeze %dma_start3A_649 : memref<1x!tpu.dma_semaphore, #tpu.memory_space<semaphore_mem>> -> memref<!tpu.dma_semaphore, #tpu.memory_space<semaphore_mem>>
      %dma_start3A_651 = arith.constant 3 : i32
      %dma_start3A_652 = arith.constant 0 : i32
      %dma_start3A_653 = tpu.memref_slice %arg9[%dma_start3A_647, %dma_start3A_651, %dma_start3A_652] : memref<8x8x4096xf32, #tpu.memory_space<vmem_shared>> -> memref<1x1x4096xf32, #tpu.memory_space<vmem_shared>>
      %dma_start3A_654 = tpu.memref_squeeze %dma_start3A_653 : memref<1x1x4096xf32, #tpu.memory_space<vmem_shared>> -> memref<1x4096xf32, #tpu.memory_space<vmem_shared>>
      %dma_start3A_655 = arith.constant 0 : i32
      %dma_start3A_656 = tpu.memref_slice %arg2[%get3A_646, %dma_start3A_655] : memref<2048x4096xf32, #tpu.memory_space<hbm>> -> memref<1x4096xf32, #tpu.memory_space<hbm>>
      tpu.enqueue_dma source(%dma_start3A_656 : memref<1x4096xf32, #tpu.memory_space<hbm>>) target(%dma_start3A_654 : memref<1x4096xf32, #tpu.memory_space<vmem_shared>>) target_semaphore(%dma_start3A_650 : memref<!tpu.dma_semaphore, #tpu.memory_space<semaphore_mem>>)
      %add3A_657 = arith.constant 4 : i32
      %add3A_658 = arith.addi %add3A_595, %add3A_657 : i32
      %get3A_659 = arith.index_cast %add3A_658 : i32 to index
      %get3A_660 = memref.load %arg8[%get3A_659] : memref<1024xi32, #tpu.memory_space<smem>>
      %dma_start3A_661 = arith.constant 4 : i32
      %dma_start3A_662 = arith.constant 4 : i32
      %dma_start3A_663 = tpu.memref_slice %arg10[%dma_start3A_662] : memref<8x!tpu.dma_semaphore, #tpu.memory_space<semaphore_mem>> -> memref<1x!tpu.dma_semaphore, #tpu.memory_space<semaphore_mem>>
      %dma_start3A_664 = tpu.memref_squeeze %dma_start3A_663 : memref<1x!tpu.dma_semaphore, #tpu.memory_space<semaphore_mem>> -> memref<!tpu.dma_semaphore, #tpu.memory_space<semaphore_mem>>
      %dma_start3A_665 = arith.constant 4 : i32
      %dma_start3A_666 = arith.constant 0 : i32
      %dma_start3A_667 = tpu.memref_slice %arg9[%dma_start3A_661, %dma_start3A_665, %dma_start3A_666] : memref<8x8x4096xf32, #tpu.memory_space<vmem_shared>> -> memref<1x1x4096xf32, #tpu.memory_space<vmem_shared>>
      %dma_start3A_668 = tpu.memref_squeeze %dma_start3A_667 : memref<1x1x4096xf32, #tpu.memory_space<vmem_shared>> -> memref<1x4096xf32, #tpu.memory_space<vmem_shared>>
      %dma_start3A_669 = arith.constant 0 : i32
      %dma_start3A_670 = tpu.memref_slice %arg2[%get3A_660, %dma_start3A_669] : memref<2048x4096xf32, #tpu.memory_space<hbm>> -> memref<1x4096xf32, #tpu.memory_space<hbm>>
      tpu.enqueue_dma source(%dma_start3A_670 : memref<1x4096xf32, #tpu.memory_space<hbm>>) target(%dma_start3A_668 : memref<1x4096xf32, #tpu.memory_space<vmem_shared>>) target_semaphore(%dma_start3A_664 : memref<!tpu.dma_semaphore, #tpu.memory_space<semaphore_mem>>)
      %add3A_671 = arith.constant 5 : i32
      %add3A_672 = arith.addi %add3A_595, %add3A_671 : i32
      %get3A_673 = arith.index_cast %add3A_672 : i32 to index
      %get3A_674 = memref.load %arg8[%get3A_673] : memref<1024xi32, #tpu.memory_space<smem>>
      %dma_start3A_675 = arith.constant 4 : i32
      %dma_start3A_676 = arith.constant 4 : i32
      %dma_start3A_677 = tpu.memref_slice %arg10[%dma_start3A_676] : memref<8x!tpu.dma_semaphore, #tpu.memory_space<semaphore_mem>> -> memref<1x!tpu.dma_semaphore, #tpu.memory_space<semaphore_mem>>
      %dma_start3A_678 = tpu.memref_squeeze %dma_start3A_677 : memref<1x!tpu.dma_semaphore, #tpu.memory_space<semaphore_mem>> -> memref<!tpu.dma_semaphore, #tpu.memory_space<semaphore_mem>>
      %dma_start3A_679 = arith.constant 5 : i32
      %dma_start3A_680 = arith.constant 0 : i32
      %dma_start3A_681 = tpu.memref_slice %arg9[%dma_start3A_675, %dma_start3A_679, %dma_start3A_680] : memref<8x8x4096xf32, #tpu.memory_space<vmem_shared>> -> memref<1x1x4096xf32, #tpu.memory_space<vmem_shared>>
      %dma_start3A_682 = tpu.memref_squeeze %dma_start3A_681 : memref<1x1x4096xf32, #tpu.memory_space<vmem_shared>> -> memref<1x4096xf32, #tpu.memory_space<vmem_shared>>
      %dma_start3A_683 = arith.constant 0 : i32
      %dma_start3A_684 = tpu.memref_slice %arg2[%get3A_674, %dma_start3A_683] : memref<2048x4096xf32, #tpu.memory_space<hbm>> -> memref<1x4096xf32, #tpu.memory_space<hbm>>
      tpu.enqueue_dma source(%dma_start3A_684 : memref<1x4096xf32, #tpu.memory_space<hbm>>) target(%dma_start3A_682 : memref<1x4096xf32, #tpu.memory_space<vmem_shared>>) target_semaphore(%dma_start3A_678 : memref<!tpu.dma_semaphore, #tpu.memory_space<semaphore_mem>>)
      %add3A_685 = arith.constant 6 : i32
      %add3A_686 = arith.addi %add3A_595, %add3A_685 : i32
      %get3A_687 = arith.index_cast %add3A_686 : i32 to index
      %get3A_688 = memref.load %arg8[%get3A_687] : memref<1024xi32, #tpu.memory_space<smem>>
      %dma_start3A_689 = arith.constant 4 : i32
      %dma_start3A_690 = arith.constant 4 : i32
      %dma_start3A_691 = tpu.memref_slice %arg10[%dma_start3A_690] : memref<8x!tpu.dma_semaphore, #tpu.memory_space<semaphore_mem>> -> memref<1x!tpu.dma_semaphore, #tpu.memory_space<semaphore_mem>>
      %dma_start3A_692 = tpu.memref_squeeze %dma_start3A_691 : memref<1x!tpu.dma_semaphore, #tpu.memory_space<semaphore_mem>> -> memref<!tpu.dma_semaphore, #tpu.memory_space<semaphore_mem>>
      %dma_start3A_693 = arith.constant 6 : i32
      %dma_start3A_694 = arith.constant 0 : i32
      %dma_start3A_695 = tpu.memref_slice %arg9[%dma_start3A_689, %dma_start3A_693, %dma_start3A_694] : memref<8x8x4096xf32, #tpu.memory_space<vmem_shared>> -> memref<1x1x4096xf32, #tpu.memory_space<vmem_shared>>
      %dma_start3A_696 = tpu.memref_squeeze %dma_start3A_695 : memref<1x1x4096xf32, #tpu.memory_space<vmem_shared>> -> memref<1x4096xf32, #tpu.memory_space<vmem_shared>>
      %dma_start3A_697 = arith.constant 0 : i32
      %dma_start3A_698 = tpu.memref_slice %arg2[%get3A_688, %dma_start3A_697] : memref<2048x4096xf32, #tpu.memory_space<hbm>> -> memref<1x4096xf32, #tpu.memory_space<hbm>>
      tpu.enqueue_dma source(%dma_start3A_698 : memref<1x4096xf32, #tpu.memory_space<hbm>>) target(%dma_start3A_696 : memref<1x4096xf32, #tpu.memory_space<vmem_shared>>) target_semaphore(%dma_start3A_692 : memref<!tpu.dma_semaphore, #tpu.memory_space<semaphore_mem>>)
      %add3A_699 = arith.constant 7 : i32
      %add3A_700 = arith.addi %add3A_595, %add3A_699 : i32
      %get3A_701 = arith.index_cast %add3A_700 : i32 to index
      %get3A_702 = memref.load %arg8[%get3A_701] : memref<1024xi32, #tpu.memory_space<smem>>
      %dma_start3A_703 = arith.constant 4 : i32
      %dma_start3A_704 = arith.constant 4 : i32
      %dma_start3A_705 = tpu.memref_slice %arg10[%dma_start3A_704] : memref<8x!tpu.dma_semaphore, #tpu.memory_space<semaphore_mem>> -> memref<1x!tpu.dma_semaphore, #tpu.memory_space<semaphore_mem>>
      %dma_start3A_706 = tpu.memref_squeeze %dma_start3A_705 : memref<1x!tpu.dma_semaphore, #tpu.memory_space<semaphore_mem>> -> memref<!tpu.dma_semaphore, #tpu.memory_space<semaphore_mem>>
      %dma_start3A_707 = arith.constant 7 : i32
      %dma_start3A_708 = arith.constant 0 : i32
      %dma_start3A_709 = tpu.memref_slice %arg9[%dma_start3A_703, %dma_start3A_707, %dma_start3A_708] : memref<8x8x4096xf32, #tpu.memory_space<vmem_shared>> -> memref<1x1x4096xf32, #tpu.memory_space<vmem_shared>>
      %dma_start3A_710 = tpu.memref_squeeze %dma_start3A_709 : memref<1x1x4096xf32, #tpu.memory_space<vmem_shared>> -> memref<1x4096xf32, #tpu.memory_space<vmem_shared>>
      %dma_start3A_711 = arith.constant 0 : i32
      %dma_start3A_712 = tpu.memref_slice %arg2[%get3A_702, %dma_start3A_711] : memref<2048x4096xf32, #tpu.memory_space<hbm>> -> memref<1x4096xf32, #tpu.memory_space<hbm>>
      tpu.enqueue_dma source(%dma_start3A_712 : memref<1x4096xf32, #tpu.memory_space<hbm>>) target(%dma_start3A_710 : memref<1x4096xf32, #tpu.memory_space<vmem_shared>>) target_semaphore(%dma_start3A_706 : memref<!tpu.dma_semaphore, #tpu.memory_space<semaphore_mem>>)
      %mul3A_713 = arith.constant 8 : i32
      %mul3A_714 = arith.muli %scan3A_102, %mul3A_713 : i32
      %mul3A_715 = arith.constant 8 : i32
      %mul3A_716 = arith.muli %mul3A_714, %mul3A_715 : i32
      %add3A_717 = arith.constant 40 : i32
      %add3A_718 = arith.addi %mul3A_716, %add3A_717 : i32
      %gt3A_719 = arith.constant 0 : i32
      %gt3A_720 = arith.cmpi sgt, %scan3A_102, %gt3A_719 : i32
      %convert_element_type3A_721 = arith.extui %gt3A_720 : i1 to i32
      %cond3A_722 = arith.constant 0 : i32
      %cond3A_723 = arith.cmpi ne, %convert_element_type3A_721, %cond3A_722 : i32
      scf.if %cond3A_723 {
        %add3A_1306 = arith.addi %add3A_1, %add3A_718 : i32
        %sub3A = arith.constant 64 : i32
        %sub3A_1307 = arith.subi %add3A_1306, %sub3A : i32
        %dma_wait3A_1308 = arith.constant 5 : i32
        %dma_wait3A_1309 = arith.constant 5 : i32
        %dma_wait3A_1310 = tpu.memref_slice %arg11[%dma_wait3A_1309] : memref<8x!tpu.dma_semaphore, #tpu.memory_space<semaphore_mem>> -> memref<1x!tpu.dma_semaphore, #tpu.memory_space<semaphore_mem>>
        %dma_wait3A_1311 = tpu.memref_squeeze %dma_wait3A_1310 : memref<1x!tpu.dma_semaphore, #tpu.memory_space<semaphore_mem>> -> memref<!tpu.dma_semaphore, #tpu.memory_space<semaphore_mem>>
        %dma_wait3A_1312 = arith.constant 0 : i32
        %dma_wait3A_1313 = tpu.memref_slice %arg3[%sub3A_1307, %dma_wait3A_1312] : memref<8192x4096xf32, #tpu.memory_space<hbm>> -> memref<8x4096xf32, #tpu.memory_space<hbm>>
        %dma_wait3A_1314 = arith.constant 0 : i32
        %dma_wait3A_1315 = arith.constant 0 : i32
        %dma_wait3A_1316 = tpu.memref_slice %arg9[%dma_wait3A_1308, %dma_wait3A_1314, %dma_wait3A_1315] : memref<8x8x4096xf32, #tpu.memory_space<vmem_shared>> -> memref<1x8x4096xf32, #tpu.memory_space<vmem_shared>>
        %dma_wait3A_1317 = tpu.memref_squeeze %dma_wait3A_1316 : memref<1x8x4096xf32, #tpu.memory_space<vmem_shared>> -> memref<8x4096xf32, #tpu.memory_space<vmem_shared>>
        tpu.wait_dma2 semaphore(%dma_wait3A_1311 : memref<!tpu.dma_semaphore, #tpu.memory_space<semaphore_mem>>) src(%dma_wait3A_1317 : memref<8x4096xf32, #tpu.memory_space<vmem_shared>>) dst(%dma_wait3A_1313 : memref<8x4096xf32, #tpu.memory_space<hbm>>)
      } else {
      }
      %add3A_724 = arith.constant 0 : i32
      %add3A_725 = arith.addi %add3A_718, %add3A_724 : i32
      %get3A_726 = arith.index_cast %add3A_725 : i32 to index
      %get3A_727 = memref.load %arg8[%get3A_726] : memref<1024xi32, #tpu.memory_space<smem>>
      %dma_start3A_728 = arith.constant 5 : i32
      %dma_start3A_729 = arith.constant 5 : i32
      %dma_start3A_730 = tpu.memref_slice %arg10[%dma_start3A_729] : memref<8x!tpu.dma_semaphore, #tpu.memory_space<semaphore_mem>> -> memref<1x!tpu.dma_semaphore, #tpu.memory_space<semaphore_mem>>
      %dma_start3A_731 = tpu.memref_squeeze %dma_start3A_730 : memref<1x!tpu.dma_semaphore, #tpu.memory_space<semaphore_mem>> -> memref<!tpu.dma_semaphore, #tpu.memory_space<semaphore_mem>>
      %dma_start3A_732 = arith.constant 0 : i32
      %dma_start3A_733 = arith.constant 0 : i32
      %dma_start3A_734 = tpu.memref_slice %arg9[%dma_start3A_728, %dma_start3A_732, %dma_start3A_733] : memref<8x8x4096xf32, #tpu.memory_space<vmem_shared>> -> memref<1x1x4096xf32, #tpu.memory_space<vmem_shared>>
      %dma_start3A_735 = tpu.memref_squeeze %dma_start3A_734 : memref<1x1x4096xf32, #tpu.memory_space<vmem_shared>> -> memref<1x4096xf32, #tpu.memory_space<vmem_shared>>
      %dma_start3A_736 = arith.constant 0 : i32
      %dma_start3A_737 = tpu.memref_slice %arg2[%get3A_727, %dma_start3A_736] : memref<2048x4096xf32, #tpu.memory_space<hbm>> -> memref<1x4096xf32, #tpu.memory_space<hbm>>
      tpu.enqueue_dma source(%dma_start3A_737 : memref<1x4096xf32, #tpu.memory_space<hbm>>) target(%dma_start3A_735 : memref<1x4096xf32, #tpu.memory_space<vmem_shared>>) target_semaphore(%dma_start3A_731 : memref<!tpu.dma_semaphore, #tpu.memory_space<semaphore_mem>>)
      %add3A_738 = arith.constant 1 : i32
      %add3A_739 = arith.addi %add3A_718, %add3A_738 : i32
      %get3A_740 = arith.index_cast %add3A_739 : i32 to index
      %get3A_741 = memref.load %arg8[%get3A_740] : memref<1024xi32, #tpu.memory_space<smem>>
      %dma_start3A_742 = arith.constant 5 : i32
      %dma_start3A_743 = arith.constant 5 : i32
      %dma_start3A_744 = tpu.memref_slice %arg10[%dma_start3A_743] : memref<8x!tpu.dma_semaphore, #tpu.memory_space<semaphore_mem>> -> memref<1x!tpu.dma_semaphore, #tpu.memory_space<semaphore_mem>>
      %dma_start3A_745 = tpu.memref_squeeze %dma_start3A_744 : memref<1x!tpu.dma_semaphore, #tpu.memory_space<semaphore_mem>> -> memref<!tpu.dma_semaphore, #tpu.memory_space<semaphore_mem>>
      %dma_start3A_746 = arith.constant 1 : i32
      %dma_start3A_747 = arith.constant 0 : i32
      %dma_start3A_748 = tpu.memref_slice %arg9[%dma_start3A_742, %dma_start3A_746, %dma_start3A_747] : memref<8x8x4096xf32, #tpu.memory_space<vmem_shared>> -> memref<1x1x4096xf32, #tpu.memory_space<vmem_shared>>
      %dma_start3A_749 = tpu.memref_squeeze %dma_start3A_748 : memref<1x1x4096xf32, #tpu.memory_space<vmem_shared>> -> memref<1x4096xf32, #tpu.memory_space<vmem_shared>>
      %dma_start3A_750 = arith.constant 0 : i32
      %dma_start3A_751 = tpu.memref_slice %arg2[%get3A_741, %dma_start3A_750] : memref<2048x4096xf32, #tpu.memory_space<hbm>> -> memref<1x4096xf32, #tpu.memory_space<hbm>>
      tpu.enqueue_dma source(%dma_start3A_751 : memref<1x4096xf32, #tpu.memory_space<hbm>>) target(%dma_start3A_749 : memref<1x4096xf32, #tpu.memory_space<vmem_shared>>) target_semaphore(%dma_start3A_745 : memref<!tpu.dma_semaphore, #tpu.memory_space<semaphore_mem>>)
      %add3A_752 = arith.constant 2 : i32
      %add3A_753 = arith.addi %add3A_718, %add3A_752 : i32
      %get3A_754 = arith.index_cast %add3A_753 : i32 to index
      %get3A_755 = memref.load %arg8[%get3A_754] : memref<1024xi32, #tpu.memory_space<smem>>
      %dma_start3A_756 = arith.constant 5 : i32
      %dma_start3A_757 = arith.constant 5 : i32
      %dma_start3A_758 = tpu.memref_slice %arg10[%dma_start3A_757] : memref<8x!tpu.dma_semaphore, #tpu.memory_space<semaphore_mem>> -> memref<1x!tpu.dma_semaphore, #tpu.memory_space<semaphore_mem>>
      %dma_start3A_759 = tpu.memref_squeeze %dma_start3A_758 : memref<1x!tpu.dma_semaphore, #tpu.memory_space<semaphore_mem>> -> memref<!tpu.dma_semaphore, #tpu.memory_space<semaphore_mem>>
      %dma_start3A_760 = arith.constant 2 : i32
      %dma_start3A_761 = arith.constant 0 : i32
      %dma_start3A_762 = tpu.memref_slice %arg9[%dma_start3A_756, %dma_start3A_760, %dma_start3A_761] : memref<8x8x4096xf32, #tpu.memory_space<vmem_shared>> -> memref<1x1x4096xf32, #tpu.memory_space<vmem_shared>>
      %dma_start3A_763 = tpu.memref_squeeze %dma_start3A_762 : memref<1x1x4096xf32, #tpu.memory_space<vmem_shared>> -> memref<1x4096xf32, #tpu.memory_space<vmem_shared>>
      %dma_start3A_764 = arith.constant 0 : i32
      %dma_start3A_765 = tpu.memref_slice %arg2[%get3A_755, %dma_start3A_764] : memref<2048x4096xf32, #tpu.memory_space<hbm>> -> memref<1x4096xf32, #tpu.memory_space<hbm>>
      tpu.enqueue_dma source(%dma_start3A_765 : memref<1x4096xf32, #tpu.memory_space<hbm>>) target(%dma_start3A_763 : memref<1x4096xf32, #tpu.memory_space<vmem_shared>>) target_semaphore(%dma_start3A_759 : memref<!tpu.dma_semaphore, #tpu.memory_space<semaphore_mem>>)
      %add3A_766 = arith.constant 3 : i32
      %add3A_767 = arith.addi %add3A_718, %add3A_766 : i32
      %get3A_768 = arith.index_cast %add3A_767 : i32 to index
      %get3A_769 = memref.load %arg8[%get3A_768] : memref<1024xi32, #tpu.memory_space<smem>>
      %dma_start3A_770 = arith.constant 5 : i32
      %dma_start3A_771 = arith.constant 5 : i32
      %dma_start3A_772 = tpu.memref_slice %arg10[%dma_start3A_771] : memref<8x!tpu.dma_semaphore, #tpu.memory_space<semaphore_mem>> -> memref<1x!tpu.dma_semaphore, #tpu.memory_space<semaphore_mem>>
      %dma_start3A_773 = tpu.memref_squeeze %dma_start3A_772 : memref<1x!tpu.dma_semaphore, #tpu.memory_space<semaphore_mem>> -> memref<!tpu.dma_semaphore, #tpu.memory_space<semaphore_mem>>
      %dma_start3A_774 = arith.constant 3 : i32
      %dma_start3A_775 = arith.constant 0 : i32
      %dma_start3A_776 = tpu.memref_slice %arg9[%dma_start3A_770, %dma_start3A_774, %dma_start3A_775] : memref<8x8x4096xf32, #tpu.memory_space<vmem_shared>> -> memref<1x1x4096xf32, #tpu.memory_space<vmem_shared>>
      %dma_start3A_777 = tpu.memref_squeeze %dma_start3A_776 : memref<1x1x4096xf32, #tpu.memory_space<vmem_shared>> -> memref<1x4096xf32, #tpu.memory_space<vmem_shared>>
      %dma_start3A_778 = arith.constant 0 : i32
      %dma_start3A_779 = tpu.memref_slice %arg2[%get3A_769, %dma_start3A_778] : memref<2048x4096xf32, #tpu.memory_space<hbm>> -> memref<1x4096xf32, #tpu.memory_space<hbm>>
      tpu.enqueue_dma source(%dma_start3A_779 : memref<1x4096xf32, #tpu.memory_space<hbm>>) target(%dma_start3A_777 : memref<1x4096xf32, #tpu.memory_space<vmem_shared>>) target_semaphore(%dma_start3A_773 : memref<!tpu.dma_semaphore, #tpu.memory_space<semaphore_mem>>)
      %add3A_780 = arith.constant 4 : i32
      %add3A_781 = arith.addi %add3A_718, %add3A_780 : i32
      %get3A_782 = arith.index_cast %add3A_781 : i32 to index
      %get3A_783 = memref.load %arg8[%get3A_782] : memref<1024xi32, #tpu.memory_space<smem>>
      %dma_start3A_784 = arith.constant 5 : i32
      %dma_start3A_785 = arith.constant 5 : i32
      %dma_start3A_786 = tpu.memref_slice %arg10[%dma_start3A_785] : memref<8x!tpu.dma_semaphore, #tpu.memory_space<semaphore_mem>> -> memref<1x!tpu.dma_semaphore, #tpu.memory_space<semaphore_mem>>
      %dma_start3A_787 = tpu.memref_squeeze %dma_start3A_786 : memref<1x!tpu.dma_semaphore, #tpu.memory_space<semaphore_mem>> -> memref<!tpu.dma_semaphore, #tpu.memory_space<semaphore_mem>>
      %dma_start3A_788 = arith.constant 4 : i32
      %dma_start3A_789 = arith.constant 0 : i32
      %dma_start3A_790 = tpu.memref_slice %arg9[%dma_start3A_784, %dma_start3A_788, %dma_start3A_789] : memref<8x8x4096xf32, #tpu.memory_space<vmem_shared>> -> memref<1x1x4096xf32, #tpu.memory_space<vmem_shared>>
      %dma_start3A_791 = tpu.memref_squeeze %dma_start3A_790 : memref<1x1x4096xf32, #tpu.memory_space<vmem_shared>> -> memref<1x4096xf32, #tpu.memory_space<vmem_shared>>
      %dma_start3A_792 = arith.constant 0 : i32
      %dma_start3A_793 = tpu.memref_slice %arg2[%get3A_783, %dma_start3A_792] : memref<2048x4096xf32, #tpu.memory_space<hbm>> -> memref<1x4096xf32, #tpu.memory_space<hbm>>
      tpu.enqueue_dma source(%dma_start3A_793 : memref<1x4096xf32, #tpu.memory_space<hbm>>) target(%dma_start3A_791 : memref<1x4096xf32, #tpu.memory_space<vmem_shared>>) target_semaphore(%dma_start3A_787 : memref<!tpu.dma_semaphore, #tpu.memory_space<semaphore_mem>>)
      %add3A_794 = arith.constant 5 : i32
      %add3A_795 = arith.addi %add3A_718, %add3A_794 : i32
      %get3A_796 = arith.index_cast %add3A_795 : i32 to index
      %get3A_797 = memref.load %arg8[%get3A_796] : memref<1024xi32, #tpu.memory_space<smem>>
      %dma_start3A_798 = arith.constant 5 : i32
      %dma_start3A_799 = arith.constant 5 : i32
      %dma_start3A_800 = tpu.memref_slice %arg10[%dma_start3A_799] : memref<8x!tpu.dma_semaphore, #tpu.memory_space<semaphore_mem>> -> memref<1x!tpu.dma_semaphore, #tpu.memory_space<semaphore_mem>>
      %dma_start3A_801 = tpu.memref_squeeze %dma_start3A_800 : memref<1x!tpu.dma_semaphore, #tpu.memory_space<semaphore_mem>> -> memref<!tpu.dma_semaphore, #tpu.memory_space<semaphore_mem>>
      %dma_start3A_802 = arith.constant 5 : i32
      %dma_start3A_803 = arith.constant 0 : i32
      %dma_start3A_804 = tpu.memref_slice %arg9[%dma_start3A_798, %dma_start3A_802, %dma_start3A_803] : memref<8x8x4096xf32, #tpu.memory_space<vmem_shared>> -> memref<1x1x4096xf32, #tpu.memory_space<vmem_shared>>
      %dma_start3A_805 = tpu.memref_squeeze %dma_start3A_804 : memref<1x1x4096xf32, #tpu.memory_space<vmem_shared>> -> memref<1x4096xf32, #tpu.memory_space<vmem_shared>>
      %dma_start3A_806 = arith.constant 0 : i32
      %dma_start3A_807 = tpu.memref_slice %arg2[%get3A_797, %dma_start3A_806] : memref<2048x4096xf32, #tpu.memory_space<hbm>> -> memref<1x4096xf32, #tpu.memory_space<hbm>>
      tpu.enqueue_dma source(%dma_start3A_807 : memref<1x4096xf32, #tpu.memory_space<hbm>>) target(%dma_start3A_805 : memref<1x4096xf32, #tpu.memory_space<vmem_shared>>) target_semaphore(%dma_start3A_801 : memref<!tpu.dma_semaphore, #tpu.memory_space<semaphore_mem>>)
      %add3A_808 = arith.constant 6 : i32
      %add3A_809 = arith.addi %add3A_718, %add3A_808 : i32
      %get3A_810 = arith.index_cast %add3A_809 : i32 to index
      %get3A_811 = memref.load %arg8[%get3A_810] : memref<1024xi32, #tpu.memory_space<smem>>
      %dma_start3A_812 = arith.constant 5 : i32
      %dma_start3A_813 = arith.constant 5 : i32
      %dma_start3A_814 = tpu.memref_slice %arg10[%dma_start3A_813] : memref<8x!tpu.dma_semaphore, #tpu.memory_space<semaphore_mem>> -> memref<1x!tpu.dma_semaphore, #tpu.memory_space<semaphore_mem>>
      %dma_start3A_815 = tpu.memref_squeeze %dma_start3A_814 : memref<1x!tpu.dma_semaphore, #tpu.memory_space<semaphore_mem>> -> memref<!tpu.dma_semaphore, #tpu.memory_space<semaphore_mem>>
      %dma_start3A_816 = arith.constant 6 : i32
      %dma_start3A_817 = arith.constant 0 : i32
      %dma_start3A_818 = tpu.memref_slice %arg9[%dma_start3A_812, %dma_start3A_816, %dma_start3A_817] : memref<8x8x4096xf32, #tpu.memory_space<vmem_shared>> -> memref<1x1x4096xf32, #tpu.memory_space<vmem_shared>>
      %dma_start3A_819 = tpu.memref_squeeze %dma_start3A_818 : memref<1x1x4096xf32, #tpu.memory_space<vmem_shared>> -> memref<1x4096xf32, #tpu.memory_space<vmem_shared>>
      %dma_start3A_820 = arith.constant 0 : i32
      %dma_start3A_821 = tpu.memref_slice %arg2[%get3A_811, %dma_start3A_820] : memref<2048x4096xf32, #tpu.memory_space<hbm>> -> memref<1x4096xf32, #tpu.memory_space<hbm>>
      tpu.enqueue_dma source(%dma_start3A_821 : memref<1x4096xf32, #tpu.memory_space<hbm>>) target(%dma_start3A_819 : memref<1x4096xf32, #tpu.memory_space<vmem_shared>>) target_semaphore(%dma_start3A_815 : memref<!tpu.dma_semaphore, #tpu.memory_space<semaphore_mem>>)
      %add3A_822 = arith.constant 7 : i32
      %add3A_823 = arith.addi %add3A_718, %add3A_822 : i32
      %get3A_824 = arith.index_cast %add3A_823 : i32 to index
      %get3A_825 = memref.load %arg8[%get3A_824] : memref<1024xi32, #tpu.memory_space<smem>>
      %dma_start3A_826 = arith.constant 5 : i32
      %dma_start3A_827 = arith.constant 5 : i32
      %dma_start3A_828 = tpu.memref_slice %arg10[%dma_start3A_827] : memref<8x!tpu.dma_semaphore, #tpu.memory_space<semaphore_mem>> -> memref<1x!tpu.dma_semaphore, #tpu.memory_space<semaphore_mem>>
      %dma_start3A_829 = tpu.memref_squeeze %dma_start3A_828 : memref<1x!tpu.dma_semaphore, #tpu.memory_space<semaphore_mem>> -> memref<!tpu.dma_semaphore, #tpu.memory_space<semaphore_mem>>
      %dma_start3A_830 = arith.constant 7 : i32
      %dma_start3A_831 = arith.constant 0 : i32
      %dma_start3A_832 = tpu.memref_slice %arg9[%dma_start3A_826, %dma_start3A_830, %dma_start3A_831] : memref<8x8x4096xf32, #tpu.memory_space<vmem_shared>> -> memref<1x1x4096xf32, #tpu.memory_space<vmem_shared>>
      %dma_start3A_833 = tpu.memref_squeeze %dma_start3A_832 : memref<1x1x4096xf32, #tpu.memory_space<vmem_shared>> -> memref<1x4096xf32, #tpu.memory_space<vmem_shared>>
      %dma_start3A_834 = arith.constant 0 : i32
      %dma_start3A_835 = tpu.memref_slice %arg2[%get3A_825, %dma_start3A_834] : memref<2048x4096xf32, #tpu.memory_space<hbm>> -> memref<1x4096xf32, #tpu.memory_space<hbm>>
      tpu.enqueue_dma source(%dma_start3A_835 : memref<1x4096xf32, #tpu.memory_space<hbm>>) target(%dma_start3A_833 : memref<1x4096xf32, #tpu.memory_space<vmem_shared>>) target_semaphore(%dma_start3A_829 : memref<!tpu.dma_semaphore, #tpu.memory_space<semaphore_mem>>)
      %mul3A_836 = arith.constant 8 : i32
      %mul3A_837 = arith.muli %scan3A_102, %mul3A_836 : i32
      %mul3A_838 = arith.constant 8 : i32
      %mul3A_839 = arith.muli %mul3A_837, %mul3A_838 : i32
      %add3A_840 = arith.constant 48 : i32
      %add3A_841 = arith.addi %mul3A_839, %add3A_840 : i32
      %gt3A_842 = arith.constant 0 : i32
      %gt3A_843 = arith.cmpi sgt, %scan3A_102, %gt3A_842 : i32
      %convert_element_type3A_844 = arith.extui %gt3A_843 : i1 to i32
      %cond3A_845 = arith.constant 0 : i32
      %cond3A_846 = arith.cmpi ne, %convert_element_type3A_844, %cond3A_845 : i32
      scf.if %cond3A_846 {
        %add3A_1306 = arith.addi %add3A_1, %add3A_841 : i32
        %sub3A = arith.constant 64 : i32
        %sub3A_1307 = arith.subi %add3A_1306, %sub3A : i32
        %dma_wait3A_1308 = arith.constant 6 : i32
        %dma_wait3A_1309 = arith.constant 6 : i32
        %dma_wait3A_1310 = tpu.memref_slice %arg11[%dma_wait3A_1309] : memref<8x!tpu.dma_semaphore, #tpu.memory_space<semaphore_mem>> -> memref<1x!tpu.dma_semaphore, #tpu.memory_space<semaphore_mem>>
        %dma_wait3A_1311 = tpu.memref_squeeze %dma_wait3A_1310 : memref<1x!tpu.dma_semaphore, #tpu.memory_space<semaphore_mem>> -> memref<!tpu.dma_semaphore, #tpu.memory_space<semaphore_mem>>
        %dma_wait3A_1312 = arith.constant 0 : i32
        %dma_wait3A_1313 = tpu.memref_slice %arg3[%sub3A_1307, %dma_wait3A_1312] : memref<8192x4096xf32, #tpu.memory_space<hbm>> -> memref<8x4096xf32, #tpu.memory_space<hbm>>
        %dma_wait3A_1314 = arith.constant 0 : i32
        %dma_wait3A_1315 = arith.constant 0 : i32
        %dma_wait3A_1316 = tpu.memref_slice %arg9[%dma_wait3A_1308, %dma_wait3A_1314, %dma_wait3A_1315] : memref<8x8x4096xf32, #tpu.memory_space<vmem_shared>> -> memref<1x8x4096xf32, #tpu.memory_space<vmem_shared>>
        %dma_wait3A_1317 = tpu.memref_squeeze %dma_wait3A_1316 : memref<1x8x4096xf32, #tpu.memory_space<vmem_shared>> -> memref<8x4096xf32, #tpu.memory_space<vmem_shared>>
        tpu.wait_dma2 semaphore(%dma_wait3A_1311 : memref<!tpu.dma_semaphore, #tpu.memory_space<semaphore_mem>>) src(%dma_wait3A_1317 : memref<8x4096xf32, #tpu.memory_space<vmem_shared>>) dst(%dma_wait3A_1313 : memref<8x4096xf32, #tpu.memory_space<hbm>>)
      } else {
      }
      %add3A_847 = arith.constant 0 : i32
      %add3A_848 = arith.addi %add3A_841, %add3A_847 : i32
      %get3A_849 = arith.index_cast %add3A_848 : i32 to index
      %get3A_850 = memref.load %arg8[%get3A_849] : memref<1024xi32, #tpu.memory_space<smem>>
      %dma_start3A_851 = arith.constant 6 : i32
      %dma_start3A_852 = arith.constant 6 : i32
      %dma_start3A_853 = tpu.memref_slice %arg10[%dma_start3A_852] : memref<8x!tpu.dma_semaphore, #tpu.memory_space<semaphore_mem>> -> memref<1x!tpu.dma_semaphore, #tpu.memory_space<semaphore_mem>>
      %dma_start3A_854 = tpu.memref_squeeze %dma_start3A_853 : memref<1x!tpu.dma_semaphore, #tpu.memory_space<semaphore_mem>> -> memref<!tpu.dma_semaphore, #tpu.memory_space<semaphore_mem>>
      %dma_start3A_855 = arith.constant 0 : i32
      %dma_start3A_856 = arith.constant 0 : i32
      %dma_start3A_857 = tpu.memref_slice %arg9[%dma_start3A_851, %dma_start3A_855, %dma_start3A_856] : memref<8x8x4096xf32, #tpu.memory_space<vmem_shared>> -> memref<1x1x4096xf32, #tpu.memory_space<vmem_shared>>
      %dma_start3A_858 = tpu.memref_squeeze %dma_start3A_857 : memref<1x1x4096xf32, #tpu.memory_space<vmem_shared>> -> memref<1x4096xf32, #tpu.memory_space<vmem_shared>>
      %dma_start3A_859 = arith.constant 0 : i32
      %dma_start3A_860 = tpu.memref_slice %arg2[%get3A_850, %dma_start3A_859] : memref<2048x4096xf32, #tpu.memory_space<hbm>> -> memref<1x4096xf32, #tpu.memory_space<hbm>>
      tpu.enqueue_dma source(%dma_start3A_860 : memref<1x4096xf32, #tpu.memory_space<hbm>>) target(%dma_start3A_858 : memref<1x4096xf32, #tpu.memory_space<vmem_shared>>) target_semaphore(%dma_start3A_854 : memref<!tpu.dma_semaphore, #tpu.memory_space<semaphore_mem>>)
      %add3A_861 = arith.constant 1 : i32
      %add3A_862 = arith.addi %add3A_841, %add3A_861 : i32
      %get3A_863 = arith.index_cast %add3A_862 : i32 to index
      %get3A_864 = memref.load %arg8[%get3A_863] : memref<1024xi32, #tpu.memory_space<smem>>
      %dma_start3A_865 = arith.constant 6 : i32
      %dma_start3A_866 = arith.constant 6 : i32
      %dma_start3A_867 = tpu.memref_slice %arg10[%dma_start3A_866] : memref<8x!tpu.dma_semaphore, #tpu.memory_space<semaphore_mem>> -> memref<1x!tpu.dma_semaphore, #tpu.memory_space<semaphore_mem>>
      %dma_start3A_868 = tpu.memref_squeeze %dma_start3A_867 : memref<1x!tpu.dma_semaphore, #tpu.memory_space<semaphore_mem>> -> memref<!tpu.dma_semaphore, #tpu.memory_space<semaphore_mem>>
      %dma_start3A_869 = arith.constant 1 : i32
      %dma_start3A_870 = arith.constant 0 : i32
      %dma_start3A_871 = tpu.memref_slice %arg9[%dma_start3A_865, %dma_start3A_869, %dma_start3A_870] : memref<8x8x4096xf32, #tpu.memory_space<vmem_shared>> -> memref<1x1x4096xf32, #tpu.memory_space<vmem_shared>>
      %dma_start3A_872 = tpu.memref_squeeze %dma_start3A_871 : memref<1x1x4096xf32, #tpu.memory_space<vmem_shared>> -> memref<1x4096xf32, #tpu.memory_space<vmem_shared>>
      %dma_start3A_873 = arith.constant 0 : i32
      %dma_start3A_874 = tpu.memref_slice %arg2[%get3A_864, %dma_start3A_873] : memref<2048x4096xf32, #tpu.memory_space<hbm>> -> memref<1x4096xf32, #tpu.memory_space<hbm>>
      tpu.enqueue_dma source(%dma_start3A_874 : memref<1x4096xf32, #tpu.memory_space<hbm>>) target(%dma_start3A_872 : memref<1x4096xf32, #tpu.memory_space<vmem_shared>>) target_semaphore(%dma_start3A_868 : memref<!tpu.dma_semaphore, #tpu.memory_space<semaphore_mem>>)
      %add3A_875 = arith.constant 2 : i32
      %add3A_876 = arith.addi %add3A_841, %add3A_875 : i32
      %get3A_877 = arith.index_cast %add3A_876 : i32 to index
      %get3A_878 = memref.load %arg8[%get3A_877] : memref<1024xi32, #tpu.memory_space<smem>>
      %dma_start3A_879 = arith.constant 6 : i32
      %dma_start3A_880 = arith.constant 6 : i32
      %dma_start3A_881 = tpu.memref_slice %arg10[%dma_start3A_880] : memref<8x!tpu.dma_semaphore, #tpu.memory_space<semaphore_mem>> -> memref<1x!tpu.dma_semaphore, #tpu.memory_space<semaphore_mem>>
      %dma_start3A_882 = tpu.memref_squeeze %dma_start3A_881 : memref<1x!tpu.dma_semaphore, #tpu.memory_space<semaphore_mem>> -> memref<!tpu.dma_semaphore, #tpu.memory_space<semaphore_mem>>
      %dma_start3A_883 = arith.constant 2 : i32
      %dma_start3A_884 = arith.constant 0 : i32
      %dma_start3A_885 = tpu.memref_slice %arg9[%dma_start3A_879, %dma_start3A_883, %dma_start3A_884] : memref<8x8x4096xf32, #tpu.memory_space<vmem_shared>> -> memref<1x1x4096xf32, #tpu.memory_space<vmem_shared>>
      %dma_start3A_886 = tpu.memref_squeeze %dma_start3A_885 : memref<1x1x4096xf32, #tpu.memory_space<vmem_shared>> -> memref<1x4096xf32, #tpu.memory_space<vmem_shared>>
      %dma_start3A_887 = arith.constant 0 : i32
      %dma_start3A_888 = tpu.memref_slice %arg2[%get3A_878, %dma_start3A_887] : memref<2048x4096xf32, #tpu.memory_space<hbm>> -> memref<1x4096xf32, #tpu.memory_space<hbm>>
      tpu.enqueue_dma source(%dma_start3A_888 : memref<1x4096xf32, #tpu.memory_space<hbm>>) target(%dma_start3A_886 : memref<1x4096xf32, #tpu.memory_space<vmem_shared>>) target_semaphore(%dma_start3A_882 : memref<!tpu.dma_semaphore, #tpu.memory_space<semaphore_mem>>)
      %add3A_889 = arith.constant 3 : i32
      %add3A_890 = arith.addi %add3A_841, %add3A_889 : i32
      %get3A_891 = arith.index_cast %add3A_890 : i32 to index
      %get3A_892 = memref.load %arg8[%get3A_891] : memref<1024xi32, #tpu.memory_space<smem>>
      %dma_start3A_893 = arith.constant 6 : i32
      %dma_start3A_894 = arith.constant 6 : i32
      %dma_start3A_895 = tpu.memref_slice %arg10[%dma_start3A_894] : memref<8x!tpu.dma_semaphore, #tpu.memory_space<semaphore_mem>> -> memref<1x!tpu.dma_semaphore, #tpu.memory_space<semaphore_mem>>
      %dma_start3A_896 = tpu.memref_squeeze %dma_start3A_895 : memref<1x!tpu.dma_semaphore, #tpu.memory_space<semaphore_mem>> -> memref<!tpu.dma_semaphore, #tpu.memory_space<semaphore_mem>>
      %dma_start3A_897 = arith.constant 3 : i32
      %dma_start3A_898 = arith.constant 0 : i32
      %dma_start3A_899 = tpu.memref_slice %arg9[%dma_start3A_893, %dma_start3A_897, %dma_start3A_898] : memref<8x8x4096xf32, #tpu.memory_space<vmem_shared>> -> memref<1x1x4096xf32, #tpu.memory_space<vmem_shared>>
      %dma_start3A_900 = tpu.memref_squeeze %dma_start3A_899 : memref<1x1x4096xf32, #tpu.memory_space<vmem_shared>> -> memref<1x4096xf32, #tpu.memory_space<vmem_shared>>
      %dma_start3A_901 = arith.constant 0 : i32
      %dma_start3A_902 = tpu.memref_slice %arg2[%get3A_892, %dma_start3A_901] : memref<2048x4096xf32, #tpu.memory_space<hbm>> -> memref<1x4096xf32, #tpu.memory_space<hbm>>
      tpu.enqueue_dma source(%dma_start3A_902 : memref<1x4096xf32, #tpu.memory_space<hbm>>) target(%dma_start3A_900 : memref<1x4096xf32, #tpu.memory_space<vmem_shared>>) target_semaphore(%dma_start3A_896 : memref<!tpu.dma_semaphore, #tpu.memory_space<semaphore_mem>>)
      %add3A_903 = arith.constant 4 : i32
      %add3A_904 = arith.addi %add3A_841, %add3A_903 : i32
      %get3A_905 = arith.index_cast %add3A_904 : i32 to index
      %get3A_906 = memref.load %arg8[%get3A_905] : memref<1024xi32, #tpu.memory_space<smem>>
      %dma_start3A_907 = arith.constant 6 : i32
      %dma_start3A_908 = arith.constant 6 : i32
      %dma_start3A_909 = tpu.memref_slice %arg10[%dma_start3A_908] : memref<8x!tpu.dma_semaphore, #tpu.memory_space<semaphore_mem>> -> memref<1x!tpu.dma_semaphore, #tpu.memory_space<semaphore_mem>>
      %dma_start3A_910 = tpu.memref_squeeze %dma_start3A_909 : memref<1x!tpu.dma_semaphore, #tpu.memory_space<semaphore_mem>> -> memref<!tpu.dma_semaphore, #tpu.memory_space<semaphore_mem>>
      %dma_start3A_911 = arith.constant 4 : i32
      %dma_start3A_912 = arith.constant 0 : i32
      %dma_start3A_913 = tpu.memref_slice %arg9[%dma_start3A_907, %dma_start3A_911, %dma_start3A_912] : memref<8x8x4096xf32, #tpu.memory_space<vmem_shared>> -> memref<1x1x4096xf32, #tpu.memory_space<vmem_shared>>
      %dma_start3A_914 = tpu.memref_squeeze %dma_start3A_913 : memref<1x1x4096xf32, #tpu.memory_space<vmem_shared>> -> memref<1x4096xf32, #tpu.memory_space<vmem_shared>>
      %dma_start3A_915 = arith.constant 0 : i32
      %dma_start3A_916 = tpu.memref_slice %arg2[%get3A_906, %dma_start3A_915] : memref<2048x4096xf32, #tpu.memory_space<hbm>> -> memref<1x4096xf32, #tpu.memory_space<hbm>>
      tpu.enqueue_dma source(%dma_start3A_916 : memref<1x4096xf32, #tpu.memory_space<hbm>>) target(%dma_start3A_914 : memref<1x4096xf32, #tpu.memory_space<vmem_shared>>) target_semaphore(%dma_start3A_910 : memref<!tpu.dma_semaphore, #tpu.memory_space<semaphore_mem>>)
      %add3A_917 = arith.constant 5 : i32
      %add3A_918 = arith.addi %add3A_841, %add3A_917 : i32
      %get3A_919 = arith.index_cast %add3A_918 : i32 to index
      %get3A_920 = memref.load %arg8[%get3A_919] : memref<1024xi32, #tpu.memory_space<smem>>
      %dma_start3A_921 = arith.constant 6 : i32
      %dma_start3A_922 = arith.constant 6 : i32
      %dma_start3A_923 = tpu.memref_slice %arg10[%dma_start3A_922] : memref<8x!tpu.dma_semaphore, #tpu.memory_space<semaphore_mem>> -> memref<1x!tpu.dma_semaphore, #tpu.memory_space<semaphore_mem>>
      %dma_start3A_924 = tpu.memref_squeeze %dma_start3A_923 : memref<1x!tpu.dma_semaphore, #tpu.memory_space<semaphore_mem>> -> memref<!tpu.dma_semaphore, #tpu.memory_space<semaphore_mem>>
      %dma_start3A_925 = arith.constant 5 : i32
      %dma_start3A_926 = arith.constant 0 : i32
      %dma_start3A_927 = tpu.memref_slice %arg9[%dma_start3A_921, %dma_start3A_925, %dma_start3A_926] : memref<8x8x4096xf32, #tpu.memory_space<vmem_shared>> -> memref<1x1x4096xf32, #tpu.memory_space<vmem_shared>>
      %dma_start3A_928 = tpu.memref_squeeze %dma_start3A_927 : memref<1x1x4096xf32, #tpu.memory_space<vmem_shared>> -> memref<1x4096xf32, #tpu.memory_space<vmem_shared>>
      %dma_start3A_929 = arith.constant 0 : i32
      %dma_start3A_930 = tpu.memref_slice %arg2[%get3A_920, %dma_start3A_929] : memref<2048x4096xf32, #tpu.memory_space<hbm>> -> memref<1x4096xf32, #tpu.memory_space<hbm>>
      tpu.enqueue_dma source(%dma_start3A_930 : memref<1x4096xf32, #tpu.memory_space<hbm>>) target(%dma_start3A_928 : memref<1x4096xf32, #tpu.memory_space<vmem_shared>>) target_semaphore(%dma_start3A_924 : memref<!tpu.dma_semaphore, #tpu.memory_space<semaphore_mem>>)
      %add3A_931 = arith.constant 6 : i32
      %add3A_932 = arith.addi %add3A_841, %add3A_931 : i32
      %get3A_933 = arith.index_cast %add3A_932 : i32 to index
      %get3A_934 = memref.load %arg8[%get3A_933] : memref<1024xi32, #tpu.memory_space<smem>>
      %dma_start3A_935 = arith.constant 6 : i32
      %dma_start3A_936 = arith.constant 6 : i32
      %dma_start3A_937 = tpu.memref_slice %arg10[%dma_start3A_936] : memref<8x!tpu.dma_semaphore, #tpu.memory_space<semaphore_mem>> -> memref<1x!tpu.dma_semaphore, #tpu.memory_space<semaphore_mem>>
      %dma_start3A_938 = tpu.memref_squeeze %dma_start3A_937 : memref<1x!tpu.dma_semaphore, #tpu.memory_space<semaphore_mem>> -> memref<!tpu.dma_semaphore, #tpu.memory_space<semaphore_mem>>
      %dma_start3A_939 = arith.constant 6 : i32
      %dma_start3A_940 = arith.constant 0 : i32
      %dma_start3A_941 = tpu.memref_slice %arg9[%dma_start3A_935, %dma_start3A_939, %dma_start3A_940] : memref<8x8x4096xf32, #tpu.memory_space<vmem_shared>> -> memref<1x1x4096xf32, #tpu.memory_space<vmem_shared>>
      %dma_start3A_942 = tpu.memref_squeeze %dma_start3A_941 : memref<1x1x4096xf32, #tpu.memory_space<vmem_shared>> -> memref<1x4096xf32, #tpu.memory_space<vmem_shared>>
      %dma_start3A_943 = arith.constant 0 : i32
      %dma_start3A_944 = tpu.memref_slice %arg2[%get3A_934, %dma_start3A_943] : memref<2048x4096xf32, #tpu.memory_space<hbm>> -> memref<1x4096xf32, #tpu.memory_space<hbm>>
      tpu.enqueue_dma source(%dma_start3A_944 : memref<1x4096xf32, #tpu.memory_space<hbm>>) target(%dma_start3A_942 : memref<1x4096xf32, #tpu.memory_space<vmem_shared>>) target_semaphore(%dma_start3A_938 : memref<!tpu.dma_semaphore, #tpu.memory_space<semaphore_mem>>)
      %add3A_945 = arith.constant 7 : i32
      %add3A_946 = arith.addi %add3A_841, %add3A_945 : i32
      %get3A_947 = arith.index_cast %add3A_946 : i32 to index
      %get3A_948 = memref.load %arg8[%get3A_947] : memref<1024xi32, #tpu.memory_space<smem>>
      %dma_start3A_949 = arith.constant 6 : i32
      %dma_start3A_950 = arith.constant 6 : i32
      %dma_start3A_951 = tpu.memref_slice %arg10[%dma_start3A_950] : memref<8x!tpu.dma_semaphore, #tpu.memory_space<semaphore_mem>> -> memref<1x!tpu.dma_semaphore, #tpu.memory_space<semaphore_mem>>
      %dma_start3A_952 = tpu.memref_squeeze %dma_start3A_951 : memref<1x!tpu.dma_semaphore, #tpu.memory_space<semaphore_mem>> -> memref<!tpu.dma_semaphore, #tpu.memory_space<semaphore_mem>>
      %dma_start3A_953 = arith.constant 7 : i32
      %dma_start3A_954 = arith.constant 0 : i32
      %dma_start3A_955 = tpu.memref_slice %arg9[%dma_start3A_949, %dma_start3A_953, %dma_start3A_954] : memref<8x8x4096xf32, #tpu.memory_space<vmem_shared>> -> memref<1x1x4096xf32, #tpu.memory_space<vmem_shared>>
      %dma_start3A_956 = tpu.memref_squeeze %dma_start3A_955 : memref<1x1x4096xf32, #tpu.memory_space<vmem_shared>> -> memref<1x4096xf32, #tpu.memory_space<vmem_shared>>
      %dma_start3A_957 = arith.constant 0 : i32
      %dma_start3A_958 = tpu.memref_slice %arg2[%get3A_948, %dma_start3A_957] : memref<2048x4096xf32, #tpu.memory_space<hbm>> -> memref<1x4096xf32, #tpu.memory_space<hbm>>
      tpu.enqueue_dma source(%dma_start3A_958 : memref<1x4096xf32, #tpu.memory_space<hbm>>) target(%dma_start3A_956 : memref<1x4096xf32, #tpu.memory_space<vmem_shared>>) target_semaphore(%dma_start3A_952 : memref<!tpu.dma_semaphore, #tpu.memory_space<semaphore_mem>>)
      %mul3A_959 = arith.constant 8 : i32
      %mul3A_960 = arith.muli %scan3A_102, %mul3A_959 : i32
      %mul3A_961 = arith.constant 8 : i32
      %mul3A_962 = arith.muli %mul3A_960, %mul3A_961 : i32
      %add3A_963 = arith.constant 56 : i32
      %add3A_964 = arith.addi %mul3A_962, %add3A_963 : i32
      %gt3A_965 = arith.constant 0 : i32
      %gt3A_966 = arith.cmpi sgt, %scan3A_102, %gt3A_965 : i32
      %convert_element_type3A_967 = arith.extui %gt3A_966 : i1 to i32
      %cond3A_968 = arith.constant 0 : i32
      %cond3A_969 = arith.cmpi ne, %convert_element_type3A_967, %cond3A_968 : i32
      scf.if %cond3A_969 {
        %add3A_1306 = arith.addi %add3A_1, %add3A_964 : i32
        %sub3A = arith.constant 64 : i32
        %sub3A_1307 = arith.subi %add3A_1306, %sub3A : i32
        %dma_wait3A_1308 = arith.constant 7 : i32
        %dma_wait3A_1309 = arith.constant 7 : i32
        %dma_wait3A_1310 = tpu.memref_slice %arg11[%dma_wait3A_1309] : memref<8x!tpu.dma_semaphore, #tpu.memory_space<semaphore_mem>> -> memref<1x!tpu.dma_semaphore, #tpu.memory_space<semaphore_mem>>
        %dma_wait3A_1311 = tpu.memref_squeeze %dma_wait3A_1310 : memref<1x!tpu.dma_semaphore, #tpu.memory_space<semaphore_mem>> -> memref<!tpu.dma_semaphore, #tpu.memory_space<semaphore_mem>>
        %dma_wait3A_1312 = arith.constant 0 : i32
        %dma_wait3A_1313 = tpu.memref_slice %arg3[%sub3A_1307, %dma_wait3A_1312] : memref<8192x4096xf32, #tpu.memory_space<hbm>> -> memref<8x4096xf32, #tpu.memory_space<hbm>>
        %dma_wait3A_1314 = arith.constant 0 : i32
        %dma_wait3A_1315 = arith.constant 0 : i32
        %dma_wait3A_1316 = tpu.memref_slice %arg9[%dma_wait3A_1308, %dma_wait3A_1314, %dma_wait3A_1315] : memref<8x8x4096xf32, #tpu.memory_space<vmem_shared>> -> memref<1x8x4096xf32, #tpu.memory_space<vmem_shared>>
        %dma_wait3A_1317 = tpu.memref_squeeze %dma_wait3A_1316 : memref<1x8x4096xf32, #tpu.memory_space<vmem_shared>> -> memref<8x4096xf32, #tpu.memory_space<vmem_shared>>
        tpu.wait_dma2 semaphore(%dma_wait3A_1311 : memref<!tpu.dma_semaphore, #tpu.memory_space<semaphore_mem>>) src(%dma_wait3A_1317 : memref<8x4096xf32, #tpu.memory_space<vmem_shared>>) dst(%dma_wait3A_1313 : memref<8x4096xf32, #tpu.memory_space<hbm>>)
      } else {
      }
      %add3A_970 = arith.constant 0 : i32
      %add3A_971 = arith.addi %add3A_964, %add3A_970 : i32
      %get3A_972 = arith.index_cast %add3A_971 : i32 to index
      %get3A_973 = memref.load %arg8[%get3A_972] : memref<1024xi32, #tpu.memory_space<smem>>
      %dma_start3A_974 = arith.constant 7 : i32
      %dma_start3A_975 = arith.constant 7 : i32
      %dma_start3A_976 = tpu.memref_slice %arg10[%dma_start3A_975] : memref<8x!tpu.dma_semaphore, #tpu.memory_space<semaphore_mem>> -> memref<1x!tpu.dma_semaphore, #tpu.memory_space<semaphore_mem>>
      %dma_start3A_977 = tpu.memref_squeeze %dma_start3A_976 : memref<1x!tpu.dma_semaphore, #tpu.memory_space<semaphore_mem>> -> memref<!tpu.dma_semaphore, #tpu.memory_space<semaphore_mem>>
      %dma_start3A_978 = arith.constant 0 : i32
      %dma_start3A_979 = arith.constant 0 : i32
      %dma_start3A_980 = tpu.memref_slice %arg9[%dma_start3A_974, %dma_start3A_978, %dma_start3A_979] : memref<8x8x4096xf32, #tpu.memory_space<vmem_shared>> -> memref<1x1x4096xf32, #tpu.memory_space<vmem_shared>>
      %dma_start3A_981 = tpu.memref_squeeze %dma_start3A_980 : memref<1x1x4096xf32, #tpu.memory_space<vmem_shared>> -> memref<1x4096xf32, #tpu.memory_space<vmem_shared>>
      %dma_start3A_982 = arith.constant 0 : i32
      %dma_start3A_983 = tpu.memref_slice %arg2[%get3A_973, %dma_start3A_982] : memref<2048x4096xf32, #tpu.memory_space<hbm>> -> memref<1x4096xf32, #tpu.memory_space<hbm>>
      tpu.enqueue_dma source(%dma_start3A_983 : memref<1x4096xf32, #tpu.memory_space<hbm>>) target(%dma_start3A_981 : memref<1x4096xf32, #tpu.memory_space<vmem_shared>>) target_semaphore(%dma_start3A_977 : memref<!tpu.dma_semaphore, #tpu.memory_space<semaphore_mem>>)
      %add3A_984 = arith.constant 1 : i32
      %add3A_985 = arith.addi %add3A_964, %add3A_984 : i32
      %get3A_986 = arith.index_cast %add3A_985 : i32 to index
      %get3A_987 = memref.load %arg8[%get3A_986] : memref<1024xi32, #tpu.memory_space<smem>>
      %dma_start3A_988 = arith.constant 7 : i32
      %dma_start3A_989 = arith.constant 7 : i32
      %dma_start3A_990 = tpu.memref_slice %arg10[%dma_start3A_989] : memref<8x!tpu.dma_semaphore, #tpu.memory_space<semaphore_mem>> -> memref<1x!tpu.dma_semaphore, #tpu.memory_space<semaphore_mem>>
      %dma_start3A_991 = tpu.memref_squeeze %dma_start3A_990 : memref<1x!tpu.dma_semaphore, #tpu.memory_space<semaphore_mem>> -> memref<!tpu.dma_semaphore, #tpu.memory_space<semaphore_mem>>
      %dma_start3A_992 = arith.constant 1 : i32
      %dma_start3A_993 = arith.constant 0 : i32
      %dma_start3A_994 = tpu.memref_slice %arg9[%dma_start3A_988, %dma_start3A_992, %dma_start3A_993] : memref<8x8x4096xf32, #tpu.memory_space<vmem_shared>> -> memref<1x1x4096xf32, #tpu.memory_space<vmem_shared>>
      %dma_start3A_995 = tpu.memref_squeeze %dma_start3A_994 : memref<1x1x4096xf32, #tpu.memory_space<vmem_shared>> -> memref<1x4096xf32, #tpu.memory_space<vmem_shared>>
      %dma_start3A_996 = arith.constant 0 : i32
      %dma_start3A_997 = tpu.memref_slice %arg2[%get3A_987, %dma_start3A_996] : memref<2048x4096xf32, #tpu.memory_space<hbm>> -> memref<1x4096xf32, #tpu.memory_space<hbm>>
      tpu.enqueue_dma source(%dma_start3A_997 : memref<1x4096xf32, #tpu.memory_space<hbm>>) target(%dma_start3A_995 : memref<1x4096xf32, #tpu.memory_space<vmem_shared>>) target_semaphore(%dma_start3A_991 : memref<!tpu.dma_semaphore, #tpu.memory_space<semaphore_mem>>)
      %add3A_998 = arith.constant 2 : i32
      %add3A_999 = arith.addi %add3A_964, %add3A_998 : i32
      %get3A_1000 = arith.index_cast %add3A_999 : i32 to index
      %get3A_1001 = memref.load %arg8[%get3A_1000] : memref<1024xi32, #tpu.memory_space<smem>>
      %dma_start3A_1002 = arith.constant 7 : i32
      %dma_start3A_1003 = arith.constant 7 : i32
      %dma_start3A_1004 = tpu.memref_slice %arg10[%dma_start3A_1003] : memref<8x!tpu.dma_semaphore, #tpu.memory_space<semaphore_mem>> -> memref<1x!tpu.dma_semaphore, #tpu.memory_space<semaphore_mem>>
      %dma_start3A_1005 = tpu.memref_squeeze %dma_start3A_1004 : memref<1x!tpu.dma_semaphore, #tpu.memory_space<semaphore_mem>> -> memref<!tpu.dma_semaphore, #tpu.memory_space<semaphore_mem>>
      %dma_start3A_1006 = arith.constant 2 : i32
      %dma_start3A_1007 = arith.constant 0 : i32
      %dma_start3A_1008 = tpu.memref_slice %arg9[%dma_start3A_1002, %dma_start3A_1006, %dma_start3A_1007] : memref<8x8x4096xf32, #tpu.memory_space<vmem_shared>> -> memref<1x1x4096xf32, #tpu.memory_space<vmem_shared>>
      %dma_start3A_1009 = tpu.memref_squeeze %dma_start3A_1008 : memref<1x1x4096xf32, #tpu.memory_space<vmem_shared>> -> memref<1x4096xf32, #tpu.memory_space<vmem_shared>>
      %dma_start3A_1010 = arith.constant 0 : i32
      %dma_start3A_1011 = tpu.memref_slice %arg2[%get3A_1001, %dma_start3A_1010] : memref<2048x4096xf32, #tpu.memory_space<hbm>> -> memref<1x4096xf32, #tpu.memory_space<hbm>>
      tpu.enqueue_dma source(%dma_start3A_1011 : memref<1x4096xf32, #tpu.memory_space<hbm>>) target(%dma_start3A_1009 : memref<1x4096xf32, #tpu.memory_space<vmem_shared>>) target_semaphore(%dma_start3A_1005 : memref<!tpu.dma_semaphore, #tpu.memory_space<semaphore_mem>>)
      %add3A_1012 = arith.constant 3 : i32
      %add3A_1013 = arith.addi %add3A_964, %add3A_1012 : i32
      %get3A_1014 = arith.index_cast %add3A_1013 : i32 to index
      %get3A_1015 = memref.load %arg8[%get3A_1014] : memref<1024xi32, #tpu.memory_space<smem>>
      %dma_start3A_1016 = arith.constant 7 : i32
      %dma_start3A_1017 = arith.constant 7 : i32
      %dma_start3A_1018 = tpu.memref_slice %arg10[%dma_start3A_1017] : memref<8x!tpu.dma_semaphore, #tpu.memory_space<semaphore_mem>> -> memref<1x!tpu.dma_semaphore, #tpu.memory_space<semaphore_mem>>
      %dma_start3A_1019 = tpu.memref_squeeze %dma_start3A_1018 : memref<1x!tpu.dma_semaphore, #tpu.memory_space<semaphore_mem>> -> memref<!tpu.dma_semaphore, #tpu.memory_space<semaphore_mem>>
      %dma_start3A_1020 = arith.constant 3 : i32
      %dma_start3A_1021 = arith.constant 0 : i32
      %dma_start3A_1022 = tpu.memref_slice %arg9[%dma_start3A_1016, %dma_start3A_1020, %dma_start3A_1021] : memref<8x8x4096xf32, #tpu.memory_space<vmem_shared>> -> memref<1x1x4096xf32, #tpu.memory_space<vmem_shared>>
      %dma_start3A_1023 = tpu.memref_squeeze %dma_start3A_1022 : memref<1x1x4096xf32, #tpu.memory_space<vmem_shared>> -> memref<1x4096xf32, #tpu.memory_space<vmem_shared>>
      %dma_start3A_1024 = arith.constant 0 : i32
      %dma_start3A_1025 = tpu.memref_slice %arg2[%get3A_1015, %dma_start3A_1024] : memref<2048x4096xf32, #tpu.memory_space<hbm>> -> memref<1x4096xf32, #tpu.memory_space<hbm>>
      tpu.enqueue_dma source(%dma_start3A_1025 : memref<1x4096xf32, #tpu.memory_space<hbm>>) target(%dma_start3A_1023 : memref<1x4096xf32, #tpu.memory_space<vmem_shared>>) target_semaphore(%dma_start3A_1019 : memref<!tpu.dma_semaphore, #tpu.memory_space<semaphore_mem>>)
      %add3A_1026 = arith.constant 4 : i32
      %add3A_1027 = arith.addi %add3A_964, %add3A_1026 : i32
      %get3A_1028 = arith.index_cast %add3A_1027 : i32 to index
      %get3A_1029 = memref.load %arg8[%get3A_1028] : memref<1024xi32, #tpu.memory_space<smem>>
      %dma_start3A_1030 = arith.constant 7 : i32
      %dma_start3A_1031 = arith.constant 7 : i32
      %dma_start3A_1032 = tpu.memref_slice %arg10[%dma_start3A_1031] : memref<8x!tpu.dma_semaphore, #tpu.memory_space<semaphore_mem>> -> memref<1x!tpu.dma_semaphore, #tpu.memory_space<semaphore_mem>>
      %dma_start3A_1033 = tpu.memref_squeeze %dma_start3A_1032 : memref<1x!tpu.dma_semaphore, #tpu.memory_space<semaphore_mem>> -> memref<!tpu.dma_semaphore, #tpu.memory_space<semaphore_mem>>
      %dma_start3A_1034 = arith.constant 4 : i32
      %dma_start3A_1035 = arith.constant 0 : i32
      %dma_start3A_1036 = tpu.memref_slice %arg9[%dma_start3A_1030, %dma_start3A_1034, %dma_start3A_1035] : memref<8x8x4096xf32, #tpu.memory_space<vmem_shared>> -> memref<1x1x4096xf32, #tpu.memory_space<vmem_shared>>
      %dma_start3A_1037 = tpu.memref_squeeze %dma_start3A_1036 : memref<1x1x4096xf32, #tpu.memory_space<vmem_shared>> -> memref<1x4096xf32, #tpu.memory_space<vmem_shared>>
      %dma_start3A_1038 = arith.constant 0 : i32
      %dma_start3A_1039 = tpu.memref_slice %arg2[%get3A_1029, %dma_start3A_1038] : memref<2048x4096xf32, #tpu.memory_space<hbm>> -> memref<1x4096xf32, #tpu.memory_space<hbm>>
      tpu.enqueue_dma source(%dma_start3A_1039 : memref<1x4096xf32, #tpu.memory_space<hbm>>) target(%dma_start3A_1037 : memref<1x4096xf32, #tpu.memory_space<vmem_shared>>) target_semaphore(%dma_start3A_1033 : memref<!tpu.dma_semaphore, #tpu.memory_space<semaphore_mem>>)
      %add3A_1040 = arith.constant 5 : i32
      %add3A_1041 = arith.addi %add3A_964, %add3A_1040 : i32
      %get3A_1042 = arith.index_cast %add3A_1041 : i32 to index
      %get3A_1043 = memref.load %arg8[%get3A_1042] : memref<1024xi32, #tpu.memory_space<smem>>
      %dma_start3A_1044 = arith.constant 7 : i32
      %dma_start3A_1045 = arith.constant 7 : i32
      %dma_start3A_1046 = tpu.memref_slice %arg10[%dma_start3A_1045] : memref<8x!tpu.dma_semaphore, #tpu.memory_space<semaphore_mem>> -> memref<1x!tpu.dma_semaphore, #tpu.memory_space<semaphore_mem>>
      %dma_start3A_1047 = tpu.memref_squeeze %dma_start3A_1046 : memref<1x!tpu.dma_semaphore, #tpu.memory_space<semaphore_mem>> -> memref<!tpu.dma_semaphore, #tpu.memory_space<semaphore_mem>>
      %dma_start3A_1048 = arith.constant 5 : i32
      %dma_start3A_1049 = arith.constant 0 : i32
      %dma_start3A_1050 = tpu.memref_slice %arg9[%dma_start3A_1044, %dma_start3A_1048, %dma_start3A_1049] : memref<8x8x4096xf32, #tpu.memory_space<vmem_shared>> -> memref<1x1x4096xf32, #tpu.memory_space<vmem_shared>>
      %dma_start3A_1051 = tpu.memref_squeeze %dma_start3A_1050 : memref<1x1x4096xf32, #tpu.memory_space<vmem_shared>> -> memref<1x4096xf32, #tpu.memory_space<vmem_shared>>
      %dma_start3A_1052 = arith.constant 0 : i32
      %dma_start3A_1053 = tpu.memref_slice %arg2[%get3A_1043, %dma_start3A_1052] : memref<2048x4096xf32, #tpu.memory_space<hbm>> -> memref<1x4096xf32, #tpu.memory_space<hbm>>
      tpu.enqueue_dma source(%dma_start3A_1053 : memref<1x4096xf32, #tpu.memory_space<hbm>>) target(%dma_start3A_1051 : memref<1x4096xf32, #tpu.memory_space<vmem_shared>>) target_semaphore(%dma_start3A_1047 : memref<!tpu.dma_semaphore, #tpu.memory_space<semaphore_mem>>)
      %add3A_1054 = arith.constant 6 : i32
      %add3A_1055 = arith.addi %add3A_964, %add3A_1054 : i32
      %get3A_1056 = arith.index_cast %add3A_1055 : i32 to index
      %get3A_1057 = memref.load %arg8[%get3A_1056] : memref<1024xi32, #tpu.memory_space<smem>>
      %dma_start3A_1058 = arith.constant 7 : i32
      %dma_start3A_1059 = arith.constant 7 : i32
      %dma_start3A_1060 = tpu.memref_slice %arg10[%dma_start3A_1059] : memref<8x!tpu.dma_semaphore, #tpu.memory_space<semaphore_mem>> -> memref<1x!tpu.dma_semaphore, #tpu.memory_space<semaphore_mem>>
      %dma_start3A_1061 = tpu.memref_squeeze %dma_start3A_1060 : memref<1x!tpu.dma_semaphore, #tpu.memory_space<semaphore_mem>> -> memref<!tpu.dma_semaphore, #tpu.memory_space<semaphore_mem>>
      %dma_start3A_1062 = arith.constant 6 : i32
      %dma_start3A_1063 = arith.constant 0 : i32
      %dma_start3A_1064 = tpu.memref_slice %arg9[%dma_start3A_1058, %dma_start3A_1062, %dma_start3A_1063] : memref<8x8x4096xf32, #tpu.memory_space<vmem_shared>> -> memref<1x1x4096xf32, #tpu.memory_space<vmem_shared>>
      %dma_start3A_1065 = tpu.memref_squeeze %dma_start3A_1064 : memref<1x1x4096xf32, #tpu.memory_space<vmem_shared>> -> memref<1x4096xf32, #tpu.memory_space<vmem_shared>>
      %dma_start3A_1066 = arith.constant 0 : i32
      %dma_start3A_1067 = tpu.memref_slice %arg2[%get3A_1057, %dma_start3A_1066] : memref<2048x4096xf32, #tpu.memory_space<hbm>> -> memref<1x4096xf32, #tpu.memory_space<hbm>>
      tpu.enqueue_dma source(%dma_start3A_1067 : memref<1x4096xf32, #tpu.memory_space<hbm>>) target(%dma_start3A_1065 : memref<1x4096xf32, #tpu.memory_space<vmem_shared>>) target_semaphore(%dma_start3A_1061 : memref<!tpu.dma_semaphore, #tpu.memory_space<semaphore_mem>>)
      %add3A_1068 = arith.constant 7 : i32
      %add3A_1069 = arith.addi %add3A_964, %add3A_1068 : i32
      %get3A_1070 = arith.index_cast %add3A_1069 : i32 to index
      %get3A_1071 = memref.load %arg8[%get3A_1070] : memref<1024xi32, #tpu.memory_space<smem>>
      %dma_start3A_1072 = arith.constant 7 : i32
      %dma_start3A_1073 = arith.constant 7 : i32
      %dma_start3A_1074 = tpu.memref_slice %arg10[%dma_start3A_1073] : memref<8x!tpu.dma_semaphore, #tpu.memory_space<semaphore_mem>> -> memref<1x!tpu.dma_semaphore, #tpu.memory_space<semaphore_mem>>
      %dma_start3A_1075 = tpu.memref_squeeze %dma_start3A_1074 : memref<1x!tpu.dma_semaphore, #tpu.memory_space<semaphore_mem>> -> memref<!tpu.dma_semaphore, #tpu.memory_space<semaphore_mem>>
      %dma_start3A_1076 = arith.constant 7 : i32
      %dma_start3A_1077 = arith.constant 0 : i32
      %dma_start3A_1078 = tpu.memref_slice %arg9[%dma_start3A_1072, %dma_start3A_1076, %dma_start3A_1077] : memref<8x8x4096xf32, #tpu.memory_space<vmem_shared>> -> memref<1x1x4096xf32, #tpu.memory_space<vmem_shared>>
      %dma_start3A_1079 = tpu.memref_squeeze %dma_start3A_1078 : memref<1x1x4096xf32, #tpu.memory_space<vmem_shared>> -> memref<1x4096xf32, #tpu.memory_space<vmem_shared>>
      %dma_start3A_1080 = arith.constant 0 : i32
      %dma_start3A_1081 = tpu.memref_slice %arg2[%get3A_1071, %dma_start3A_1080] : memref<2048x4096xf32, #tpu.memory_space<hbm>> -> memref<1x4096xf32, #tpu.memory_space<hbm>>
      tpu.enqueue_dma source(%dma_start3A_1081 : memref<1x4096xf32, #tpu.memory_space<hbm>>) target(%dma_start3A_1079 : memref<1x4096xf32, #tpu.memory_space<vmem_shared>>) target_semaphore(%dma_start3A_1075 : memref<!tpu.dma_semaphore, #tpu.memory_space<semaphore_mem>>)
      %mul3A_1082 = arith.constant 8 : i32
      %mul3A_1083 = arith.muli %scan3A_102, %mul3A_1082 : i32
      %mul3A_1084 = arith.constant 8 : i32
      %mul3A_1085 = arith.muli %mul3A_1083, %mul3A_1084 : i32
      %add3A_1086 = arith.constant 0 : i32
      %add3A_1087 = arith.addi %mul3A_1085, %add3A_1086 : i32
      %dma_wait3A_1088 = arith.constant 0 : i32
      %dma_wait3A_1089 = arith.constant 0 : i32
      %dma_wait3A_1090 = tpu.memref_slice %arg10[%dma_wait3A_1089] : memref<8x!tpu.dma_semaphore, #tpu.memory_space<semaphore_mem>> -> memref<1x!tpu.dma_semaphore, #tpu.memory_space<semaphore_mem>>
      %dma_wait3A_1091 = tpu.memref_squeeze %dma_wait3A_1090 : memref<1x!tpu.dma_semaphore, #tpu.memory_space<semaphore_mem>> -> memref<!tpu.dma_semaphore, #tpu.memory_space<semaphore_mem>>
      %dma_wait3A_1092 = arith.constant 0 : i32
      %dma_wait3A_1093 = arith.constant 0 : i32
      %dma_wait3A_1094 = tpu.memref_slice %arg9[%dma_wait3A_1088, %dma_wait3A_1092, %dma_wait3A_1093] : memref<8x8x4096xf32, #tpu.memory_space<vmem_shared>> -> memref<1x8x4096xf32, #tpu.memory_space<vmem_shared>>
      %dma_wait3A_1095 = tpu.memref_squeeze %dma_wait3A_1094 : memref<1x8x4096xf32, #tpu.memory_space<vmem_shared>> -> memref<8x4096xf32, #tpu.memory_space<vmem_shared>>
      %dma_wait3A_1096 = arith.constant 0 : i32
      %dma_wait3A_1097 = arith.constant 0 : i32
      %dma_wait3A_1098 = tpu.memref_slice %arg2[%dma_wait3A_1096, %dma_wait3A_1097] : memref<2048x4096xf32, #tpu.memory_space<hbm>> -> memref<8x4096xf32, #tpu.memory_space<hbm>>
      tpu.wait_dma2 semaphore(%dma_wait3A_1091 : memref<!tpu.dma_semaphore, #tpu.memory_space<semaphore_mem>>) src(%dma_wait3A_1098 : memref<8x4096xf32, #tpu.memory_space<hbm>>) dst(%dma_wait3A_1095 : memref<8x4096xf32, #tpu.memory_space<vmem_shared>>)
      %add3A_1099 = arith.addi %add3A_1, %add3A_1087 : i32
      %dma_start3A_1100 = arith.constant 0 : i32
      %dma_start3A_1101 = arith.constant 0 : i32
      %dma_start3A_1102 = tpu.memref_slice %arg11[%dma_start3A_1101] : memref<8x!tpu.dma_semaphore, #tpu.memory_space<semaphore_mem>> -> memref<1x!tpu.dma_semaphore, #tpu.memory_space<semaphore_mem>>
      %dma_start3A_1103 = tpu.memref_squeeze %dma_start3A_1102 : memref<1x!tpu.dma_semaphore, #tpu.memory_space<semaphore_mem>> -> memref<!tpu.dma_semaphore, #tpu.memory_space<semaphore_mem>>
      %dma_start3A_1104 = arith.constant 0 : i32
      %dma_start3A_1105 = tpu.memref_slice %arg3[%add3A_1099, %dma_start3A_1104] : memref<8192x4096xf32, #tpu.memory_space<hbm>> -> memref<8x4096xf32, #tpu.memory_space<hbm>>
      %dma_start3A_1106 = arith.constant 0 : i32
      %dma_start3A_1107 = arith.constant 0 : i32
      %dma_start3A_1108 = tpu.memref_slice %arg9[%dma_start3A_1100, %dma_start3A_1106, %dma_start3A_1107] : memref<8x8x4096xf32, #tpu.memory_space<vmem_shared>> -> memref<1x8x4096xf32, #tpu.memory_space<vmem_shared>>
      %dma_start3A_1109 = tpu.memref_squeeze %dma_start3A_1108 : memref<1x8x4096xf32, #tpu.memory_space<vmem_shared>> -> memref<8x4096xf32, #tpu.memory_space<vmem_shared>>
      tpu.enqueue_dma source(%dma_start3A_1109 : memref<8x4096xf32, #tpu.memory_space<vmem_shared>>) target(%dma_start3A_1105 : memref<8x4096xf32, #tpu.memory_space<hbm>>) target_semaphore(%dma_start3A_1103 : memref<!tpu.dma_semaphore, #tpu.memory_space<semaphore_mem>>)
      %mul3A_1110 = arith.constant 8 : i32
      %mul3A_1111 = arith.muli %scan3A_102, %mul3A_1110 : i32
      %mul3A_1112 = arith.constant 8 : i32
      %mul3A_1113 = arith.muli %mul3A_1111, %mul3A_1112 : i32
      %add3A_1114 = arith.constant 8 : i32
      %add3A_1115 = arith.addi %mul3A_1113, %add3A_1114 : i32
      %dma_wait3A_1116 = arith.constant 1 : i32
      %dma_wait3A_1117 = arith.constant 1 : i32
      %dma_wait3A_1118 = tpu.memref_slice %arg10[%dma_wait3A_1117] : memref<8x!tpu.dma_semaphore, #tpu.memory_space<semaphore_mem>> -> memref<1x!tpu.dma_semaphore, #tpu.memory_space<semaphore_mem>>
      %dma_wait3A_1119 = tpu.memref_squeeze %dma_wait3A_1118 : memref<1x!tpu.dma_semaphore, #tpu.memory_space<semaphore_mem>> -> memref<!tpu.dma_semaphore, #tpu.memory_space<semaphore_mem>>
      %dma_wait3A_1120 = arith.constant 0 : i32
      %dma_wait3A_1121 = arith.constant 0 : i32
      %dma_wait3A_1122 = tpu.memref_slice %arg9[%dma_wait3A_1116, %dma_wait3A_1120, %dma_wait3A_1121] : memref<8x8x4096xf32, #tpu.memory_space<vmem_shared>> -> memref<1x8x4096xf32, #tpu.memory_space<vmem_shared>>
      %dma_wait3A_1123 = tpu.memref_squeeze %dma_wait3A_1122 : memref<1x8x4096xf32, #tpu.memory_space<vmem_shared>> -> memref<8x4096xf32, #tpu.memory_space<vmem_shared>>
      %dma_wait3A_1124 = arith.constant 0 : i32
      %dma_wait3A_1125 = arith.constant 0 : i32
      %dma_wait3A_1126 = tpu.memref_slice %arg2[%dma_wait3A_1124, %dma_wait3A_1125] : memref<2048x4096xf32, #tpu.memory_space<hbm>> -> memref<8x4096xf32, #tpu.memory_space<hbm>>
      tpu.wait_dma2 semaphore(%dma_wait3A_1119 : memref<!tpu.dma_semaphore, #tpu.memory_space<semaphore_mem>>) src(%dma_wait3A_1126 : memref<8x4096xf32, #tpu.memory_space<hbm>>) dst(%dma_wait3A_1123 : memref<8x4096xf32, #tpu.memory_space<vmem_shared>>)
      %add3A_1127 = arith.addi %add3A_1, %add3A_1115 : i32
      %dma_start3A_1128 = arith.constant 1 : i32
      %dma_start3A_1129 = arith.constant 1 : i32
      %dma_start3A_1130 = tpu.memref_slice %arg11[%dma_start3A_1129] : memref<8x!tpu.dma_semaphore, #tpu.memory_space<semaphore_mem>> -> memref<1x!tpu.dma_semaphore, #tpu.memory_space<semaphore_mem>>
      %dma_start3A_1131 = tpu.memref_squeeze %dma_start3A_1130 : memref<1x!tpu.dma_semaphore, #tpu.memory_space<semaphore_mem>> -> memref<!tpu.dma_semaphore, #tpu.memory_space<semaphore_mem>>
      %dma_start3A_1132 = arith.constant 0 : i32
      %dma_start3A_1133 = tpu.memref_slice %arg3[%add3A_1127, %dma_start3A_1132] : memref<8192x4096xf32, #tpu.memory_space<hbm>> -> memref<8x4096xf32, #tpu.memory_space<hbm>>
      %dma_start3A_1134 = arith.constant 0 : i32
      %dma_start3A_1135 = arith.constant 0 : i32
      %dma_start3A_1136 = tpu.memref_slice %arg9[%dma_start3A_1128, %dma_start3A_1134, %dma_start3A_1135] : memref<8x8x4096xf32, #tpu.memory_space<vmem_shared>> -> memref<1x8x4096xf32, #tpu.memory_space<vmem_shared>>
      %dma_start3A_1137 = tpu.memref_squeeze %dma_start3A_1136 : memref<1x8x4096xf32, #tpu.memory_space<vmem_shared>> -> memref<8x4096xf32, #tpu.memory_space<vmem_shared>>
      tpu.enqueue_dma source(%dma_start3A_1137 : memref<8x4096xf32, #tpu.memory_space<vmem_shared>>) target(%dma_start3A_1133 : memref<8x4096xf32, #tpu.memory_space<hbm>>) target_semaphore(%dma_start3A_1131 : memref<!tpu.dma_semaphore, #tpu.memory_space<semaphore_mem>>)
      %mul3A_1138 = arith.constant 8 : i32
      %mul3A_1139 = arith.muli %scan3A_102, %mul3A_1138 : i32
      %mul3A_1140 = arith.constant 8 : i32
      %mul3A_1141 = arith.muli %mul3A_1139, %mul3A_1140 : i32
      %add3A_1142 = arith.constant 16 : i32
      %add3A_1143 = arith.addi %mul3A_1141, %add3A_1142 : i32
      %dma_wait3A_1144 = arith.constant 2 : i32
      %dma_wait3A_1145 = arith.constant 2 : i32
      %dma_wait3A_1146 = tpu.memref_slice %arg10[%dma_wait3A_1145] : memref<8x!tpu.dma_semaphore, #tpu.memory_space<semaphore_mem>> -> memref<1x!tpu.dma_semaphore, #tpu.memory_space<semaphore_mem>>
      %dma_wait3A_1147 = tpu.memref_squeeze %dma_wait3A_1146 : memref<1x!tpu.dma_semaphore, #tpu.memory_space<semaphore_mem>> -> memref<!tpu.dma_semaphore, #tpu.memory_space<semaphore_mem>>
      %dma_wait3A_1148 = arith.constant 0 : i32
      %dma_wait3A_1149 = arith.constant 0 : i32
      %dma_wait3A_1150 = tpu.memref_slice %arg9[%dma_wait3A_1144, %dma_wait3A_1148, %dma_wait3A_1149] : memref<8x8x4096xf32, #tpu.memory_space<vmem_shared>> -> memref<1x8x4096xf32, #tpu.memory_space<vmem_shared>>
      %dma_wait3A_1151 = tpu.memref_squeeze %dma_wait3A_1150 : memref<1x8x4096xf32, #tpu.memory_space<vmem_shared>> -> memref<8x4096xf32, #tpu.memory_space<vmem_shared>>
      %dma_wait3A_1152 = arith.constant 0 : i32
      %dma_wait3A_1153 = arith.constant 0 : i32
      %dma_wait3A_1154 = tpu.memref_slice %arg2[%dma_wait3A_1152, %dma_wait3A_1153] : memref<2048x4096xf32, #tpu.memory_space<hbm>> -> memref<8x4096xf32, #tpu.memory_space<hbm>>
      tpu.wait_dma2 semaphore(%dma_wait3A_1147 : memref<!tpu.dma_semaphore, #tpu.memory_space<semaphore_mem>>) src(%dma_wait3A_1154 : memref<8x4096xf32, #tpu.memory_space<hbm>>) dst(%dma_wait3A_1151 : memref<8x4096xf32, #tpu.memory_space<vmem_shared>>)
      %add3A_1155 = arith.addi %add3A_1, %add3A_1143 : i32
      %dma_start3A_1156 = arith.constant 2 : i32
      %dma_start3A_1157 = arith.constant 2 : i32
      %dma_start3A_1158 = tpu.memref_slice %arg11[%dma_start3A_1157] : memref<8x!tpu.dma_semaphore, #tpu.memory_space<semaphore_mem>> -> memref<1x!tpu.dma_semaphore, #tpu.memory_space<semaphore_mem>>
      %dma_start3A_1159 = tpu.memref_squeeze %dma_start3A_1158 : memref<1x!tpu.dma_semaphore, #tpu.memory_space<semaphore_mem>> -> memref<!tpu.dma_semaphore, #tpu.memory_space<semaphore_mem>>
      %dma_start3A_1160 = arith.constant 0 : i32
      %dma_start3A_1161 = tpu.memref_slice %arg3[%add3A_1155, %dma_start3A_1160] : memref<8192x4096xf32, #tpu.memory_space<hbm>> -> memref<8x4096xf32, #tpu.memory_space<hbm>>
      %dma_start3A_1162 = arith.constant 0 : i32
      %dma_start3A_1163 = arith.constant 0 : i32
      %dma_start3A_1164 = tpu.memref_slice %arg9[%dma_start3A_1156, %dma_start3A_1162, %dma_start3A_1163] : memref<8x8x4096xf32, #tpu.memory_space<vmem_shared>> -> memref<1x8x4096xf32, #tpu.memory_space<vmem_shared>>
      %dma_start3A_1165 = tpu.memref_squeeze %dma_start3A_1164 : memref<1x8x4096xf32, #tpu.memory_space<vmem_shared>> -> memref<8x4096xf32, #tpu.memory_space<vmem_shared>>
      tpu.enqueue_dma source(%dma_start3A_1165 : memref<8x4096xf32, #tpu.memory_space<vmem_shared>>) target(%dma_start3A_1161 : memref<8x4096xf32, #tpu.memory_space<hbm>>) target_semaphore(%dma_start3A_1159 : memref<!tpu.dma_semaphore, #tpu.memory_space<semaphore_mem>>)
      %mul3A_1166 = arith.constant 8 : i32
      %mul3A_1167 = arith.muli %scan3A_102, %mul3A_1166 : i32
      %mul3A_1168 = arith.constant 8 : i32
      %mul3A_1169 = arith.muli %mul3A_1167, %mul3A_1168 : i32
      %add3A_1170 = arith.constant 24 : i32
      %add3A_1171 = arith.addi %mul3A_1169, %add3A_1170 : i32
      %dma_wait3A_1172 = arith.constant 3 : i32
      %dma_wait3A_1173 = arith.constant 3 : i32
      %dma_wait3A_1174 = tpu.memref_slice %arg10[%dma_wait3A_1173] : memref<8x!tpu.dma_semaphore, #tpu.memory_space<semaphore_mem>> -> memref<1x!tpu.dma_semaphore, #tpu.memory_space<semaphore_mem>>
      %dma_wait3A_1175 = tpu.memref_squeeze %dma_wait3A_1174 : memref<1x!tpu.dma_semaphore, #tpu.memory_space<semaphore_mem>> -> memref<!tpu.dma_semaphore, #tpu.memory_space<semaphore_mem>>
      %dma_wait3A_1176 = arith.constant 0 : i32
      %dma_wait3A_1177 = arith.constant 0 : i32
      %dma_wait3A_1178 = tpu.memref_slice %arg9[%dma_wait3A_1172, %dma_wait3A_1176, %dma_wait3A_1177] : memref<8x8x4096xf32, #tpu.memory_space<vmem_shared>> -> memref<1x8x4096xf32, #tpu.memory_space<vmem_shared>>
      %dma_wait3A_1179 = tpu.memref_squeeze %dma_wait3A_1178 : memref<1x8x4096xf32, #tpu.memory_space<vmem_shared>> -> memref<8x4096xf32, #tpu.memory_space<vmem_shared>>
      %dma_wait3A_1180 = arith.constant 0 : i32
      %dma_wait3A_1181 = arith.constant 0 : i32
      %dma_wait3A_1182 = tpu.memref_slice %arg2[%dma_wait3A_1180, %dma_wait3A_1181] : memref<2048x4096xf32, #tpu.memory_space<hbm>> -> memref<8x4096xf32, #tpu.memory_space<hbm>>
      tpu.wait_dma2 semaphore(%dma_wait3A_1175 : memref<!tpu.dma_semaphore, #tpu.memory_space<semaphore_mem>>) src(%dma_wait3A_1182 : memref<8x4096xf32, #tpu.memory_space<hbm>>) dst(%dma_wait3A_1179 : memref<8x4096xf32, #tpu.memory_space<vmem_shared>>)
      %add3A_1183 = arith.addi %add3A_1, %add3A_1171 : i32
      %dma_start3A_1184 = arith.constant 3 : i32
      %dma_start3A_1185 = arith.constant 3 : i32
      %dma_start3A_1186 = tpu.memref_slice %arg11[%dma_start3A_1185] : memref<8x!tpu.dma_semaphore, #tpu.memory_space<semaphore_mem>> -> memref<1x!tpu.dma_semaphore, #tpu.memory_space<semaphore_mem>>
      %dma_start3A_1187 = tpu.memref_squeeze %dma_start3A_1186 : memref<1x!tpu.dma_semaphore, #tpu.memory_space<semaphore_mem>> -> memref<!tpu.dma_semaphore, #tpu.memory_space<semaphore_mem>>
      %dma_start3A_1188 = arith.constant 0 : i32
      %dma_start3A_1189 = tpu.memref_slice %arg3[%add3A_1183, %dma_start3A_1188] : memref<8192x4096xf32, #tpu.memory_space<hbm>> -> memref<8x4096xf32, #tpu.memory_space<hbm>>
      %dma_start3A_1190 = arith.constant 0 : i32
      %dma_start3A_1191 = arith.constant 0 : i32
      %dma_start3A_1192 = tpu.memref_slice %arg9[%dma_start3A_1184, %dma_start3A_1190, %dma_start3A_1191] : memref<8x8x4096xf32, #tpu.memory_space<vmem_shared>> -> memref<1x8x4096xf32, #tpu.memory_space<vmem_shared>>
      %dma_start3A_1193 = tpu.memref_squeeze %dma_start3A_1192 : memref<1x8x4096xf32, #tpu.memory_space<vmem_shared>> -> memref<8x4096xf32, #tpu.memory_space<vmem_shared>>
      tpu.enqueue_dma source(%dma_start3A_1193 : memref<8x4096xf32, #tpu.memory_space<vmem_shared>>) target(%dma_start3A_1189 : memref<8x4096xf32, #tpu.memory_space<hbm>>) target_semaphore(%dma_start3A_1187 : memref<!tpu.dma_semaphore, #tpu.memory_space<semaphore_mem>>)
      %mul3A_1194 = arith.constant 8 : i32
      %mul3A_1195 = arith.muli %scan3A_102, %mul3A_1194 : i32
      %mul3A_1196 = arith.constant 8 : i32
      %mul3A_1197 = arith.muli %mul3A_1195, %mul3A_1196 : i32
      %add3A_1198 = arith.constant 32 : i32
      %add3A_1199 = arith.addi %mul3A_1197, %add3A_1198 : i32
      %dma_wait3A_1200 = arith.constant 4 : i32
      %dma_wait3A_1201 = arith.constant 4 : i32
      %dma_wait3A_1202 = tpu.memref_slice %arg10[%dma_wait3A_1201] : memref<8x!tpu.dma_semaphore, #tpu.memory_space<semaphore_mem>> -> memref<1x!tpu.dma_semaphore, #tpu.memory_space<semaphore_mem>>
      %dma_wait3A_1203 = tpu.memref_squeeze %dma_wait3A_1202 : memref<1x!tpu.dma_semaphore, #tpu.memory_space<semaphore_mem>> -> memref<!tpu.dma_semaphore, #tpu.memory_space<semaphore_mem>>
      %dma_wait3A_1204 = arith.constant 0 : i32
      %dma_wait3A_1205 = arith.constant 0 : i32
      %dma_wait3A_1206 = tpu.memref_slice %arg9[%dma_wait3A_1200, %dma_wait3A_1204, %dma_wait3A_1205] : memref<8x8x4096xf32, #tpu.memory_space<vmem_shared>> -> memref<1x8x4096xf32, #tpu.memory_space<vmem_shared>>
      %dma_wait3A_1207 = tpu.memref_squeeze %dma_wait3A_1206 : memref<1x8x4096xf32, #tpu.memory_space<vmem_shared>> -> memref<8x4096xf32, #tpu.memory_space<vmem_shared>>
      %dma_wait3A_1208 = arith.constant 0 : i32
      %dma_wait3A_1209 = arith.constant 0 : i32
      %dma_wait3A_1210 = tpu.memref_slice %arg2[%dma_wait3A_1208, %dma_wait3A_1209] : memref<2048x4096xf32, #tpu.memory_space<hbm>> -> memref<8x4096xf32, #tpu.memory_space<hbm>>
      tpu.wait_dma2 semaphore(%dma_wait3A_1203 : memref<!tpu.dma_semaphore, #tpu.memory_space<semaphore_mem>>) src(%dma_wait3A_1210 : memref<8x4096xf32, #tpu.memory_space<hbm>>) dst(%dma_wait3A_1207 : memref<8x4096xf32, #tpu.memory_space<vmem_shared>>)
      %add3A_1211 = arith.addi %add3A_1, %add3A_1199 : i32
      %dma_start3A_1212 = arith.constant 4 : i32
      %dma_start3A_1213 = arith.constant 4 : i32
      %dma_start3A_1214 = tpu.memref_slice %arg11[%dma_start3A_1213] : memref<8x!tpu.dma_semaphore, #tpu.memory_space<semaphore_mem>> -> memref<1x!tpu.dma_semaphore, #tpu.memory_space<semaphore_mem>>
      %dma_start3A_1215 = tpu.memref_squeeze %dma_start3A_1214 : memref<1x!tpu.dma_semaphore, #tpu.memory_space<semaphore_mem>> -> memref<!tpu.dma_semaphore, #tpu.memory_space<semaphore_mem>>
      %dma_start3A_1216 = arith.constant 0 : i32
      %dma_start3A_1217 = tpu.memref_slice %arg3[%add3A_1211, %dma_start3A_1216] : memref<8192x4096xf32, #tpu.memory_space<hbm>> -> memref<8x4096xf32, #tpu.memory_space<hbm>>
      %dma_start3A_1218 = arith.constant 0 : i32
      %dma_start3A_1219 = arith.constant 0 : i32
      %dma_start3A_1220 = tpu.memref_slice %arg9[%dma_start3A_1212, %dma_start3A_1218, %dma_start3A_1219] : memref<8x8x4096xf32, #tpu.memory_space<vmem_shared>> -> memref<1x8x4096xf32, #tpu.memory_space<vmem_shared>>
      %dma_start3A_1221 = tpu.memref_squeeze %dma_start3A_1220 : memref<1x8x4096xf32, #tpu.memory_space<vmem_shared>> -> memref<8x4096xf32, #tpu.memory_space<vmem_shared>>
      tpu.enqueue_dma source(%dma_start3A_1221 : memref<8x4096xf32, #tpu.memory_space<vmem_shared>>) target(%dma_start3A_1217 : memref<8x4096xf32, #tpu.memory_space<hbm>>) target_semaphore(%dma_start3A_1215 : memref<!tpu.dma_semaphore, #tpu.memory_space<semaphore_mem>>)
      %mul3A_1222 = arith.constant 8 : i32
      %mul3A_1223 = arith.muli %scan3A_102, %mul3A_1222 : i32
      %mul3A_1224 = arith.constant 8 : i32
      %mul3A_1225 = arith.muli %mul3A_1223, %mul3A_1224 : i32
      %add3A_1226 = arith.constant 40 : i32
      %add3A_1227 = arith.addi %mul3A_1225, %add3A_1226 : i32
      %dma_wait3A_1228 = arith.constant 5 : i32
      %dma_wait3A_1229 = arith.constant 5 : i32
      %dma_wait3A_1230 = tpu.memref_slice %arg10[%dma_wait3A_1229] : memref<8x!tpu.dma_semaphore, #tpu.memory_space<semaphore_mem>> -> memref<1x!tpu.dma_semaphore, #tpu.memory_space<semaphore_mem>>
      %dma_wait3A_1231 = tpu.memref_squeeze %dma_wait3A_1230 : memref<1x!tpu.dma_semaphore, #tpu.memory_space<semaphore_mem>> -> memref<!tpu.dma_semaphore, #tpu.memory_space<semaphore_mem>>
      %dma_wait3A_1232 = arith.constant 0 : i32
      %dma_wait3A_1233 = arith.constant 0 : i32
      %dma_wait3A_1234 = tpu.memref_slice %arg9[%dma_wait3A_1228, %dma_wait3A_1232, %dma_wait3A_1233] : memref<8x8x4096xf32, #tpu.memory_space<vmem_shared>> -> memref<1x8x4096xf32, #tpu.memory_space<vmem_shared>>
      %dma_wait3A_1235 = tpu.memref_squeeze %dma_wait3A_1234 : memref<1x8x4096xf32, #tpu.memory_space<vmem_shared>> -> memref<8x4096xf32, #tpu.memory_space<vmem_shared>>
      %dma_wait3A_1236 = arith.constant 0 : i32
      %dma_wait3A_1237 = arith.constant 0 : i32
      %dma_wait3A_1238 = tpu.memref_slice %arg2[%dma_wait3A_1236, %dma_wait3A_1237] : memref<2048x4096xf32, #tpu.memory_space<hbm>> -> memref<8x4096xf32, #tpu.memory_space<hbm>>
      tpu.wait_dma2 semaphore(%dma_wait3A_1231 : memref<!tpu.dma_semaphore, #tpu.memory_space<semaphore_mem>>) src(%dma_wait3A_1238 : memref<8x4096xf32, #tpu.memory_space<hbm>>) dst(%dma_wait3A_1235 : memref<8x4096xf32, #tpu.memory_space<vmem_shared>>)
      %add3A_1239 = arith.addi %add3A_1, %add3A_1227 : i32
      %dma_start3A_1240 = arith.constant 5 : i32
      %dma_start3A_1241 = arith.constant 5 : i32
      %dma_start3A_1242 = tpu.memref_slice %arg11[%dma_start3A_1241] : memref<8x!tpu.dma_semaphore, #tpu.memory_space<semaphore_mem>> -> memref<1x!tpu.dma_semaphore, #tpu.memory_space<semaphore_mem>>
      %dma_start3A_1243 = tpu.memref_squeeze %dma_start3A_1242 : memref<1x!tpu.dma_semaphore, #tpu.memory_space<semaphore_mem>> -> memref<!tpu.dma_semaphore, #tpu.memory_space<semaphore_mem>>
      %dma_start3A_1244 = arith.constant 0 : i32
      %dma_start3A_1245 = tpu.memref_slice %arg3[%add3A_1239, %dma_start3A_1244] : memref<8192x4096xf32, #tpu.memory_space<hbm>> -> memref<8x4096xf32, #tpu.memory_space<hbm>>
      %dma_start3A_1246 = arith.constant 0 : i32
      %dma_start3A_1247 = arith.constant 0 : i32
      %dma_start3A_1248 = tpu.memref_slice %arg9[%dma_start3A_1240, %dma_start3A_1246, %dma_start3A_1247] : memref<8x8x4096xf32, #tpu.memory_space<vmem_shared>> -> memref<1x8x4096xf32, #tpu.memory_space<vmem_shared>>
      %dma_start3A_1249 = tpu.memref_squeeze %dma_start3A_1248 : memref<1x8x4096xf32, #tpu.memory_space<vmem_shared>> -> memref<8x4096xf32, #tpu.memory_space<vmem_shared>>
      tpu.enqueue_dma source(%dma_start3A_1249 : memref<8x4096xf32, #tpu.memory_space<vmem_shared>>) target(%dma_start3A_1245 : memref<8x4096xf32, #tpu.memory_space<hbm>>) target_semaphore(%dma_start3A_1243 : memref<!tpu.dma_semaphore, #tpu.memory_space<semaphore_mem>>)
      %mul3A_1250 = arith.constant 8 : i32
      %mul3A_1251 = arith.muli %scan3A_102, %mul3A_1250 : i32
      %mul3A_1252 = arith.constant 8 : i32
      %mul3A_1253 = arith.muli %mul3A_1251, %mul3A_1252 : i32
      %add3A_1254 = arith.constant 48 : i32
      %add3A_1255 = arith.addi %mul3A_1253, %add3A_1254 : i32
      %dma_wait3A_1256 = arith.constant 6 : i32
      %dma_wait3A_1257 = arith.constant 6 : i32
      %dma_wait3A_1258 = tpu.memref_slice %arg10[%dma_wait3A_1257] : memref<8x!tpu.dma_semaphore, #tpu.memory_space<semaphore_mem>> -> memref<1x!tpu.dma_semaphore, #tpu.memory_space<semaphore_mem>>
      %dma_wait3A_1259 = tpu.memref_squeeze %dma_wait3A_1258 : memref<1x!tpu.dma_semaphore, #tpu.memory_space<semaphore_mem>> -> memref<!tpu.dma_semaphore, #tpu.memory_space<semaphore_mem>>
      %dma_wait3A_1260 = arith.constant 0 : i32
      %dma_wait3A_1261 = arith.constant 0 : i32
      %dma_wait3A_1262 = tpu.memref_slice %arg9[%dma_wait3A_1256, %dma_wait3A_1260, %dma_wait3A_1261] : memref<8x8x4096xf32, #tpu.memory_space<vmem_shared>> -> memref<1x8x4096xf32, #tpu.memory_space<vmem_shared>>
      %dma_wait3A_1263 = tpu.memref_squeeze %dma_wait3A_1262 : memref<1x8x4096xf32, #tpu.memory_space<vmem_shared>> -> memref<8x4096xf32, #tpu.memory_space<vmem_shared>>
      %dma_wait3A_1264 = arith.constant 0 : i32
      %dma_wait3A_1265 = arith.constant 0 : i32
      %dma_wait3A_1266 = tpu.memref_slice %arg2[%dma_wait3A_1264, %dma_wait3A_1265] : memref<2048x4096xf32, #tpu.memory_space<hbm>> -> memref<8x4096xf32, #tpu.memory_space<hbm>>
      tpu.wait_dma2 semaphore(%dma_wait3A_1259 : memref<!tpu.dma_semaphore, #tpu.memory_space<semaphore_mem>>) src(%dma_wait3A_1266 : memref<8x4096xf32, #tpu.memory_space<hbm>>) dst(%dma_wait3A_1263 : memref<8x4096xf32, #tpu.memory_space<vmem_shared>>)
      %add3A_1267 = arith.addi %add3A_1, %add3A_1255 : i32
      %dma_start3A_1268 = arith.constant 6 : i32
      %dma_start3A_1269 = arith.constant 6 : i32
      %dma_start3A_1270 = tpu.memref_slice %arg11[%dma_start3A_1269] : memref<8x!tpu.dma_semaphore, #tpu.memory_space<semaphore_mem>> -> memref<1x!tpu.dma_semaphore, #tpu.memory_space<semaphore_mem>>
      %dma_start3A_1271 = tpu.memref_squeeze %dma_start3A_1270 : memref<1x!tpu.dma_semaphore, #tpu.memory_space<semaphore_mem>> -> memref<!tpu.dma_semaphore, #tpu.memory_space<semaphore_mem>>
      %dma_start3A_1272 = arith.constant 0 : i32
      %dma_start3A_1273 = tpu.memref_slice %arg3[%add3A_1267, %dma_start3A_1272] : memref<8192x4096xf32, #tpu.memory_space<hbm>> -> memref<8x4096xf32, #tpu.memory_space<hbm>>
      %dma_start3A_1274 = arith.constant 0 : i32
      %dma_start3A_1275 = arith.constant 0 : i32
      %dma_start3A_1276 = tpu.memref_slice %arg9[%dma_start3A_1268, %dma_start3A_1274, %dma_start3A_1275] : memref<8x8x4096xf32, #tpu.memory_space<vmem_shared>> -> memref<1x8x4096xf32, #tpu.memory_space<vmem_shared>>
      %dma_start3A_1277 = tpu.memref_squeeze %dma_start3A_1276 : memref<1x8x4096xf32, #tpu.memory_space<vmem_shared>> -> memref<8x4096xf32, #tpu.memory_space<vmem_shared>>
      tpu.enqueue_dma source(%dma_start3A_1277 : memref<8x4096xf32, #tpu.memory_space<vmem_shared>>) target(%dma_start3A_1273 : memref<8x4096xf32, #tpu.memory_space<hbm>>) target_semaphore(%dma_start3A_1271 : memref<!tpu.dma_semaphore, #tpu.memory_space<semaphore_mem>>)
      %mul3A_1278 = arith.constant 8 : i32
      %mul3A_1279 = arith.muli %scan3A_102, %mul3A_1278 : i32
      %mul3A_1280 = arith.constant 8 : i32
      %mul3A_1281 = arith.muli %mul3A_1279, %mul3A_1280 : i32
      %add3A_1282 = arith.constant 56 : i32
      %add3A_1283 = arith.addi %mul3A_1281, %add3A_1282 : i32
      %dma_wait3A_1284 = arith.constant 7 : i32
      %dma_wait3A_1285 = arith.constant 7 : i32
      %dma_wait3A_1286 = tpu.memref_slice %arg10[%dma_wait3A_1285] : memref<8x!tpu.dma_semaphore, #tpu.memory_space<semaphore_mem>> -> memref<1x!tpu.dma_semaphore, #tpu.memory_space<semaphore_mem>>
      %dma_wait3A_1287 = tpu.memref_squeeze %dma_wait3A_1286 : memref<1x!tpu.dma_semaphore, #tpu.memory_space<semaphore_mem>> -> memref<!tpu.dma_semaphore, #tpu.memory_space<semaphore_mem>>
      %dma_wait3A_1288 = arith.constant 0 : i32
      %dma_wait3A_1289 = arith.constant 0 : i32
      %dma_wait3A_1290 = tpu.memref_slice %arg9[%dma_wait3A_1284, %dma_wait3A_1288, %dma_wait3A_1289] : memref<8x8x4096xf32, #tpu.memory_space<vmem_shared>> -> memref<1x8x4096xf32, #tpu.memory_space<vmem_shared>>
      %dma_wait3A_1291 = tpu.memref_squeeze %dma_wait3A_1290 : memref<1x8x4096xf32, #tpu.memory_space<vmem_shared>> -> memref<8x4096xf32, #tpu.memory_space<vmem_shared>>
      %dma_wait3A_1292 = arith.constant 0 : i32
      %dma_wait3A_1293 = arith.constant 0 : i32
      %dma_wait3A_1294 = tpu.memref_slice %arg2[%dma_wait3A_1292, %dma_wait3A_1293] : memref<2048x4096xf32, #tpu.memory_space<hbm>> -> memref<8x4096xf32, #tpu.memory_space<hbm>>
      tpu.wait_dma2 semaphore(%dma_wait3A_1287 : memref<!tpu.dma_semaphore, #tpu.memory_space<semaphore_mem>>) src(%dma_wait3A_1294 : memref<8x4096xf32, #tpu.memory_space<hbm>>) dst(%dma_wait3A_1291 : memref<8x4096xf32, #tpu.memory_space<vmem_shared>>)
      %add3A_1295 = arith.addi %add3A_1, %add3A_1283 : i32
      %dma_start3A_1296 = arith.constant 7 : i32
      %dma_start3A_1297 = arith.constant 7 : i32
      %dma_start3A_1298 = tpu.memref_slice %arg11[%dma_start3A_1297] : memref<8x!tpu.dma_semaphore, #tpu.memory_space<semaphore_mem>> -> memref<1x!tpu.dma_semaphore, #tpu.memory_space<semaphore_mem>>
      %dma_start3A_1299 = tpu.memref_squeeze %dma_start3A_1298 : memref<1x!tpu.dma_semaphore, #tpu.memory_space<semaphore_mem>> -> memref<!tpu.dma_semaphore, #tpu.memory_space<semaphore_mem>>
      %dma_start3A_1300 = arith.constant 0 : i32
      %dma_start3A_1301 = tpu.memref_slice %arg3[%add3A_1295, %dma_start3A_1300] : memref<8192x4096xf32, #tpu.memory_space<hbm>> -> memref<8x4096xf32, #tpu.memory_space<hbm>>
      %dma_start3A_1302 = arith.constant 0 : i32
      %dma_start3A_1303 = arith.constant 0 : i32
      %dma_start3A_1304 = tpu.memref_slice %arg9[%dma_start3A_1296, %dma_start3A_1302, %dma_start3A_1303] : memref<8x8x4096xf32, #tpu.memory_space<vmem_shared>> -> memref<1x8x4096xf32, #tpu.memory_space<vmem_shared>>
      %dma_start3A_1305 = tpu.memref_squeeze %dma_start3A_1304 : memref<1x8x4096xf32, #tpu.memory_space<vmem_shared>> -> memref<8x4096xf32, #tpu.memory_space<vmem_shared>>
      tpu.enqueue_dma source(%dma_start3A_1305 : memref<8x4096xf32, #tpu.memory_space<vmem_shared>>) target(%dma_start3A_1301 : memref<8x4096xf32, #tpu.memory_space<hbm>>) target_semaphore(%dma_start3A_1299 : memref<!tpu.dma_semaphore, #tpu.memory_space<semaphore_mem>>)
    }
    %scan3A_6 = arith.constant 16 : i32
    %add3A_7 = arith.constant 960 : i32
    %add3A_8 = arith.addi %add3A_1, %add3A_7 : i32
    %dma_wait3A = arith.constant 0 : i32
    %dma_wait3A_9 = arith.constant 0 : i32
    %dma_wait3A_10 = tpu.memref_slice %arg11[%dma_wait3A_9] : memref<8x!tpu.dma_semaphore, #tpu.memory_space<semaphore_mem>> -> memref<1x!tpu.dma_semaphore, #tpu.memory_space<semaphore_mem>>
    %dma_wait3A_11 = tpu.memref_squeeze %dma_wait3A_10 : memref<1x!tpu.dma_semaphore, #tpu.memory_space<semaphore_mem>> -> memref<!tpu.dma_semaphore, #tpu.memory_space<semaphore_mem>>
    %dma_wait3A_12 = arith.constant 0 : i32
    %dma_wait3A_13 = tpu.memref_slice %arg3[%add3A_8, %dma_wait3A_12] : memref<8192x4096xf32, #tpu.memory_space<hbm>> -> memref<8x4096xf32, #tpu.memory_space<hbm>>
    %dma_wait3A_14 = arith.constant 0 : i32
    %dma_wait3A_15 = arith.constant 0 : i32
    %dma_wait3A_16 = tpu.memref_slice %arg9[%dma_wait3A, %dma_wait3A_14, %dma_wait3A_15] : memref<8x8x4096xf32, #tpu.memory_space<vmem_shared>> -> memref<1x8x4096xf32, #tpu.memory_space<vmem_shared>>
    %dma_wait3A_17 = tpu.memref_squeeze %dma_wait3A_16 : memref<1x8x4096xf32, #tpu.memory_space<vmem_shared>> -> memref<8x4096xf32, #tpu.memory_space<vmem_shared>>
    tpu.wait_dma2 semaphore(%dma_wait3A_11 : memref<!tpu.dma_semaphore, #tpu.memory_space<semaphore_mem>>) src(%dma_wait3A_17 : memref<8x4096xf32, #tpu.memory_space<vmem_shared>>) dst(%dma_wait3A_13 : memref<8x4096xf32, #tpu.memory_space<hbm>>)
    %add3A_18 = arith.constant 968 : i32
    %add3A_19 = arith.addi %add3A_1, %add3A_18 : i32
    %dma_wait3A_20 = arith.constant 1 : i32
    %dma_wait3A_21 = arith.constant 1 : i32
    %dma_wait3A_22 = tpu.memref_slice %arg11[%dma_wait3A_21] : memref<8x!tpu.dma_semaphore, #tpu.memory_space<semaphore_mem>> -> memref<1x!tpu.dma_semaphore, #tpu.memory_space<semaphore_mem>>
    %dma_wait3A_23 = tpu.memref_squeeze %dma_wait3A_22 : memref<1x!tpu.dma_semaphore, #tpu.memory_space<semaphore_mem>> -> memref<!tpu.dma_semaphore, #tpu.memory_space<semaphore_mem>>
    %dma_wait3A_24 = arith.constant 0 : i32
    %dma_wait3A_25 = tpu.memref_slice %arg3[%add3A_19, %dma_wait3A_24] : memref<8192x4096xf32, #tpu.memory_space<hbm>> -> memref<8x4096xf32, #tpu.memory_space<hbm>>
    %dma_wait3A_26 = arith.constant 0 : i32
    %dma_wait3A_27 = arith.constant 0 : i32
    %dma_wait3A_28 = tpu.memref_slice %arg9[%dma_wait3A_20, %dma_wait3A_26, %dma_wait3A_27] : memref<8x8x4096xf32, #tpu.memory_space<vmem_shared>> -> memref<1x8x4096xf32, #tpu.memory_space<vmem_shared>>
    %dma_wait3A_29 = tpu.memref_squeeze %dma_wait3A_28 : memref<1x8x4096xf32, #tpu.memory_space<vmem_shared>> -> memref<8x4096xf32, #tpu.memory_space<vmem_shared>>
    tpu.wait_dma2 semaphore(%dma_wait3A_23 : memref<!tpu.dma_semaphore, #tpu.memory_space<semaphore_mem>>) src(%dma_wait3A_29 : memref<8x4096xf32, #tpu.memory_space<vmem_shared>>) dst(%dma_wait3A_25 : memref<8x4096xf32, #tpu.memory_space<hbm>>)
    %add3A_30 = arith.constant 976 : i32
    %add3A_31 = arith.addi %add3A_1, %add3A_30 : i32
    %dma_wait3A_32 = arith.constant 2 : i32
    %dma_wait3A_33 = arith.constant 2 : i32
    %dma_wait3A_34 = tpu.memref_slice %arg11[%dma_wait3A_33] : memref<8x!tpu.dma_semaphore, #tpu.memory_space<semaphore_mem>> -> memref<1x!tpu.dma_semaphore, #tpu.memory_space<semaphore_mem>>
    %dma_wait3A_35 = tpu.memref_squeeze %dma_wait3A_34 : memref<1x!tpu.dma_semaphore, #tpu.memory_space<semaphore_mem>> -> memref<!tpu.dma_semaphore, #tpu.memory_space<semaphore_mem>>
    %dma_wait3A_36 = arith.constant 0 : i32
    %dma_wait3A_37 = tpu.memref_slice %arg3[%add3A_31, %dma_wait3A_36] : memref<8192x4096xf32, #tpu.memory_space<hbm>> -> memref<8x4096xf32, #tpu.memory_space<hbm>>
    %dma_wait3A_38 = arith.constant 0 : i32
    %dma_wait3A_39 = arith.constant 0 : i32
    %dma_wait3A_40 = tpu.memref_slice %arg9[%dma_wait3A_32, %dma_wait3A_38, %dma_wait3A_39] : memref<8x8x4096xf32, #tpu.memory_space<vmem_shared>> -> memref<1x8x4096xf32, #tpu.memory_space<vmem_shared>>
    %dma_wait3A_41 = tpu.memref_squeeze %dma_wait3A_40 : memref<1x8x4096xf32, #tpu.memory_space<vmem_shared>> -> memref<8x4096xf32, #tpu.memory_space<vmem_shared>>
    tpu.wait_dma2 semaphore(%dma_wait3A_35 : memref<!tpu.dma_semaphore, #tpu.memory_space<semaphore_mem>>) src(%dma_wait3A_41 : memref<8x4096xf32, #tpu.memory_space<vmem_shared>>) dst(%dma_wait3A_37 : memref<8x4096xf32, #tpu.memory_space<hbm>>)
    %add3A_42 = arith.constant 984 : i32
    %add3A_43 = arith.addi %add3A_1, %add3A_42 : i32
    %dma_wait3A_44 = arith.constant 3 : i32
    %dma_wait3A_45 = arith.constant 3 : i32
    %dma_wait3A_46 = tpu.memref_slice %arg11[%dma_wait3A_45] : memref<8x!tpu.dma_semaphore, #tpu.memory_space<semaphore_mem>> -> memref<1x!tpu.dma_semaphore, #tpu.memory_space<semaphore_mem>>
    %dma_wait3A_47 = tpu.memref_squeeze %dma_wait3A_46 : memref<1x!tpu.dma_semaphore, #tpu.memory_space<semaphore_mem>> -> memref<!tpu.dma_semaphore, #tpu.memory_space<semaphore_mem>>
    %dma_wait3A_48 = arith.constant 0 : i32
    %dma_wait3A_49 = tpu.memref_slice %arg3[%add3A_43, %dma_wait3A_48] : memref<8192x4096xf32, #tpu.memory_space<hbm>> -> memref<8x4096xf32, #tpu.memory_space<hbm>>
    %dma_wait3A_50 = arith.constant 0 : i32
    %dma_wait3A_51 = arith.constant 0 : i32
    %dma_wait3A_52 = tpu.memref_slice %arg9[%dma_wait3A_44, %dma_wait3A_50, %dma_wait3A_51] : memref<8x8x4096xf32, #tpu.memory_space<vmem_shared>> -> memref<1x8x4096xf32, #tpu.memory_space<vmem_shared>>
    %dma_wait3A_53 = tpu.memref_squeeze %dma_wait3A_52 : memref<1x8x4096xf32, #tpu.memory_space<vmem_shared>> -> memref<8x4096xf32, #tpu.memory_space<vmem_shared>>
    tpu.wait_dma2 semaphore(%dma_wait3A_47 : memref<!tpu.dma_semaphore, #tpu.memory_space<semaphore_mem>>) src(%dma_wait3A_53 : memref<8x4096xf32, #tpu.memory_space<vmem_shared>>) dst(%dma_wait3A_49 : memref<8x4096xf32, #tpu.memory_space<hbm>>)
    %add3A_54 = arith.constant 992 : i32
    %add3A_55 = arith.addi %add3A_1, %add3A_54 : i32
    %dma_wait3A_56 = arith.constant 4 : i32
    %dma_wait3A_57 = arith.constant 4 : i32
    %dma_wait3A_58 = tpu.memref_slice %arg11[%dma_wait3A_57] : memref<8x!tpu.dma_semaphore, #tpu.memory_space<semaphore_mem>> -> memref<1x!tpu.dma_semaphore, #tpu.memory_space<semaphore_mem>>
    %dma_wait3A_59 = tpu.memref_squeeze %dma_wait3A_58 : memref<1x!tpu.dma_semaphore, #tpu.memory_space<semaphore_mem>> -> memref<!tpu.dma_semaphore, #tpu.memory_space<semaphore_mem>>
    %dma_wait3A_60 = arith.constant 0 : i32
    %dma_wait3A_61 = tpu.memref_slice %arg3[%add3A_55, %dma_wait3A_60] : memref<8192x4096xf32, #tpu.memory_space<hbm>> -> memref<8x4096xf32, #tpu.memory_space<hbm>>
    %dma_wait3A_62 = arith.constant 0 : i32
    %dma_wait3A_63 = arith.constant 0 : i32
    %dma_wait3A_64 = tpu.memref_slice %arg9[%dma_wait3A_56, %dma_wait3A_62, %dma_wait3A_63] : memref<8x8x4096xf32, #tpu.memory_space<vmem_shared>> -> memref<1x8x4096xf32, #tpu.memory_space<vmem_shared>>
    %dma_wait3A_65 = tpu.memref_squeeze %dma_wait3A_64 : memref<1x8x4096xf32, #tpu.memory_space<vmem_shared>> -> memref<8x4096xf32, #tpu.memory_space<vmem_shared>>
    tpu.wait_dma2 semaphore(%dma_wait3A_59 : memref<!tpu.dma_semaphore, #tpu.memory_space<semaphore_mem>>) src(%dma_wait3A_65 : memref<8x4096xf32, #tpu.memory_space<vmem_shared>>) dst(%dma_wait3A_61 : memref<8x4096xf32, #tpu.memory_space<hbm>>)
    %add3A_66 = arith.constant 1000 : i32
    %add3A_67 = arith.addi %add3A_1, %add3A_66 : i32
    %dma_wait3A_68 = arith.constant 5 : i32
    %dma_wait3A_69 = arith.constant 5 : i32
    %dma_wait3A_70 = tpu.memref_slice %arg11[%dma_wait3A_69] : memref<8x!tpu.dma_semaphore, #tpu.memory_space<semaphore_mem>> -> memref<1x!tpu.dma_semaphore, #tpu.memory_space<semaphore_mem>>
    %dma_wait3A_71 = tpu.memref_squeeze %dma_wait3A_70 : memref<1x!tpu.dma_semaphore, #tpu.memory_space<semaphore_mem>> -> memref<!tpu.dma_semaphore, #tpu.memory_space<semaphore_mem>>
    %dma_wait3A_72 = arith.constant 0 : i32
    %dma_wait3A_73 = tpu.memref_slice %arg3[%add3A_67, %dma_wait3A_72] : memref<8192x4096xf32, #tpu.memory_space<hbm>> -> memref<8x4096xf32, #tpu.memory_space<hbm>>
    %dma_wait3A_74 = arith.constant 0 : i32
    %dma_wait3A_75 = arith.constant 0 : i32
    %dma_wait3A_76 = tpu.memref_slice %arg9[%dma_wait3A_68, %dma_wait3A_74, %dma_wait3A_75] : memref<8x8x4096xf32, #tpu.memory_space<vmem_shared>> -> memref<1x8x4096xf32, #tpu.memory_space<vmem_shared>>
    %dma_wait3A_77 = tpu.memref_squeeze %dma_wait3A_76 : memref<1x8x4096xf32, #tpu.memory_space<vmem_shared>> -> memref<8x4096xf32, #tpu.memory_space<vmem_shared>>
    tpu.wait_dma2 semaphore(%dma_wait3A_71 : memref<!tpu.dma_semaphore, #tpu.memory_space<semaphore_mem>>) src(%dma_wait3A_77 : memref<8x4096xf32, #tpu.memory_space<vmem_shared>>) dst(%dma_wait3A_73 : memref<8x4096xf32, #tpu.memory_space<hbm>>)
    %add3A_78 = arith.constant 1008 : i32
    %add3A_79 = arith.addi %add3A_1, %add3A_78 : i32
    %dma_wait3A_80 = arith.constant 6 : i32
    %dma_wait3A_81 = arith.constant 6 : i32
    %dma_wait3A_82 = tpu.memref_slice %arg11[%dma_wait3A_81] : memref<8x!tpu.dma_semaphore, #tpu.memory_space<semaphore_mem>> -> memref<1x!tpu.dma_semaphore, #tpu.memory_space<semaphore_mem>>
    %dma_wait3A_83 = tpu.memref_squeeze %dma_wait3A_82 : memref<1x!tpu.dma_semaphore, #tpu.memory_space<semaphore_mem>> -> memref<!tpu.dma_semaphore, #tpu.memory_space<semaphore_mem>>
    %dma_wait3A_84 = arith.constant 0 : i32
    %dma_wait3A_85 = tpu.memref_slice %arg3[%add3A_79, %dma_wait3A_84] : memref<8192x4096xf32, #tpu.memory_space<hbm>> -> memref<8x4096xf32, #tpu.memory_space<hbm>>
    %dma_wait3A_86 = arith.constant 0 : i32
    %dma_wait3A_87 = arith.constant 0 : i32
    %dma_wait3A_88 = tpu.memref_slice %arg9[%dma_wait3A_80, %dma_wait3A_86, %dma_wait3A_87] : memref<8x8x4096xf32, #tpu.memory_space<vmem_shared>> -> memref<1x8x4096xf32, #tpu.memory_space<vmem_shared>>
    %dma_wait3A_89 = tpu.memref_squeeze %dma_wait3A_88 : memref<1x8x4096xf32, #tpu.memory_space<vmem_shared>> -> memref<8x4096xf32, #tpu.memory_space<vmem_shared>>
    tpu.wait_dma2 semaphore(%dma_wait3A_83 : memref<!tpu.dma_semaphore, #tpu.memory_space<semaphore_mem>>) src(%dma_wait3A_89 : memref<8x4096xf32, #tpu.memory_space<vmem_shared>>) dst(%dma_wait3A_85 : memref<8x4096xf32, #tpu.memory_space<hbm>>)
    %add3A_90 = arith.constant 1016 : i32
    %add3A_91 = arith.addi %add3A_1, %add3A_90 : i32
    %dma_wait3A_92 = arith.constant 7 : i32
    %dma_wait3A_93 = arith.constant 7 : i32
    %dma_wait3A_94 = tpu.memref_slice %arg11[%dma_wait3A_93] : memref<8x!tpu.dma_semaphore, #tpu.memory_space<semaphore_mem>> -> memref<1x!tpu.dma_semaphore, #tpu.memory_space<semaphore_mem>>
    %dma_wait3A_95 = tpu.memref_squeeze %dma_wait3A_94 : memref<1x!tpu.dma_semaphore, #tpu.memory_space<semaphore_mem>> -> memref<!tpu.dma_semaphore, #tpu.memory_space<semaphore_mem>>
    %dma_wait3A_96 = arith.constant 0 : i32
    %dma_wait3A_97 = tpu.memref_slice %arg3[%add3A_91, %dma_wait3A_96] : memref<8192x4096xf32, #tpu.memory_space<hbm>> -> memref<8x4096xf32, #tpu.memory_space<hbm>>
    %dma_wait3A_98 = arith.constant 0 : i32
    %dma_wait3A_99 = arith.constant 0 : i32
    %dma_wait3A_100 = tpu.memref_slice %arg9[%dma_wait3A_92, %dma_wait3A_98, %dma_wait3A_99] : memref<8x8x4096xf32, #tpu.memory_space<vmem_shared>> -> memref<1x8x4096xf32, #tpu.memory_space<vmem_shared>>
    %dma_wait3A_101 = tpu.memref_squeeze %dma_wait3A_100 : memref<1x8x4096xf32, #tpu.memory_space<vmem_shared>> -> memref<8x4096xf32, #tpu.memory_space<vmem_shared>>
    tpu.wait_dma2 semaphore(%dma_wait3A_95 : memref<!tpu.dma_semaphore, #tpu.memory_space<semaphore_mem>>) src(%dma_wait3A_101 : memref<8x4096xf32, #tpu.memory_space<vmem_shared>>) dst(%dma_wait3A_97 : memref<8x4096xf32, #tpu.memory_space<hbm>>)
    return
  }
}

</mosaic_0001>

<sc_bundles>
// kernel: kernel.3.cloned.1.call-start
scs
__scs_entry_jumppad:
0x0: {  	(pc) =	sbr.rel $0x88, $3  }
0x1: {  	(tag) =	ssettag $0x0;
	lr =	simm.s32 $0x1  }
0x2: {  	[smem:$0x3F9F] =	sst lr;
	_ =	strace $0xD0000000  }
0x3: {  	_ = 	snop  }
0x4: {  	_ = 	snop  }
0x5: {  	_ = 	snop  }
0x6: {  	_ = 	snop  }
0x7: {  	_ = 	snop  }
__scs_overlays_trampoline_lowered:
0x8: {  	[smem:$0x3FAE] =	sst s0  }
0x9: {  	[smem:$0x3FAF] =	sst s1  }
0xa: {  	[smem:$0x3FB0] =	sst s2  }
0xb: {  	[smem:$0x3FB1] =	sst s3  }
0xc: {  	[smem:$0x3FB2] =	sst s4  }
0xd: {  	[smem:$0x3FB3] =	sst s5  }
0xe: {  	[smem:$0x3FB4] =	sst s6  }
0xf: {  	[smem:$0x3FB5] =	sst s7  }
0x10: {  	[smem:$0x3FB6] =	sst s8  }
0x11: {  	[smem:$0x3FB7] =	sst s9;
	s0 =	simm.s32 @!p0 $0x0  }
0x12: {  	s1 =	sld [smem:$0x3F9D];
	s0 =	simm.s32 @p0 $0x1  }
0x13: {  	[smem:$0x3FB8] =	sst s0;
	s0 =	simm.s32 @!p1 $0x0  }
0x14: {  	s2 =	sld [smem:$0x3F9C];
	s0 =	simm.s32 @p1 $0x1  }
0x15: {  	[smem:$0x3FB9] =	sst s0;
	s0 =	simm.s32 @!p2 $0x0  }
0x16: {  	s3 =	sld [smem:$0x3FDB];
	s0 =	simm.s32 @p2 $0x1  }
0x17: {  	s4 =	simm.s32 $0x1BF5;
	[smem:$0x3FBB] =	sst s0  }
0x18: {  	s0 =	sld [smem:$0x3F9E];
	_ =	swait.ge [sflag:s4], $0x0  }
0x19: {  	s7 =	sld [smem:$0x3F9F]  }
0x1a: {  	s8 =	sadd.s32 $0xFFFFE003, lr  }
0x1b: {  	s9 =	sadd.s32 $0xFFFFFEF7, lr;
	s5 =	simm.s32 $0xFFFFFFFF;
	p2 =	slt.u32 s8, $0xFFFFF086  }
0x1c: {  	p1 =	slt.u32 s9, $0xF7A;
	s5 =	simm.s32 @!p2 $0x0  }
0x1d: {  	s5 =	simm.s32 @p1 $0x1;
	p0 =	seq.s32 s7, s2  }
0x1e: {  	s7 =	smul.u32 @!p0 $0xF7A, s2;
	p2 =	seq.s32 @!p0 s5, $0x0  }
0x1f: {  	s9 =	smul.u32 $0xF7A, s1;
	s8 =	simm.s32 @!p0 $0x1BF5;
	p2 =	por !p2, p0  }
0x20: {  	[sflag:s8] =	ssyncset.s32 @!p0 $0xFFFFF086;
	s6 =	sadd.s32 @!p0 s3, s7;
	s7 =	simm.s32 @!p0 $0x108  }
0x21: {  	s3 =	sadd.s32 s3, s9;
	s6 =	sadd.s32 @!p0 $0x88, s6;
	s7 =	simm.s32 @p2 $0x1082  }
0x22: {  	[simem:s7], [sflag:s8] =	dma.local @!p0 [hbm:s6], $0xF7A  }
0x23: {  	s9 =	sor.u32 $0xD0000000, s2;
	s6 =	simm.s32 $0x108;
	_ =	swait.ge @!p0 [sflag:s8], $0x0  }
0x24: {  	s3 =	sadd.s32 $0x88, s3;
	s6 =	simm.s32 @!p1 $0x1082;
	[sflag:s4] =	ssyncset.s32 $0xFFFFF086  }
0x25: {  	[simem:s6], [sflag:s4] =	dma.local [hbm:s3], $0xF7A  }
0x26: {  	[smem:$0x3F9F] =	sst s1;
	(tag) =	ssettag s2;
	_ =	strace s9  }
0x27: {  	s1 =	sld [smem:$0x3FAF]  }
0x28: {  	s2 =	sld [smem:$0x3FB0]  }
0x29: {  	s4 =	sld [smem:$0x3FB2]  }
0x2a: {  	p0 =	seq.s32 s5, $0x0;
	s5 =	sld [smem:$0x3FB3]  }
0x2b: {  	s6 =	sld [smem:$0x3FB4]  }
0x2c: {  	s7 =	sld [smem:$0x3FB5]  }
0x2d: {  	s3 =	simm.s32 $0x108;
	s8 =	sld [smem:$0x3FB6]  }
0x2e: {  	s3 =	simm.s32 @!p0 $0x1082;
	s9 =	sld [smem:$0x3FB7]  }
0x2f: {  	lr =	sadd.s32 s0, s3;
	s0 =	sld [smem:$0x3FAE]  }
0x30: {  	s3 =	sld [smem:$0x3FB1]  }
0x31: {  	[smem:$0x3FBA] =	sst s10  }
0x32: {  	s10 =	sld [smem:$0x3FB8];
	_ =	sdelay $0x3  }
0x33: {  	p0 =	seq.s32 s10, $0x1;
	s10 =	sld [smem:$0x3FBA];
	_ =	sdelay $0x3  }
0x34: {  	[smem:$0x3FBA] =	sst s10  }
0x35: {  	s10 =	sld [smem:$0x3FB9];
	_ =	sdelay $0x3  }
0x36: {  	p1 =	seq.s32 s10, $0x1;
	s10 =	sld [smem:$0x3FBA];
	_ =	sdelay $0x3  }
0x37: {  	[smem:$0x3FBA] =	sst s10  }
0x38: {  	s10 =	sld [smem:$0x3FBB]  }
0x39: {  	_ = 	snop;
	(pc) =	sbr.ind lr, $3  }
0x3a: {  	_ = 	snop  }
0x3b: {  	_ = 	snop  }
0x3c: {  	p2 =	seq.s32 s10, $0x1;
	s10 =	sld [smem:$0x3FBA]  }
0x3d: {  	_ =	shalt  }
0x3e: {  	_ =	shalt  }
0x3f: {  	_ =	shalt  }
0x40: {  	_ =	shalt  }
0x41: {  	_ =	shalt  }
0x42: {  	_ =	shalt  }
0x43: {  	_ =	shalt  }
0x44: {  	_ =	shalt  }
0x45: {  	_ =	shalt  }
0x46: {  	_ =	shalt  }
0x47: {  	_ =	shalt  }
0x48: {  	_ =	shalt  }
0x49: {  	_ =	shalt  }
0x4a: {  	_ =	shalt  }
0x4b: {  	_ =	shalt  }
0x4c: {  	_ =	shalt  }
0x4d: {  	_ =	shalt  }
0x4e: {  	_ =	shalt  }
0x4f: {  	_ =	shalt  }
0x50: {  	_ =	shalt  }
0x51: {  	_ =	shalt  }
0x52: {  	_ =	shalt  }
0x53: {  	_ =	shalt  }
0x54: {  	_ =	shalt  }
0x55: {  	_ =	shalt  }
0x56: {  	_ =	shalt  }
0x57: {  	_ =	shalt  }
0x58: {  	_ =	shalt  }
0x59: {  	_ =	shalt  }
0x5a: {  	_ =	shalt  }
0x5b: {  	_ =	shalt  }
0x5c: {  	_ =	shalt  }
0x5d: {  	_ =	shalt  }
0x5e: {  	_ =	shalt  }
0x5f: {  	_ =	shalt  }
0x60: {  	_ =	shalt  }
0x61: {  	_ =	shalt  }
0x62: {  	_ =	shalt  }
0x63: {  	_ =	shalt  }
0x64: {  	_ =	shalt  }
0x65: {  	_ =	shalt  }
0x66: {  	_ =	shalt  }
0x67: {  	_ =	shalt  }
0x68: {  	_ =	shalt  }
0x69: {  	_ =	shalt  }
0x6a: {  	_ =	shalt  }
0x6b: {  	_ =	shalt  }
0x6c: {  	_ =	shalt  }
0x6d: {  	_ =	shalt  }
0x6e: {  	_ =	shalt  }
0x6f: {  	_ =	shalt  }
0x70: {  	_ =	shalt  }
0x71: {  	_ =	shalt  }
0x72: {  	_ =	shalt  }
0x73: {  	_ =	shalt  }
0x74: {  	_ =	shalt  }
0x75: {  	_ =	shalt  }
0x76: {  	_ =	shalt  }
0x77: {  	_ =	shalt  }
0x78: {  	_ =	shalt  }
0x79: {  	_ =	shalt  }
0x7a: {  	_ =	shalt  }
0x7b: {  	_ =	shalt  }
0x7c: {  	_ =	shalt  }
0x7d: {  	_ =	shalt  }
0x7e: {  	_ =	shalt  }
0x7f: {  	_ =	shalt  }
0x80: {  	_ =	shalt  }
0x81: {  	_ =	shalt  }
0x82: {  	_ =	shalt  }
0x83: {  	_ =	shalt  }
0x84: {  	_ =	shalt  }
0x85: {  	_ =	shalt  }
0x86: {  	_ =	shalt  }
0x87: {  	_ =	shalt  }
.Lfunc_end0:
.L_simem_size_0:
called_computation_lowered:
.L_overlay_start_0:
0x88: {  	s0 =	sld [smem:$0x3FD9]  }
0x89: {  	s1 =	sld [smem:$0x3FFE];
	_ =	sdelay $0x1  }
0x8a: {  	s2 =	srdreg.scid  }
0x8b: {  	s8 =	sand.u32 $0x1, s2  }
0x8c: {  	s17 =	sshll.u32 s8, $0xA;
	s0 =	sadd.s32 s1, s0  }
0x8d: {  	s0 =	sadd.s32 s0, s17  }
0x8e: {  	s3 =	simm.s32 $0x0;
	[smem:$0x3FC6] =	sst s0  }
0x8f: {  	[smem:$0xF] =	sst s3  }
0x90: {  	s2 =	sld [smem:$0x3FC8]  }
0x91: {  	s0 =	sld [smem:$0x3FD0];
	(tm) =	ssettm $0x1  }
0x92: {  	s4 =	sld [smem:$0x3FFB];
	_ =	sdelay $0x3  }
0x93: {  	_ =	strace s4  }
0x94: {  	s4 =	sld [smem:$0x3FFC];
	_ =	sdelay $0x3  }
0x95: {  	_ =	strace s4  }
0x96: {  	s4 =	sld [smem:$0x3FFD];
	_ =	sdelay $0x3  }
0x97: {  	_ =	strace s4  }
0x98: {  	_ =	strace $0x8FFFFFFF  }
0x99: {  	s18 =	sld [smem:$0x3FDB];
	_ =	sdelay $0x2  }
0x9a: {  	s5 =	simm.s32 $_scs_section_size;
	s6 =	simm.s32 $_tile_overlayer_lowered  }
0x9b: {  	s19 =	simm.s32 $_size__tile_overlayer_lowered;
	s6 =	sshll.u32 s6, $0x1;
	s4 =	sadd.s32 s5, s18  }
0x9c: {  	s7 =	simm.s32 $0x1BFF;
	s5 =	sshll.u32 s19, $0x1;
	s6 =	sadd.s32 s6, s4  }
0x9d: {  	[timem:s3], [sflag:s7] =	dma.local [hbm:s6], s5  }
0x9e: {  	_ =	swait.ge [sflag:s7], s5  }
0x9f: {  	s5 =	ssub.s32 $0x0, s5;
	[sflag:s7] =	ssyncset.done $0x0  }
0xa0: {  	[sflag:s7] =	ssyncadd.s32 s5;
	_ =	sdelay $0x1  }
0xa1: {  	s20 =	simm.s32 $0x1B8B  }
0xa2: {  	s22 =	simm.s32 $0x1B8E;
	s23 =	simm.s32 $execute0_lowered;
	_ =	swait.ge [sflag:s20], $0x1  }
0xa3: {  	s24 =	simm.s32 $_size_execute0_lowered;
	s25 =	simm.s32 $0x1A;
	[sflag:s20] =	ssyncset.done $0x0  }
0xa4: {  	s9 =	simm.s32 $0xA;
	s21 =	sld [smem:$0x3FFE];
	[sflag:s20] =	ssyncadd.s32 $0xFFFFFFFF  }
0xa5: {  	s10 =	simm.s32 $0x20200;
	s28 =	simm.s32 $0xC;
	[smem:$0x3FD2] =	sst s22  }
0xa6: {  	s6 =	sshll.u32 s23, $0x1;
	_ =	strace $0x80000046;
	[dreg:$0x1] =	wrdreg $0xFFFFFFFF  }
0xa7: {  	s29 =	simm.s32 $0x22200;
	s4 =	sadd.s32 s4, s6;
	[dreg:$0x0] =	wrdreg $0x0  }
0xa8: {  	s14 =	simm.s32 $0xD;
	s6 =	sshll.u32 s24, $0x1;
	[dreg:$0x2] =	wrdreg s4  }
0xa9: {  	s15 =	simm.s32 $0x23200;
	s16 =	simm.s32 $0xF;
	[dreg:$0x3] =	wrdreg s6  }
0xaa: {  	s30 =	simm.s32 $0x14;
	s31 =	simm.s32 $0x15;
	[dreg:$0x4] =	wrdreg $0xC0  }
0xab: {  	s11 =	simm.s32 $0x17;
	s12 =	simm.s32 $0x18;
	_ =	task [dreg:s3], $0x5FFFF  }
0xac: {  	s13 =	simm.s32 $0x19;
	s26 =	sshll.u32 s8, $0x13;
	[dreg:$0x1] =	wrdreg $0xFFFFFFFF  }
0xad: {  	s1 =	sshrl.u32 s17, $0x3;
	s17 =	simm.s32 $0x25200;
	[dreg:$0x0] =	wrdreg $0x60  }
0xae: {  	s18 =	simm.s32 $0xB;
	s19 =	simm.s32 $0x21200;
	[dreg:$0x2] =	wrdreg s21  }
0xaf: {  	s23 =	simm.s32 $0x11;
	s24 =	simm.s32 $0x27200;
	[dreg:$0x3] =	wrdreg s2  }
0xb0: {  	s5 =	sadd.s32 s26, s0;
	s7 =	simm.s32 $0x1;
	[dreg:$0x4] =	wrdreg s0  }
0xb1: {  	s26 =	simm.s32 $0x24200;
	s1 =	sadd.s32 s1, s21;
	[dreg:$0x5] =	wrdreg $0x9  }
0xb2: {  	s1 =	sadd.s32 $0x700, s1;
	s4 =	simm.s32 $0x10;
	_ =	task.clear_ibuf [dreg:s3], $0x6FFFF  }
0xb3: {  	[smem:s4], [sflag:s25] =	dma.local [hbm:s1], $0x80  }
0xb4: {  	s6 =	simm.s32 $0x30;
	s0 =	simm.s32 $0x16;
	_ =	swait.ge [sflag:s25], $0x80  }
0xb5: {  	s1 =	simm.s32 $0x26200;
	[dreg:$0x6] =	wrdreg s8;
	[sflag:s25] =	ssyncset.done $0x0  }
0xb6: {  	s8 =	simm.s32 $0x80;
	[sflag:s25] =	ssyncadd.s32 $0xFFFFFF80;
	s25 =	simm.s32 $0xE  }
.LBB1_1:
0xb7: {  	p0 =	seq.s32 s3, $0x0  }
0xb8: {  	s20 =	simm.s32 @!p0 $0x12  }
0xb9: {  	_ =	swait.ge @!p0 [sflag:s20], $0x1000  }
0xba: {  	[sflag:s20] =	ssyncset.done @!p0 $0x0  }
0xbb: {  	[sflag:s20] =	ssyncadd.s32 @!p0 $0xFFFFF000  }
0xbc: {  	s20 =	sld [smem:s6+$0xFFFFFFE0];
	_ =	sdelay $0x3  }
0xbd: {  	s21 =	sshll.u32 s20, $0xC;
	s20 =	sshll.u32 s20, $0x7  }
0xbe: {  	s21 =	sand.u32 $0xFFFF8000, s21;
	s20 =	sand.u32 $0x380, s20  }
0xbf: {  	s20 =	sor.u32 s20, s21  }
0xc0: {  	s20 =	sshrl.u32 s20, $0x3  }
0xc1: {  	s20 =	sadd.s32 s2, s20  }
0xc2: {  	[spmem:s10@s8], [sflag:s9] =	dma.strided [hbm:s20@s8], $0x200, s7, $0x10   }
0xc3: {  	s20 =	sld [smem:s6+$0xFFFFFFE1];
	_ =	sdelay $0x3  }
0xc4: {  	s22 =	sshll.u32 s20, $0xC;
	s20 =	sshll.u32 s20, $0x7  }
0xc5: {  	s21 =	sand.u32 $0xFFFF8000, s22;
	s20 =	sand.u32 $0x380, s20  }
0xc6: {  	s20 =	sor.u32 s20, s21  }
0xc7: {  	s20 =	sshrl.u32 s20, $0x3  }
0xc8: {  	s22 =	simm.s32 $0x20210;
	s20 =	sadd.s32 s2, s20  }
0xc9: {  	[spmem:s22@s8], [sflag:s9] =	dma.strided [hbm:s20@s8], $0x200, s7, $0x10   }
0xca: {  	s20 =	sld [smem:s6+$0xFFFFFFE2];
	_ =	sdelay $0x3  }
0xcb: {  	s22 =	sshll.u32 s20, $0xC;
	s20 =	sshll.u32 s20, $0x7  }
0xcc: {  	s21 =	sand.u32 $0xFFFF8000, s22;
	s20 =	sand.u32 $0x380, s20  }
0xcd: {  	s20 =	sor.u32 s20, s21  }
0xce: {  	s20 =	sshrl.u32 s20, $0x3  }
0xcf: {  	s22 =	simm.s32 $0x20220;
	s20 =	sadd.s32 s2, s20  }
0xd0: {  	[spmem:s22@s8], [sflag:s9] =	dma.strided [hbm:s20@s8], $0x200, s7, $0x10   }
0xd1: {  	s20 =	sld [smem:s6+$0xFFFFFFE3];
	_ =	sdelay $0x3  }
0xd2: {  	s22 =	sshll.u32 s20, $0xC;
	s20 =	sshll.u32 s20, $0x7  }
0xd3: {  	s21 =	sand.u32 $0xFFFF8000, s22;
	s20 =	sand.u32 $0x380, s20  }
0xd4: {  	s20 =	sor.u32 s20, s21  }
0xd5: {  	s20 =	sshrl.u32 s20, $0x3  }
0xd6: {  	s22 =	simm.s32 $0x20230;
	s20 =	sadd.s32 s2, s20  }
0xd7: {  	[spmem:s22@s8], [sflag:s9] =	dma.strided [hbm:s20@s8], $0x200, s7, $0x10   }
0xd8: {  	s20 =	sld [smem:s6+$0xFFFFFFE4];
	_ =	sdelay $0x3  }
0xd9: {  	s22 =	sshll.u32 s20, $0xC;
	s20 =	sshll.u32 s20, $0x7  }
0xda: {  	s21 =	sand.u32 $0xFFFF8000, s22;
	s20 =	sand.u32 $0x380, s20  }
0xdb: {  	s20 =	sor.u32 s20, s21  }
0xdc: {  	s20 =	sshrl.u32 s20, $0x3  }
0xdd: {  	s22 =	simm.s32 $0x20240;
	s20 =	sadd.s32 s2, s20  }
0xde: {  	[spmem:s22@s8], [sflag:s9] =	dma.strided [hbm:s20@s8], $0x200, s7, $0x10   }
0xdf: {  	s20 =	sld [smem:s6+$0xFFFFFFE5];
	_ =	sdelay $0x3  }
0xe0: {  	s22 =	sshll.u32 s20, $0xC;
	s20 =	sshll.u32 s20, $0x7  }
0xe1: {  	s21 =	sand.u32 $0xFFFF8000, s22;
	s20 =	sand.u32 $0x380, s20  }
0xe2: {  	s20 =	sor.u32 s20, s21  }
0xe3: {  	s20 =	sshrl.u32 s20, $0x3  }
0xe4: {  	s22 =	simm.s32 $0x20250;
	s20 =	sadd.s32 s2, s20  }
0xe5: {  	[spmem:s22@s8], [sflag:s9] =	dma.strided [hbm:s20@s8], $0x200, s7, $0x10   }
0xe6: {  	s20 =	sld [smem:s6+$0xFFFFFFE6];
	_ =	sdelay $0x3  }
0xe7: {  	s22 =	sshll.u32 s20, $0xC;
	s20 =	sshll.u32 s20, $0x7  }
0xe8: {  	s21 =	sand.u32 $0xFFFF8000, s22;
	s20 =	sand.u32 $0x380, s20  }
0xe9: {  	s20 =	sor.u32 s20, s21  }
0xea: {  	s20 =	sshrl.u32 s20, $0x3  }
0xeb: {  	s22 =	simm.s32 $0x20260;
	s20 =	sadd.s32 s2, s20  }
0xec: {  	[spmem:s22@s8], [sflag:s9] =	dma.strided [hbm:s20@s8], $0x200, s7, $0x10   }
0xed: {  	s20 =	sld [smem:s6+$0xFFFFFFE7];
	_ =	sdelay $0x3  }
0xee: {  	s22 =	sshll.u32 s20, $0xC;
	s20 =	sshll.u32 s20, $0x7  }
0xef: {  	s21 =	sand.u32 $0xFFFF8000, s22;
	s20 =	sand.u32 $0x380, s20  }
0xf0: {  	s20 =	sor.u32 s20, s21  }
0xf1: {  	s20 =	sshrl.u32 s20, $0x3  }
0xf2: {  	s22 =	simm.s32 $0x20270;
	s20 =	sadd.s32 s2, s20  }
0xf3: {  	[spmem:s22@s8], [sflag:s9] =	dma.strided [hbm:s20@s8], $0x200, s7, $0x10   }
0xf4: {  	s20 =	simm.s32 @!p0 $0x13  }
0xf5: {  	_ =	swait.ge @!p0 [sflag:s20], $0x1000  }
0xf6: {  	[sflag:s20] =	ssyncset.done @!p0 $0x0  }
0xf7: {  	[sflag:s20] =	ssyncadd.s32 @!p0 $0xFFFFF000  }
0xf8: {  	s20 =	sld [smem:s6+$0xFFFFFFE8];
	_ =	sdelay $0x3  }
0xf9: {  	s22 =	sshll.u32 s20, $0xC;
	s20 =	sshll.u32 s20, $0x7  }
0xfa: {  	s21 =	sand.u32 $0xFFFF8000, s22;
	s20 =	sand.u32 $0x380, s20  }
0xfb: {  	s20 =	sor.u32 s20, s21  }
0xfc: {  	s20 =	sshrl.u32 s20, $0x3  }
0xfd: {  	s20 =	sadd.s32 s2, s20  }
0xfe: {  	[spmem:s19@s8], [sflag:s18] =	dma.strided [hbm:s20@s8], $0x200, s7, $0x10   }
0xff: {  	s20 =	sld [smem:s6+$0xFFFFFFE9];
	_ =	sdelay $0x3  }
0x100: {  	s22 =	sshll.u32 s20, $0xC;
	s20 =	sshll.u32 s20, $0x7  }
0x101: {  	s21 =	sand.u32 $0xFFFF8000, s22;
	s20 =	sand.u32 $0x380, s20  }
0x102: {  	s20 =	sor.u32 s20, s21  }
0x103: {  	s20 =	sshrl.u32 s20, $0x3  }
0x104: {  	s22 =	simm.s32 $0x21210;
	s20 =	sadd.s32 s2, s20  }
0x105: {  	[spmem:s22@s8], [sflag:s18] =	dma.strided [hbm:s20@s8], $0x200, s7, $0x10   }
0x106: {  	s20 =	sld [smem:s6+$0xFFFFFFEA];
	_ =	sdelay $0x3  }
0x107: {  	s22 =	sshll.u32 s20, $0xC;
	s20 =	sshll.u32 s20, $0x7  }
0x108: {  	s21 =	sand.u32 $0xFFFF8000, s22;
	s20 =	sand.u32 $0x380, s20  }
0x109: {  	s20 =	sor.u32 s20, s21  }
0x10a: {  	s20 =	sshrl.u32 s20, $0x3  }
0x10b: {  	s22 =	simm.s32 $0x21220;
	s20 =	sadd.s32 s2, s20  }
0x10c: {  	[spmem:s22@s8], [sflag:s18] =	dma.strided [hbm:s20@s8], $0x200, s7, $0x10   }
0x10d: {  	s20 =	sld [smem:s6+$0xFFFFFFEB];
	_ =	sdelay $0x3  }
0x10e: {  	s22 =	sshll.u32 s20, $0xC;
	s20 =	sshll.u32 s20, $0x7  }
0x10f: {  	s21 =	sand.u32 $0xFFFF8000, s22;
	s20 =	sand.u32 $0x380, s20  }
0x110: {  	s20 =	sor.u32 s20, s21  }
0x111: {  	s20 =	sshrl.u32 s20, $0x3  }
0x112: {  	s22 =	simm.s32 $0x21230;
	s20 =	sadd.s32 s2, s20  }
0x113: {  	[spmem:s22@s8], [sflag:s18] =	dma.strided [hbm:s20@s8], $0x200, s7, $0x10   }
0x114: {  	s20 =	sld [smem:s6+$0xFFFFFFEC];
	_ =	sdelay $0x3  }
0x115: {  	s22 =	sshll.u32 s20, $0xC;
	s20 =	sshll.u32 s20, $0x7  }
0x116: {  	s21 =	sand.u32 $0xFFFF8000, s22;
	s20 =	sand.u32 $0x380, s20  }
0x117: {  	s20 =	sor.u32 s20, s21  }
0x118: {  	s20 =	sshrl.u32 s20, $0x3  }
0x119: {  	s22 =	simm.s32 $0x21240;
	s20 =	sadd.s32 s2, s20  }
0x11a: {  	[spmem:s22@s8], [sflag:s18] =	dma.strided [hbm:s20@s8], $0x200, s7, $0x10   }
0x11b: {  	s20 =	sld [smem:s6+$0xFFFFFFED];
	_ =	sdelay $0x3  }
0x11c: {  	s22 =	sshll.u32 s20, $0xC;
	s20 =	sshll.u32 s20, $0x7  }
0x11d: {  	s21 =	sand.u32 $0xFFFF8000, s22;
	s20 =	sand.u32 $0x380, s20  }
0x11e: {  	s20 =	sor.u32 s20, s21  }
0x11f: {  	s20 =	sshrl.u32 s20, $0x3  }
0x120: {  	s22 =	simm.s32 $0x21250;
	s20 =	sadd.s32 s2, s20  }
0x121: {  	[spmem:s22@s8], [sflag:s18] =	dma.strided [hbm:s20@s8], $0x200, s7, $0x10   }
0x122: {  	s20 =	sld [smem:s6+$0xFFFFFFEE];
	_ =	sdelay $0x3  }
0x123: {  	s22 =	sshll.u32 s20, $0xC;
	s20 =	sshll.u32 s20, $0x7  }
0x124: {  	s21 =	sand.u32 $0xFFFF8000, s22;
	s20 =	sand.u32 $0x380, s20  }
0x125: {  	s20 =	sor.u32 s20, s21  }
0x126: {  	s20 =	sshrl.u32 s20, $0x3  }
0x127: {  	s22 =	simm.s32 $0x21260;
	s20 =	sadd.s32 s2, s20  }
0x128: {  	[spmem:s22@s8], [sflag:s18] =	dma.strided [hbm:s20@s8], $0x200, s7, $0x10   }
0x129: {  	s20 =	sld [smem:s6+$0xFFFFFFEF];
	_ =	sdelay $0x3  }
0x12a: {  	s22 =	sshll.u32 s20, $0xC;
	s20 =	sshll.u32 s20, $0x7  }
0x12b: {  	s21 =	sand.u32 $0xFFFF8000, s22;
	s20 =	sand.u32 $0x380, s20  }
0x12c: {  	s20 =	sor.u32 s20, s21  }
0x12d: {  	s20 =	sshrl.u32 s20, $0x3  }
0x12e: {  	s22 =	simm.s32 $0x21270;
	s20 =	sadd.s32 s2, s20  }
0x12f: {  	[spmem:s22@s8], [sflag:s18] =	dma.strided [hbm:s20@s8], $0x200, s7, $0x10   }
0x130: {  	s20 =	simm.s32 @!p0 $0x14  }
0x131: {  	_ =	swait.ge @!p0 [sflag:s20], $0x1000  }
0x132: {  	[sflag:s20] =	ssyncset.done @!p0 $0x0  }
0x133: {  	[sflag:s20] =	ssyncadd.s32 @!p0 $0xFFFFF000  }
0x134: {  	s20 =	sld [smem:s6+$0xFFFFFFF0];
	_ =	sdelay $0x3  }
0x135: {  	s22 =	sshll.u32 s20, $0xC;
	s20 =	sshll.u32 s20, $0x7  }
0x136: {  	s21 =	sand.u32 $0xFFFF8000, s22;
	s20 =	sand.u32 $0x380, s20  }
0x137: {  	s20 =	sor.u32 s20, s21  }
0x138: {  	s20 =	sshrl.u32 s20, $0x3  }
0x139: {  	s20 =	sadd.s32 s2, s20  }
0x13a: {  	[spmem:s29@s8], [sflag:s28] =	dma.strided [hbm:s20@s8], $0x200, s7, $0x10   }
0x13b: {  	s20 =	sld [smem:s6+$0xFFFFFFF1];
	_ =	sdelay $0x3  }
0x13c: {  	s22 =	sshll.u32 s20, $0xC;
	s20 =	sshll.u32 s20, $0x7  }
0x13d: {  	s21 =	sand.u32 $0xFFFF8000, s22;
	s20 =	sand.u32 $0x380, s20  }
0x13e: {  	s20 =	sor.u32 s20, s21  }
0x13f: {  	s20 =	sshrl.u32 s20, $0x3  }
0x140: {  	s22 =	simm.s32 $0x22210;
	s20 =	sadd.s32 s2, s20  }
0x141: {  	[spmem:s22@s8], [sflag:s28] =	dma.strided [hbm:s20@s8], $0x200, s7, $0x10   }
0x142: {  	s20 =	sld [smem:s6+$0xFFFFFFF2];
	_ =	sdelay $0x3  }
0x143: {  	s22 =	sshll.u32 s20, $0xC;
	s20 =	sshll.u32 s20, $0x7  }
0x144: {  	s21 =	sand.u32 $0xFFFF8000, s22;
	s20 =	sand.u32 $0x380, s20  }
0x145: {  	s20 =	sor.u32 s20, s21  }
0x146: {  	s20 =	sshrl.u32 s20, $0x3  }
0x147: {  	s22 =	simm.s32 $0x22220;
	s20 =	sadd.s32 s2, s20  }
0x148: {  	[spmem:s22@s8], [sflag:s28] =	dma.strided [hbm:s20@s8], $0x200, s7, $0x10   }
0x149: {  	s20 =	sld [smem:s6+$0xFFFFFFF3];
	_ =	sdelay $0x3  }
0x14a: {  	s22 =	sshll.u32 s20, $0xC;
	s20 =	sshll.u32 s20, $0x7  }
0x14b: {  	s21 =	sand.u32 $0xFFFF8000, s22;
	s20 =	sand.u32 $0x380, s20  }
0x14c: {  	s20 =	sor.u32 s20, s21  }
0x14d: {  	s20 =	sshrl.u32 s20, $0x3  }
0x14e: {  	s22 =	simm.s32 $0x22230;
	s20 =	sadd.s32 s2, s20  }
0x14f: {  	[spmem:s22@s8], [sflag:s28] =	dma.strided [hbm:s20@s8], $0x200, s7, $0x10   }
0x150: {  	s20 =	sld [smem:s6+$0xFFFFFFF4];
	_ =	sdelay $0x3  }
0x151: {  	s22 =	sshll.u32 s20, $0xC;
	s20 =	sshll.u32 s20, $0x7  }
0x152: {  	s21 =	sand.u32 $0xFFFF8000, s22;
	s20 =	sand.u32 $0x380, s20  }
0x153: {  	s20 =	sor.u32 s20, s21  }
0x154: {  	s20 =	sshrl.u32 s20, $0x3  }
0x155: {  	s22 =	simm.s32 $0x22240;
	s20 =	sadd.s32 s2, s20  }
0x156: {  	[spmem:s22@s8], [sflag:s28] =	dma.strided [hbm:s20@s8], $0x200, s7, $0x10   }
0x157: {  	s20 =	sld [smem:s6+$0xFFFFFFF5];
	_ =	sdelay $0x3  }
0x158: {  	s22 =	sshll.u32 s20, $0xC;
	s20 =	sshll.u32 s20, $0x7  }
0x159: {  	s21 =	sand.u32 $0xFFFF8000, s22;
	s20 =	sand.u32 $0x380, s20  }
0x15a: {  	s20 =	sor.u32 s20, s21  }
0x15b: {  	s20 =	sshrl.u32 s20, $0x3  }
0x15c: {  	s22 =	simm.s32 $0x22250;
	s20 =	sadd.s32 s2, s20  }
0x15d: {  	[spmem:s22@s8], [sflag:s28] =	dma.strided [hbm:s20@s8], $0x200, s7, $0x10   }
0x15e: {  	s20 =	sld [smem:s6+$0xFFFFFFF6];
	_ =	sdelay $0x3  }
0x15f: {  	s22 =	sshll.u32 s20, $0xC;
	s20 =	sshll.u32 s20, $0x7  }
0x160: {  	s21 =	sand.u32 $0xFFFF8000, s22;
	s20 =	sand.u32 $0x380, s20  }
0x161: {  	s20 =	sor.u32 s20, s21  }
0x162: {  	s20 =	sshrl.u32 s20, $0x3  }
0x163: {  	s22 =	simm.s32 $0x22260;
	s20 =	sadd.s32 s2, s20  }
0x164: {  	[spmem:s22@s8], [sflag:s28] =	dma.strided [hbm:s20@s8], $0x200, s7, $0x10   }
0x165: {  	s20 =	sld [smem:s6+$0xFFFFFFF7];
	_ =	sdelay $0x3  }
0x166: {  	s22 =	sshll.u32 s20, $0xC;
	s20 =	sshll.u32 s20, $0x7  }
0x167: {  	s21 =	sand.u32 $0xFFFF8000, s22;
	s20 =	sand.u32 $0x380, s20  }
0x168: {  	s20 =	sor.u32 s20, s21  }
0x169: {  	s20 =	sshrl.u32 s20, $0x3  }
0x16a: {  	s22 =	simm.s32 $0x22270;
	s20 =	sadd.s32 s2, s20  }
0x16b: {  	[spmem:s22@s8], [sflag:s28] =	dma.strided [hbm:s20@s8], $0x200, s7, $0x10   }
0x16c: {  	s20 =	simm.s32 @!p0 $0x15  }
0x16d: {  	_ =	swait.ge @!p0 [sflag:s20], $0x1000  }
0x16e: {  	[sflag:s20] =	ssyncset.done @!p0 $0x0  }
0x16f: {  	[sflag:s20] =	ssyncadd.s32 @!p0 $0xFFFFF000  }
0x170: {  	s20 =	sld [smem:s6+$0xFFFFFFF8];
	_ =	sdelay $0x3  }
0x171: {  	s22 =	sshll.u32 s20, $0xC;
	s20 =	sshll.u32 s20, $0x7  }
0x172: {  	s21 =	sand.u32 $0xFFFF8000, s22;
	s20 =	sand.u32 $0x380, s20  }
0x173: {  	s20 =	sor.u32 s20, s21  }
0x174: {  	s20 =	sshrl.u32 s20, $0x3  }
0x175: {  	s20 =	sadd.s32 s2, s20  }
0x176: {  	[spmem:s15@s8], [sflag:s14] =	dma.strided [hbm:s20@s8], $0x200, s7, $0x10   }
0x177: {  	s20 =	sld [smem:s6+$0xFFFFFFF9];
	_ =	sdelay $0x3  }
0x178: {  	s22 =	sshll.u32 s20, $0xC;
	s20 =	sshll.u32 s20, $0x7  }
0x179: {  	s21 =	sand.u32 $0xFFFF8000, s22;
	s20 =	sand.u32 $0x380, s20  }
0x17a: {  	s20 =	sor.u32 s20, s21  }
0x17b: {  	s20 =	sshrl.u32 s20, $0x3  }
0x17c: {  	s22 =	simm.s32 $0x23210;
	s20 =	sadd.s32 s2, s20  }
0x17d: {  	[spmem:s22@s8], [sflag:s14] =	dma.strided [hbm:s20@s8], $0x200, s7, $0x10   }
0x17e: {  	s20 =	sld [smem:s6+$0xFFFFFFFA];
	_ =	sdelay $0x3  }
0x17f: {  	s22 =	sshll.u32 s20, $0xC;
	s20 =	sshll.u32 s20, $0x7  }
0x180: {  	s21 =	sand.u32 $0xFFFF8000, s22;
	s20 =	sand.u32 $0x380, s20  }
0x181: {  	s20 =	sor.u32 s20, s21  }
0x182: {  	s20 =	sshrl.u32 s20, $0x3  }
0x183: {  	s22 =	simm.s32 $0x23220;
	s20 =	sadd.s32 s2, s20  }
0x184: {  	[spmem:s22@s8], [sflag:s14] =	dma.strided [hbm:s20@s8], $0x200, s7, $0x10   }
0x185: {  	s20 =	sld [smem:s6+$0xFFFFFFFB];
	_ =	sdelay $0x3  }
0x186: {  	s22 =	sshll.u32 s20, $0xC;
	s20 =	sshll.u32 s20, $0x7  }
0x187: {  	s21 =	sand.u32 $0xFFFF8000, s22;
	s20 =	sand.u32 $0x380, s20  }
0x188: {  	s20 =	sor.u32 s20, s21  }
0x189: {  	s20 =	sshrl.u32 s20, $0x3  }
0x18a: {  	s22 =	simm.s32 $0x23230;
	s20 =	sadd.s32 s2, s20  }
0x18b: {  	[spmem:s22@s8], [sflag:s14] =	dma.strided [hbm:s20@s8], $0x200, s7, $0x10   }
0x18c: {  	s20 =	sld [smem:s6+$0xFFFFFFFC];
	_ =	sdelay $0x3  }
0x18d: {  	s22 =	sshll.u32 s20, $0xC;
	s20 =	sshll.u32 s20, $0x7  }
0x18e: {  	s21 =	sand.u32 $0xFFFF8000, s22;
	s20 =	sand.u32 $0x380, s20  }
0x18f: {  	s20 =	sor.u32 s20, s21  }
0x190: {  	s20 =	sshrl.u32 s20, $0x3  }
0x191: {  	s22 =	simm.s32 $0x23240;
	s20 =	sadd.s32 s2, s20  }
0x192: {  	[spmem:s22@s8], [sflag:s14] =	dma.strided [hbm:s20@s8], $0x200, s7, $0x10   }
0x193: {  	s20 =	sld [smem:s6+$0xFFFFFFFD];
	_ =	sdelay $0x3  }
0x194: {  	s22 =	sshll.u32 s20, $0xC;
	s20 =	sshll.u32 s20, $0x7  }
0x195: {  	s21 =	sand.u32 $0xFFFF8000, s22;
	s20 =	sand.u32 $0x380, s20  }
0x196: {  	s20 =	sor.u32 s20, s21  }
0x197: {  	s20 =	sshrl.u32 s20, $0x3  }
0x198: {  	s22 =	simm.s32 $0x23250;
	s20 =	sadd.s32 s2, s20  }
0x199: {  	[spmem:s22@s8], [sflag:s14] =	dma.strided [hbm:s20@s8], $0x200, s7, $0x10   }
0x19a: {  	s20 =	sld [smem:s6+$0xFFFFFFFE];
	_ =	sdelay $0x3  }
0x19b: {  	s22 =	sshll.u32 s20, $0xC;
	s20 =	sshll.u32 s20, $0x7  }
0x19c: {  	s21 =	sand.u32 $0xFFFF8000, s22;
	s20 =	sand.u32 $0x380, s20  }
0x19d: {  	s20 =	sor.u32 s20, s21  }
0x19e: {  	s20 =	sshrl.u32 s20, $0x3  }
0x19f: {  	s22 =	simm.s32 $0x23260;
	s20 =	sadd.s32 s2, s20  }
0x1a0: {  	[spmem:s22@s8], [sflag:s14] =	dma.strided [hbm:s20@s8], $0x200, s7, $0x10   }
0x1a1: {  	s20 =	sld [smem:s6+$0xFFFFFFFF];
	_ =	sdelay $0x3  }
0x1a2: {  	s22 =	sshll.u32 s20, $0xC;
	s20 =	sshll.u32 s20, $0x7  }
0x1a3: {  	s21 =	sand.u32 $0xFFFF8000, s22;
	s20 =	sand.u32 $0x380, s20  }
0x1a4: {  	s20 =	sor.u32 s20, s21  }
0x1a5: {  	s20 =	sshrl.u32 s20, $0x3  }
0x1a6: {  	s22 =	simm.s32 $0x23270;
	s20 =	sadd.s32 s2, s20  }
0x1a7: {  	[spmem:s22@s8], [sflag:s14] =	dma.strided [hbm:s20@s8], $0x200, s7, $0x10   }
0x1a8: {  	s20 =	simm.s32 @!p0 $0x16  }
0x1a9: {  	_ =	swait.ge @!p0 [sflag:s20], $0x1000  }
0x1aa: {  	[sflag:s20] =	ssyncset.done @!p0 $0x0  }
0x1ab: {  	[sflag:s20] =	ssyncadd.s32 @!p0 $0xFFFFF000  }
0x1ac: {  	s20 =	sld [smem:s6+$0x0];
	_ =	sdelay $0x3  }
0x1ad: {  	s22 =	sshll.u32 s20, $0xC;
	s20 =	sshll.u32 s20, $0x7  }
0x1ae: {  	s21 =	sand.u32 $0xFFFF8000, s22;
	s20 =	sand.u32 $0x380, s20  }
0x1af: {  	s20 =	sor.u32 s20, s21  }
0x1b0: {  	s20 =	sshrl.u32 s20, $0x3  }
0x1b1: {  	s20 =	sadd.s32 s2, s20  }
0x1b2: {  	[spmem:s26@s8], [sflag:s25] =	dma.strided [hbm:s20@s8], $0x200, s7, $0x10   }
0x1b3: {  	s20 =	sld [smem:s6+$0x1];
	_ =	sdelay $0x3  }
0x1b4: {  	s22 =	sshll.u32 s20, $0xC;
	s20 =	sshll.u32 s20, $0x7  }
0x1b5: {  	s21 =	sand.u32 $0xFFFF8000, s22;
	s20 =	sand.u32 $0x380, s20  }
0x1b6: {  	s20 =	sor.u32 s20, s21  }
0x1b7: {  	s20 =	sshrl.u32 s20, $0x3  }
0x1b8: {  	s22 =	simm.s32 $0x24210;
	s20 =	sadd.s32 s2, s20  }
0x1b9: {  	[spmem:s22@s8], [sflag:s25] =	dma.strided [hbm:s20@s8], $0x200, s7, $0x10   }
0x1ba: {  	s20 =	sld [smem:s6+$0x2];
	_ =	sdelay $0x3  }
0x1bb: {  	s22 =	sshll.u32 s20, $0xC;
	s20 =	sshll.u32 s20, $0x7  }
0x1bc: {  	s21 =	sand.u32 $0xFFFF8000, s22;
	s20 =	sand.u32 $0x380, s20  }
0x1bd: {  	s20 =	sor.u32 s20, s21  }
0x1be: {  	s20 =	sshrl.u32 s20, $0x3  }
0x1bf: {  	s22 =	simm.s32 $0x24220;
	s20 =	sadd.s32 s2, s20  }
0x1c0: {  	[spmem:s22@s8], [sflag:s25] =	dma.strided [hbm:s20@s8], $0x200, s7, $0x10   }
0x1c1: {  	s20 =	sld [smem:s6+$0x3];
	_ =	sdelay $0x3  }
0x1c2: {  	s22 =	sshll.u32 s20, $0xC;
	s20 =	sshll.u32 s20, $0x7  }
0x1c3: {  	s21 =	sand.u32 $0xFFFF8000, s22;
	s20 =	sand.u32 $0x380, s20  }
0x1c4: {  	s20 =	sor.u32 s20, s21  }
0x1c5: {  	s20 =	sshrl.u32 s20, $0x3  }
0x1c6: {  	s22 =	simm.s32 $0x24230;
	s20 =	sadd.s32 s2, s20  }
0x1c7: {  	[spmem:s22@s8], [sflag:s25] =	dma.strided [hbm:s20@s8], $0x200, s7, $0x10   }
0x1c8: {  	s20 =	sld [smem:s6+$0x4];
	_ =	sdelay $0x3  }
0x1c9: {  	s22 =	sshll.u32 s20, $0xC;
	s20 =	sshll.u32 s20, $0x7  }
0x1ca: {  	s21 =	sand.u32 $0xFFFF8000, s22;
	s20 =	sand.u32 $0x380, s20  }
0x1cb: {  	s20 =	sor.u32 s20, s21  }
0x1cc: {  	s20 =	sshrl.u32 s20, $0x3  }
0x1cd: {  	s22 =	simm.s32 $0x24240;
	s20 =	sadd.s32 s2, s20  }
0x1ce: {  	[spmem:s22@s8], [sflag:s25] =	dma.strided [hbm:s20@s8], $0x200, s7, $0x10   }
0x1cf: {  	s20 =	sld [smem:s6+$0x5];
	_ =	sdelay $0x3  }
0x1d0: {  	s22 =	sshll.u32 s20, $0xC;
	s20 =	sshll.u32 s20, $0x7  }
0x1d1: {  	s21 =	sand.u32 $0xFFFF8000, s22;
	s20 =	sand.u32 $0x380, s20  }
0x1d2: {  	s20 =	sor.u32 s20, s21  }
0x1d3: {  	s20 =	sshrl.u32 s20, $0x3  }
0x1d4: {  	s22 =	simm.s32 $0x24250;
	s20 =	sadd.s32 s2, s20  }
0x1d5: {  	[spmem:s22@s8], [sflag:s25] =	dma.strided [hbm:s20@s8], $0x200, s7, $0x10   }
0x1d6: {  	s20 =	sld [smem:s6+$0x6];
	_ =	sdelay $0x3  }
0x1d7: {  	s22 =	sshll.u32 s20, $0xC;
	s20 =	sshll.u32 s20, $0x7  }
0x1d8: {  	s21 =	sand.u32 $0xFFFF8000, s22;
	s20 =	sand.u32 $0x380, s20  }
0x1d9: {  	s20 =	sor.u32 s20, s21  }
0x1da: {  	s20 =	sshrl.u32 s20, $0x3  }
0x1db: {  	s22 =	simm.s32 $0x24260;
	s20 =	sadd.s32 s2, s20  }
0x1dc: {  	[spmem:s22@s8], [sflag:s25] =	dma.strided [hbm:s20@s8], $0x200, s7, $0x10   }
0x1dd: {  	s20 =	sld [smem:s6+$0x7];
	_ =	sdelay $0x3  }
0x1de: {  	s22 =	sshll.u32 s20, $0xC;
	s20 =	sshll.u32 s20, $0x7  }
0x1df: {  	s21 =	sand.u32 $0xFFFF8000, s22;
	s20 =	sand.u32 $0x380, s20  }
0x1e0: {  	s20 =	sor.u32 s20, s21  }
0x1e1: {  	s20 =	sshrl.u32 s20, $0x3  }
0x1e2: {  	s22 =	simm.s32 $0x24270;
	s20 =	sadd.s32 s2, s20  }
0x1e3: {  	[spmem:s22@s8], [sflag:s25] =	dma.strided [hbm:s20@s8], $0x200, s7, $0x10   }
0x1e4: {  	s20 =	simm.s32 @!p0 $0x17  }
0x1e5: {  	_ =	swait.ge @!p0 [sflag:s20], $0x1000  }
0x1e6: {  	[sflag:s20] =	ssyncset.done @!p0 $0x0  }
0x1e7: {  	[sflag:s20] =	ssyncadd.s32 @!p0 $0xFFFFF000  }
0x1e8: {  	s20 =	sld [smem:s6+$0x8];
	_ =	sdelay $0x3  }
0x1e9: {  	s22 =	sshll.u32 s20, $0xC;
	s20 =	sshll.u32 s20, $0x7  }
0x1ea: {  	s21 =	sand.u32 $0xFFFF8000, s22;
	s20 =	sand.u32 $0x380, s20  }
0x1eb: {  	s20 =	sor.u32 s20, s21  }
0x1ec: {  	s20 =	sshrl.u32 s20, $0x3  }
0x1ed: {  	s20 =	sadd.s32 s2, s20  }
0x1ee: {  	[spmem:s17@s8], [sflag:s16] =	dma.strided [hbm:s20@s8], $0x200, s7, $0x10   }
0x1ef: {  	s20 =	sld [smem:s6+$0x9];
	_ =	sdelay $0x3  }
0x1f0: {  	s22 =	sshll.u32 s20, $0xC;
	s20 =	sshll.u32 s20, $0x7  }
0x1f1: {  	s21 =	sand.u32 $0xFFFF8000, s22;
	s20 =	sand.u32 $0x380, s20  }
0x1f2: {  	s20 =	sor.u32 s20, s21  }
0x1f3: {  	s20 =	sshrl.u32 s20, $0x3  }
0x1f4: {  	s22 =	simm.s32 $0x25210;
	s20 =	sadd.s32 s2, s20  }
0x1f5: {  	[spmem:s22@s8], [sflag:s16] =	dma.strided [hbm:s20@s8], $0x200, s7, $0x10   }
0x1f6: {  	s20 =	sld [smem:s6+$0xA];
	_ =	sdelay $0x3  }
0x1f7: {  	s22 =	sshll.u32 s20, $0xC;
	s20 =	sshll.u32 s20, $0x7  }
0x1f8: {  	s21 =	sand.u32 $0xFFFF8000, s22;
	s20 =	sand.u32 $0x380, s20  }
0x1f9: {  	s20 =	sor.u32 s20, s21  }
0x1fa: {  	s20 =	sshrl.u32 s20, $0x3  }
0x1fb: {  	s22 =	simm.s32 $0x25220;
	s20 =	sadd.s32 s2, s20  }
0x1fc: {  	[spmem:s22@s8], [sflag:s16] =	dma.strided [hbm:s20@s8], $0x200, s7, $0x10   }
0x1fd: {  	s20 =	sld [smem:s6+$0xB];
	_ =	sdelay $0x3  }
0x1fe: {  	s22 =	sshll.u32 s20, $0xC;
	s20 =	sshll.u32 s20, $0x7  }
0x1ff: {  	s21 =	sand.u32 $0xFFFF8000, s22;
	s20 =	sand.u32 $0x380, s20  }
0x200: {  	s20 =	sor.u32 s20, s21  }
0x201: {  	s20 =	sshrl.u32 s20, $0x3  }
0x202: {  	s22 =	simm.s32 $0x25230;
	s20 =	sadd.s32 s2, s20  }
0x203: {  	[spmem:s22@s8], [sflag:s16] =	dma.strided [hbm:s20@s8], $0x200, s7, $0x10   }
0x204: {  	s20 =	sld [smem:s6+$0xC];
	_ =	sdelay $0x3  }
0x205: {  	s22 =	sshll.u32 s20, $0xC;
	s20 =	sshll.u32 s20, $0x7  }
0x206: {  	s21 =	sand.u32 $0xFFFF8000, s22;
	s20 =	sand.u32 $0x380, s20  }
0x207: {  	s20 =	sor.u32 s20, s21  }
0x208: {  	s20 =	sshrl.u32 s20, $0x3  }
0x209: {  	s22 =	simm.s32 $0x25240;
	s20 =	sadd.s32 s2, s20  }
0x20a: {  	[spmem:s22@s8], [sflag:s16] =	dma.strided [hbm:s20@s8], $0x200, s7, $0x10   }
0x20b: {  	s20 =	sld [smem:s6+$0xD];
	_ =	sdelay $0x3  }
0x20c: {  	s22 =	sshll.u32 s20, $0xC;
	s20 =	sshll.u32 s20, $0x7  }
0x20d: {  	s21 =	sand.u32 $0xFFFF8000, s22;
	s20 =	sand.u32 $0x380, s20  }
0x20e: {  	s20 =	sor.u32 s20, s21  }
0x20f: {  	s20 =	sshrl.u32 s20, $0x3  }
0x210: {  	s22 =	simm.s32 $0x25250;
	s20 =	sadd.s32 s2, s20  }
0x211: {  	[spmem:s22@s8], [sflag:s16] =	dma.strided [hbm:s20@s8], $0x200, s7, $0x10   }
0x212: {  	s20 =	sld [smem:s6+$0xE];
	_ =	sdelay $0x3  }
0x213: {  	s22 =	sshll.u32 s20, $0xC;
	s20 =	sshll.u32 s20, $0x7  }
0x214: {  	s21 =	sand.u32 $0xFFFF8000, s22;
	s20 =	sand.u32 $0x380, s20  }
0x215: {  	s20 =	sor.u32 s20, s21  }
0x216: {  	s20 =	sshrl.u32 s20, $0x3  }
0x217: {  	s22 =	simm.s32 $0x25260;
	s20 =	sadd.s32 s2, s20  }
0x218: {  	[spmem:s22@s8], [sflag:s16] =	dma.strided [hbm:s20@s8], $0x200, s7, $0x10   }
0x219: {  	s20 =	sld [smem:s6+$0xF];
	_ =	sdelay $0x3  }
0x21a: {  	s22 =	sshll.u32 s20, $0xC;
	s20 =	sshll.u32 s20, $0x7  }
0x21b: {  	s21 =	sand.u32 $0xFFFF8000, s22;
	s20 =	sand.u32 $0x380, s20  }
0x21c: {  	s20 =	sor.u32 s20, s21  }
0x21d: {  	s20 =	sshrl.u32 s20, $0x3  }
0x21e: {  	s22 =	simm.s32 $0x25270;
	s20 =	sadd.s32 s2, s20  }
0x21f: {  	[spmem:s22@s8], [sflag:s16] =	dma.strided [hbm:s20@s8], $0x200, s7, $0x10   }
0x220: {  	s20 =	simm.s32 @!p0 $0x18  }
0x221: {  	_ =	swait.ge @!p0 [sflag:s20], $0x1000  }
0x222: {  	[sflag:s20] =	ssyncset.done @!p0 $0x0  }
0x223: {  	[sflag:s20] =	ssyncadd.s32 @!p0 $0xFFFFF000  }
0x224: {  	s20 =	sld [smem:s6+$0x10];
	_ =	sdelay $0x3  }
0x225: {  	s22 =	sshll.u32 s20, $0xC;
	s20 =	sshll.u32 s20, $0x7  }
0x226: {  	s21 =	sand.u32 $0xFFFF8000, s22;
	s20 =	sand.u32 $0x380, s20  }
0x227: {  	s20 =	sor.u32 s20, s21  }
0x228: {  	s20 =	sshrl.u32 s20, $0x3  }
0x229: {  	s20 =	sadd.s32 s2, s20  }
0x22a: {  	[spmem:s1@s8], [sflag:s4] =	dma.strided [hbm:s20@s8], $0x200, s7, $0x10   }
0x22b: {  	s20 =	sld [smem:s6+$0x11];
	_ =	sdelay $0x3  }
0x22c: {  	s22 =	sshll.u32 s20, $0xC;
	s20 =	sshll.u32 s20, $0x7  }
0x22d: {  	s21 =	sand.u32 $0xFFFF8000, s22;
	s20 =	sand.u32 $0x380, s20  }
0x22e: {  	s20 =	sor.u32 s20, s21  }
0x22f: {  	s20 =	sshrl.u32 s20, $0x3  }
0x230: {  	s22 =	simm.s32 $0x26210;
	s20 =	sadd.s32 s2, s20  }
0x231: {  	[spmem:s22@s8], [sflag:s4] =	dma.strided [hbm:s20@s8], $0x200, s7, $0x10   }
0x232: {  	s20 =	sld [smem:s6+$0x12];
	_ =	sdelay $0x3  }
0x233: {  	s22 =	sshll.u32 s20, $0xC;
	s20 =	sshll.u32 s20, $0x7  }
0x234: {  	s21 =	sand.u32 $0xFFFF8000, s22;
	s20 =	sand.u32 $0x380, s20  }
0x235: {  	s20 =	sor.u32 s20, s21  }
0x236: {  	s20 =	sshrl.u32 s20, $0x3  }
0x237: {  	s22 =	simm.s32 $0x26220;
	s20 =	sadd.s32 s2, s20  }
0x238: {  	[spmem:s22@s8], [sflag:s4] =	dma.strided [hbm:s20@s8], $0x200, s7, $0x10   }
0x239: {  	s20 =	sld [smem:s6+$0x13];
	_ =	sdelay $0x3  }
0x23a: {  	s22 =	sshll.u32 s20, $0xC;
	s20 =	sshll.u32 s20, $0x7  }
0x23b: {  	s21 =	sand.u32 $0xFFFF8000, s22;
	s20 =	sand.u32 $0x380, s20  }
0x23c: {  	s20 =	sor.u32 s20, s21  }
0x23d: {  	s20 =	sshrl.u32 s20, $0x3  }
0x23e: {  	s22 =	simm.s32 $0x26230;
	s20 =	sadd.s32 s2, s20  }
0x23f: {  	[spmem:s22@s8], [sflag:s4] =	dma.strided [hbm:s20@s8], $0x200, s7, $0x10   }
0x240: {  	s20 =	sld [smem:s6+$0x14];
	_ =	sdelay $0x3  }
0x241: {  	s22 =	sshll.u32 s20, $0xC;
	s20 =	sshll.u32 s20, $0x7  }
0x242: {  	s21 =	sand.u32 $0xFFFF8000, s22;
	s20 =	sand.u32 $0x380, s20  }
0x243: {  	s20 =	sor.u32 s20, s21  }
0x244: {  	s20 =	sshrl.u32 s20, $0x3  }
0x245: {  	s22 =	simm.s32 $0x26240;
	s20 =	sadd.s32 s2, s20  }
0x246: {  	[spmem:s22@s8], [sflag:s4] =	dma.strided [hbm:s20@s8], $0x200, s7, $0x10   }
0x247: {  	s20 =	sld [smem:s6+$0x15];
	_ =	sdelay $0x3  }
0x248: {  	s22 =	sshll.u32 s20, $0xC;
	s20 =	sshll.u32 s20, $0x7  }
0x249: {  	s21 =	sand.u32 $0xFFFF8000, s22;
	s20 =	sand.u32 $0x380, s20  }
0x24a: {  	s20 =	sor.u32 s20, s21  }
0x24b: {  	s20 =	sshrl.u32 s20, $0x3  }
0x24c: {  	s22 =	simm.s32 $0x26250;
	s20 =	sadd.s32 s2, s20  }
0x24d: {  	[spmem:s22@s8], [sflag:s4] =	dma.strided [hbm:s20@s8], $0x200, s7, $0x10   }
0x24e: {  	s20 =	sld [smem:s6+$0x16];
	_ =	sdelay $0x3  }
0x24f: {  	s22 =	sshll.u32 s20, $0xC;
	s20 =	sshll.u32 s20, $0x7  }
0x250: {  	s21 =	sand.u32 $0xFFFF8000, s22;
	s20 =	sand.u32 $0x380, s20  }
0x251: {  	s20 =	sor.u32 s20, s21  }
0x252: {  	s20 =	sshrl.u32 s20, $0x3  }
0x253: {  	s22 =	simm.s32 $0x26260;
	s20 =	sadd.s32 s2, s20  }
0x254: {  	[spmem:s22@s8], [sflag:s4] =	dma.strided [hbm:s20@s8], $0x200, s7, $0x10   }
0x255: {  	s20 =	sld [smem:s6+$0x17];
	_ =	sdelay $0x3  }
0x256: {  	s22 =	sshll.u32 s20, $0xC;
	s20 =	sshll.u32 s20, $0x7  }
0x257: {  	s21 =	sand.u32 $0xFFFF8000, s22;
	s20 =	sand.u32 $0x380, s20  }
0x258: {  	s20 =	sor.u32 s20, s21  }
0x259: {  	s20 =	sshrl.u32 s20, $0x3  }
0x25a: {  	s22 =	simm.s32 $0x26270;
	s20 =	sadd.s32 s2, s20  }
0x25b: {  	[spmem:s22@s8], [sflag:s4] =	dma.strided [hbm:s20@s8], $0x200, s7, $0x10   }
0x25c: {  	s20 =	simm.s32 @!p0 $0x19  }
0x25d: {  	_ =	swait.ge @!p0 [sflag:s20], $0x1000  }
0x25e: {  	[sflag:s20] =	ssyncset.done @!p0 $0x0  }
0x25f: {  	[sflag:s20] =	ssyncadd.s32 @!p0 $0xFFFFF000  }
0x260: {  	s20 =	sld [smem:s6+$0x18];
	_ =	sdelay $0x3  }
0x261: {  	s22 =	sshll.u32 s20, $0xC;
	s20 =	sshll.u32 s20, $0x7  }
0x262: {  	s21 =	sand.u32 $0xFFFF8000, s22;
	s20 =	sand.u32 $0x380, s20  }
0x263: {  	s20 =	sor.u32 s20, s21  }
0x264: {  	s20 =	sshrl.u32 s20, $0x3  }
0x265: {  	s20 =	sadd.s32 s2, s20  }
0x266: {  	[spmem:s24@s8], [sflag:s23] =	dma.strided [hbm:s20@s8], $0x200, s7, $0x10   }
0x267: {  	s20 =	sld [smem:s6+$0x19];
	_ =	sdelay $0x3  }
0x268: {  	s22 =	sshll.u32 s20, $0xC;
	s20 =	sshll.u32 s20, $0x7  }
0x269: {  	s21 =	sand.u32 $0xFFFF8000, s22;
	s20 =	sand.u32 $0x380, s20  }
0x26a: {  	s20 =	sor.u32 s20, s21  }
0x26b: {  	s20 =	sshrl.u32 s20, $0x3  }
0x26c: {  	s22 =	simm.s32 $0x27210;
	s20 =	sadd.s32 s2, s20  }
0x26d: {  	[spmem:s22@s8], [sflag:s23] =	dma.strided [hbm:s20@s8], $0x200, s7, $0x10   }
0x26e: {  	s20 =	sld [smem:s6+$0x1A];
	_ =	sdelay $0x3  }
0x26f: {  	s22 =	sshll.u32 s20, $0xC;
	s20 =	sshll.u32 s20, $0x7  }
0x270: {  	s21 =	sand.u32 $0xFFFF8000, s22;
	s20 =	sand.u32 $0x380, s20  }
0x271: {  	s20 =	sor.u32 s20, s21  }
0x272: {  	s20 =	sshrl.u32 s20, $0x3  }
0x273: {  	s22 =	simm.s32 $0x27220;
	s20 =	sadd.s32 s2, s20  }
0x274: {  	[spmem:s22@s8], [sflag:s23] =	dma.strided [hbm:s20@s8], $0x200, s7, $0x10   }
0x275: {  	s20 =	sld [smem:s6+$0x1B];
	_ =	sdelay $0x3  }
0x276: {  	s22 =	sshll.u32 s20, $0xC;
	s20 =	sshll.u32 s20, $0x7  }
0x277: {  	s21 =	sand.u32 $0xFFFF8000, s22;
	s20 =	sand.u32 $0x380, s20  }
0x278: {  	s20 =	sor.u32 s20, s21  }
0x279: {  	s20 =	sshrl.u32 s20, $0x3  }
0x27a: {  	s22 =	simm.s32 $0x27230;
	s20 =	sadd.s32 s2, s20  }
0x27b: {  	[spmem:s22@s8], [sflag:s23] =	dma.strided [hbm:s20@s8], $0x200, s7, $0x10   }
0x27c: {  	s20 =	sld [smem:s6+$0x1C];
	_ =	sdelay $0x3  }
0x27d: {  	s22 =	sshll.u32 s20, $0xC;
	s20 =	sshll.u32 s20, $0x7  }
0x27e: {  	s21 =	sand.u32 $0xFFFF8000, s22;
	s20 =	sand.u32 $0x380, s20  }
0x27f: {  	s20 =	sor.u32 s20, s21  }
0x280: {  	s20 =	sshrl.u32 s20, $0x3  }
0x281: {  	s22 =	simm.s32 $0x27240;
	s20 =	sadd.s32 s2, s20  }
0x282: {  	[spmem:s22@s8], [sflag:s23] =	dma.strided [hbm:s20@s8], $0x200, s7, $0x10   }
0x283: {  	s20 =	sld [smem:s6+$0x1D];
	_ =	sdelay $0x3  }
0x284: {  	s22 =	sshll.u32 s20, $0xC;
	s20 =	sshll.u32 s20, $0x7  }
0x285: {  	s21 =	sand.u32 $0xFFFF8000, s22;
	s20 =	sand.u32 $0x380, s20  }
0x286: {  	s20 =	sor.u32 s20, s21  }
0x287: {  	s20 =	sshrl.u32 s20, $0x3  }
0x288: {  	s22 =	simm.s32 $0x27250;
	s20 =	sadd.s32 s2, s20  }
0x289: {  	[spmem:s22@s8], [sflag:s23] =	dma.strided [hbm:s20@s8], $0x200, s7, $0x10   }
0x28a: {  	s20 =	sld [smem:s6+$0x1E];
	_ =	sdelay $0x3  }
0x28b: {  	s22 =	sshll.u32 s20, $0xC;
	s20 =	sshll.u32 s20, $0x7  }
0x28c: {  	s21 =	sand.u32 $0xFFFF8000, s22;
	s20 =	sand.u32 $0x380, s20  }
0x28d: {  	s20 =	sor.u32 s20, s21  }
0x28e: {  	s20 =	sshrl.u32 s20, $0x3  }
0x28f: {  	s22 =	simm.s32 $0x27260;
	s20 =	sadd.s32 s2, s20  }
0x290: {  	[spmem:s22@s8], [sflag:s23] =	dma.strided [hbm:s20@s8], $0x200, s7, $0x10   }
0x291: {  	s20 =	sld [smem:s6+$0x1F];
	_ =	sdelay $0x3  }
0x292: {  	s22 =	sshll.u32 s20, $0xC;
	s20 =	sshll.u32 s20, $0x7  }
0x293: {  	s21 =	sand.u32 $0xFFFF8000, s22;
	s20 =	sand.u32 $0x380, s20  }
0x294: {  	s20 =	sor.u32 s20, s21  }
0x295: {  	s20 =	sshrl.u32 s20, $0x3  }
0x296: {  	s22 =	simm.s32 $0x27270;
	s20 =	sadd.s32 s2, s20  }
0x297: {  	[spmem:s22@s8], [sflag:s23] =	dma.strided [hbm:s20@s8], $0x200, s7, $0x10   }
0x298: {  	_ =	swait.ge [sflag:s9], $0x1000  }
0x299: {  	[sflag:s9] =	ssyncset.done $0x0  }
0x29a: {  	s20 =	sadd.s32 s3, s5;
	[sflag:s9] =	ssyncadd.s32 $0xFFFFF000  }
0x29b: {  	s22 =	simm.s32 $0x12;
	s21 =	sadd.s32 $0x300000, s20  }
0x29c: {  	[hbm:s21], [sflag:s22] =	dma.local [spmem:s10], $0x1000  }
0x29d: {  	_ =	swait.ge [sflag:s18], $0x1000  }
0x29e: {  	[sflag:s18] =	ssyncset.done $0x0  }
0x29f: {  	[sflag:s18] =	ssyncadd.s32 $0xFFFFF000  }
0x2a0: {  	s21 =	sadd.s32 $0x301000, s20;
	s22 =	simm.s32 $0x13  }
0x2a1: {  	[hbm:s21], [sflag:s22] =	dma.local [spmem:s19], $0x1000  }
0x2a2: {  	_ =	swait.ge [sflag:s28], $0x1000  }
0x2a3: {  	[sflag:s28] =	ssyncset.done $0x0  }
0x2a4: {  	[sflag:s28] =	ssyncadd.s32 $0xFFFFF000  }
0x2a5: {  	s22 =	sadd.s32 $0x302000, s20  }
0x2a6: {  	[hbm:s22], [sflag:s30] =	dma.local [spmem:s29], $0x1000  }
0x2a7: {  	_ =	swait.ge [sflag:s14], $0x1000  }
0x2a8: {  	[sflag:s14] =	ssyncset.done $0x0  }
0x2a9: {  	[sflag:s14] =	ssyncadd.s32 $0xFFFFF000  }
0x2aa: {  	s22 =	sadd.s32 $0x303000, s20  }
0x2ab: {  	[hbm:s22], [sflag:s31] =	dma.local [spmem:s15], $0x1000  }
0x2ac: {  	_ =	swait.ge [sflag:s25], $0x1000  }
0x2ad: {  	[sflag:s25] =	ssyncset.done $0x0  }
0x2ae: {  	[sflag:s25] =	ssyncadd.s32 $0xFFFFF000  }
0x2af: {  	s22 =	sadd.s32 $0x304000, s20  }
0x2b0: {  	[hbm:s22], [sflag:s0] =	dma.local [spmem:s26], $0x1000  }
0x2b1: {  	_ =	swait.ge [sflag:s16], $0x1000  }
0x2b2: {  	[sflag:s16] =	ssyncset.done $0x0  }
0x2b3: {  	[sflag:s16] =	ssyncadd.s32 $0xFFFFF000  }
0x2b4: {  	s22 =	sadd.s32 $0x305000, s20  }
0x2b5: {  	[hbm:s22], [sflag:s11] =	dma.local [spmem:s17], $0x1000  }
0x2b6: {  	_ =	swait.ge [sflag:s4], $0x1000  }
0x2b7: {  	[sflag:s4] =	ssyncset.done $0x0  }
0x2b8: {  	s3 =	sadd.s32 $0x8000, s3;
	[sflag:s4] =	ssyncadd.s32 $0xFFFFF000  }
0x2b9: {  	p0 =	sne.s32 s3, $0x80000;
	s22 =	sadd.s32 $0x306000, s20  }
0x2ba: {  	[hbm:s22], [sflag:s12] =	dma.local [spmem:s1], $0x1000  }
.Ltmp0:
0x2bb: {  	_ =	swait.ge [sflag:s23], $0x1000;
	(pc) =	sbr.rel @p0 .LBB1_1-.Ltmp0, $3  }
0x2bc: {  	[sflag:s23] =	ssyncset.done $0x0  }
0x2bd: {  	s6 =	sadd.s32 $0x40, s6;
	s20 =	sadd.s32 $0x307000, s20;
	[sflag:s23] =	ssyncadd.s32 $0xFFFFF000  }
0x2be: {  	[hbm:s20], [sflag:s13] =	dma.local [spmem:s24], $0x1000  }
0x2bf: {  	_ = 	snop  }
0x2c0: {  	s0 =	simm.s32 $0x12  }
0x2c1: {  	_ =	swait.ge [sflag:s0], $0x1000  }
0x2c2: {  	[sflag:s0] =	ssyncset.done $0x0  }
0x2c3: {  	[sflag:s0] =	ssyncadd.s32 $0xFFFFF000;
	_ =	sdelay $0x1  }
0x2c4: {  	s20 =	simm.s32 $0x13  }
0x2c5: {  	_ =	swait.ge [sflag:s20], $0x1000  }
0x2c6: {  	[sflag:s20] =	ssyncset.done $0x0  }
0x2c7: {  	[sflag:s20] =	ssyncadd.s32 $0xFFFFF000;
	_ =	sdelay $0x1  }
0x2c8: {  	s21 =	simm.s32 $0x14  }
0x2c9: {  	_ =	swait.ge [sflag:s21], $0x1000  }
0x2ca: {  	[sflag:s21] =	ssyncset.done $0x0  }
0x2cb: {  	[sflag:s21] =	ssyncadd.s32 $0xFFFFF000;
	_ =	sdelay $0x1  }
0x2cc: {  	s22 =	simm.s32 $0x15  }
0x2cd: {  	_ =	swait.ge [sflag:s22], $0x1000  }
0x2ce: {  	[sflag:s22] =	ssyncset.done $0x0  }
0x2cf: {  	[sflag:s22] =	ssyncadd.s32 $0xFFFFF000;
	_ =	sdelay $0x1  }
0x2d0: {  	s23 =	simm.s32 $0x16  }
0x2d1: {  	_ =	swait.ge [sflag:s23], $0x1000  }
0x2d2: {  	[sflag:s23] =	ssyncset.done $0x0  }
0x2d3: {  	[sflag:s23] =	ssyncadd.s32 $0xFFFFF000;
	_ =	sdelay $0x1  }
0x2d4: {  	s24 =	simm.s32 $0x17  }
0x2d5: {  	_ =	swait.ge [sflag:s24], $0x1000  }
0x2d6: {  	[sflag:s24] =	ssyncset.done $0x0  }
0x2d7: {  	[sflag:s24] =	ssyncadd.s32 $0xFFFFF000;
	_ =	sdelay $0x1  }
0x2d8: {  	s25 =	simm.s32 $0x18  }
0x2d9: {  	_ =	swait.ge [sflag:s25], $0x1000  }
0x2da: {  	[sflag:s25] =	ssyncset.done $0x0  }
0x2db: {  	[sflag:s25] =	ssyncadd.s32 $0xFFFFF000;
	_ =	sdelay $0x1  }
0x2dc: {  	s26 =	simm.s32 $0x19  }
0x2dd: {  	_ =	swait.ge [sflag:s26], $0x1000  }
0x2de: {  	[sflag:s26] =	ssyncset.done $0x0  }
0x2df: {  	[sflag:s26] =	ssyncadd.s32 $0xFFFFF000  }
0x2e0: {  	_ =	strace $0x90000046  }
0x2e1: {  	s28 =	simm.s32 $0x9;
	_ =	strace $0x80000048  }
0x2e2: {  	_ =	swait.ge [sflag:s28], $0x1  }
0x2e3: {  	[sflag:s28] =	ssyncadd.s32 $0xFFFFFFFF  }
0x2e4: {  	_ =	strace $0x90000048  }
0x2e5: {  	_ =	sfence  }
0x2e6: {  	s29 =	sld [smem:$0x0];
	_ =	sdelay $0x1  }
0x2e7: {  	s2 =	srdreg.scid  }
0x2e8: {  	s1 =	sshll.u32 s2, $0xD;
	s2 =	sshrl.u32 s2, $0x2  }
0x2e9: {  	s1 =	sand.u32 $0x4000, s1;
	s30 =	rddreg [dreg:$0x6];
	s0 =	sadd.s32 s2, s29  }
0x2ea: {  	s1 =	sor.u32 s1, s30;
	s0 =	sshll.u32 s0, $0x11  }
0x2eb: {  	s0 =	sor.u32 s0, s1  }
0x2ec: {  	s0 =	sadd.s32 $0x8F2B, s0  }
0x2ed: {  	[sflag:s0] =	ssyncadd.remote.s32 $0x1  }
0x2ee: {  	_ =	sfence.sel $0xFFFF  }
0x2ef: {  	[dreg:$0x0] =	wrdreg $0xFFFFFFFF;
	(pc) =	sbr.abs _section_cstart, $3  }
0x2f0: {  	s31 =	simm.s32 $0x0;
	[dreg:$0x1] =	wrdreg $0xFFFFFFFF  }
0x2f1: {  	_ =	task.clear_ibuf [dreg:s31], $0x2FFFF;
	_ =	strace $0x9FFFFFFF  }
0x2f2: {  	(tm) =	ssettm $0x7FFFFFFF  }
0x2f3: {  	_ =	shalt  }
tec
execute0_lowered:
.L_overlay_start_1:
0x0: {  	(tag) =	ssettag $0x1  }
0x1: {  	s0 =	rddreg [dreg:$0x0]  }
0x2: {  	s2 =	rddreg [dreg:$0x1]  }
0x3: {  	s1 =	srdreg.scid;
	s7 =	stileid.u32  }
0x4: {  	s4 =	rddreg [dreg:$0x2];
	s3 =	simm.s32 $0x0;
	s25 =	simm.s32 $0x900  }
0x5: {  	s26 =	simm.s32 $0x1100;
	s30 =	simm.s32 $0x1900;
	[smem:$0x7FF] =	sst s3  }
0x6: {  	s31 =	simm.s32 $0x2100;
	_ =	strace $0x80000047;
	[dreg:$0x5] =	wrdreg s25  }
0x7: {  	s8 =	simm.s32 $0x3900;
	s9 =	simm.s32 $0x4100;
	[dreg:$0x6] =	wrdreg s26  }
0x8: {  	s10 =	simm.s32 $0x4900;
	s11 =	simm.s32 $0x5100;
	[dreg:$0x7] =	wrdreg s30  }
0x9: {  	s12 =	simm.s32 $0x5900;
	s13 =	simm.s32 $0x6100;
	[dreg:$0x8] =	wrdreg s31  }
0xa: {  	s14 =	simm.s32 $0x6900;
	s15 =	simm.s32 $0x7100;
	[dreg:$0xb] =	wrdreg s8  }
0xb: {  	s16 =	simm.s32 $0x7900;
	s17 =	simm.s32 $0x8900;
	[dreg:$0xc] =	wrdreg s9  }
0xc: {  	s18 =	simm.s32 $0x9100;
	s19 =	simm.s32 $0x9900;
	[dreg:$0xd] =	wrdreg s10  }
0xd: {  	s20 =	simm.s32 $0xA100;
	s21 =	simm.s32 $0xA900;
	[dreg:$0xe] =	wrdreg s11  }
0xe: {  	s22 =	simm.s32 $0xB100;
	s23 =	simm.s32 $0xB900;
	[dreg:$0xf] =	wrdreg s12  }
0xf: {  	s28 =	simm.s32 $0x1;
	s29 =	simm.s32 $0x2;
	[dreg:$0x10] =	wrdreg s13  }
0x10: {  	s1 =	sand.u32 $0x1, s1;
	s5 =	smul.u32 $0x30000, s7;
	[dreg:$0x11] =	wrdreg s14  }
0x11: {  	s7 =	sshll.u32 s7, $0x1;
	s6 =	smul.u32 $0x18000, s1;
	[dreg:$0x12] =	wrdreg s15  }
0x12: {  	s24 =	sor.u32 s1, s7;
	s1 =	ssub.s32 $0x2, s1;
	[dreg:$0x13] =	wrdreg s16  }
0x13: {  	s7 =	simm.s32 $0x3100;
	s8 =	sadd.s32 $0x400, s2;
	[dreg:$0x14] =	wrdreg s17  }
0x14: {  	s9 =	sadd.s32 $0x500, s2;
	s10 =	sadd.s32 $0x600, s2;
	[dreg:$0x15] =	wrdreg s18  }
0x15: {  	s11 =	sadd.s32 $0x700, s2;
	s12 =	sadd.s32 $0x800, s2;
	[dreg:$0x16] =	wrdreg s19  }
0x16: {  	s13 =	sadd.s32 $0x900, s2;
	s14 =	sadd.s32 $0xA00, s2;
	[dreg:$0x17] =	wrdreg s20  }
0x17: {  	s15 =	sadd.s32 $0xB00, s2;
	s16 =	sadd.s32 $0xC00, s2;
	[dreg:$0x18] =	wrdreg s21  }
0x18: {  	s17 =	sadd.s32 $0xD00, s2;
	s18 =	sadd.s32 $0xE00, s2;
	[dreg:$0x19] =	wrdreg s22  }
0x19: {  	s19 =	sadd.s32 $0xF00, s2;
	[dreg:$0x1a] =	wrdreg s23;
	s25 =	simm.s32 $0xC900  }
0x1a: {  	s26 =	simm.s32 $0xD100;
	s22 =	simm.s32 $0x100;
	[dreg:$0xa] =	wrdreg s7  }
0x1b: {  	s30 =	simm.s32 $0xD900;
	s23 =	simm.s32 $0x8100;
	[dreg:$0x1c] =	wrdreg s25  }
0x1c: {  	s31 =	simm.s32 $0xE100;
	s4 =	sadd.s32 s5, s4;
	[dreg:$0x1d] =	wrdreg s26  }
0x1d: {  	s5 =	smul.u32 $0xC0, s24;
	s7 =	sadd.s32 $0x300, s2;
	[dreg:$0x1e] =	wrdreg s30  }
0x1e: {  	s24 =	simm.s32 $0xC100;
	[dreg:$0x1f] =	wrdreg s31;
	s25 =	simm.s32 $0xF100  }
0x1f: {  	s26 =	simm.s32 $0xF900;
	s4 =	sadd.s32 s6, s4;
	[dreg:$0x1b] =	wrdreg s24  }
0x20: {  	s6 =	sshrl.u32 s1, $0x1;
	[dreg:$0x4] =	wrdreg s4;
	s5 =	sshrl.u32 s5, $0x3  }
0x21: {  	s1 =	ssub.s32 s1, s6;
	s0 =	sadd.s32 s5, s0;
	s5 =	simm.s32 $0x2900  }
0x22: {  	v0 =	vlaneseq.u32;
	s24 =	simm.s32 $0xE900;
	s1 =	smax.u32 s1, $0x1;
	[dreg:$0x9] =	wrdreg s5  }
0x23: {  	v1 =	vshrl.u32 v0, $0x3;
	s6 =	sadd.s32 $0x200, s2;
	s0 =	sadd.s32 $0x400, s0;
	[smem:$0x7FD] =	sst s1  }
0x24: {  	vm0 =	vmmov $0xffff;
	v0 =	vand.u32 $0x7, v0;
	v1 =	vmul.u32 $0x8, v1;
	s5 =	sadd.s32 $0x100, s2;
	s1 =	simm.s32 $0x0;
	[smem:$0x7FC] =	sst s0  }
.LBB2_1:
0x25: {  	s0 =	sld [smem:$0x7FC];
	_ =	sdelay $0x1  }
0x26: {  	s20 =	simm.s32 $0x5  }
0x27: {  	[tilespmem:s3], [sflag:$0x5] =	stream.linear.gather [hbm4b:s0+s3], $0xC0, $0x38;
	[tilespmem:$0x14100] =	vst v63  }
0x28: {  	_ =	swait.ge [sflag:s20], $0xC0  }
0x29: {  	p0 =	por $0x1, $0x1;
	[sflag:s20] =	ssyncset.done $0x0  }
0x2a: {  	s0 =	simm.s32 @!p0 $0x3;
	[sflag:s20] =	ssyncadd.s32 $0xFFFFFF40  }
0x2b: {  	_ =	swait.ge @!p0 [sflag:s0], $0x8000  }
0x2c: {  	[sflag:s0] =	ssyncset.done @!p0 $0x0  }
0x2d: {  	s4 =	simm.s32 $0x8;
	[sflag:s0] =	ssyncadd.s32 @!p0 $0xFFFF8000  }
0x2e: {  	v2 =	vld.msk [tilespmem:s4+$0xFFFFFFF8], $0xff;
	_ =	sdelay $0x4  }
0x2f: {  	v3 =	vshll.u32 v2, $0x5  }
0x30: {  	v2 =	vand.u32 $0x7, v2;
	v3 =	vand.u32 $0xFFFFFF00, v3  }
0x31: {  	v2 =	vor.u32 v2, v3  }
0x32: {  	v2 =	vperm.xlane v2, v0;
	_ =	sdelay $0x1  }
0x33: {  	v2 =	vadd.s32 v1, v2;
	_ =	sdelay $0x4  }
0x34: {  	[tilespmem:s22], [sflag:$0x1] =	stream.indirect_vreg.gather [hbm4b:s2+s3], $0x80, v2, vm0, $0xb8;
	[tilespmem:$0x14100] =	vst v63  }
0x35: {  	s21 =	rddreg [dreg:$0x5]  }
0x36: {  	[tilespmem:s21], [sflag:$0x1] =	stream.indirect_vreg.gather [hbm4b:s5+s3], $0x80, v2, vm0, $0xb8;
	[tilespmem:$0x14100] =	vst v63  }
0x37: {  	s20 =	rddreg [dreg:$0x6]  }
0x38: {  	[tilespmem:s20], [sflag:$0x1] =	stream.indirect_vreg.gather [hbm4b:s6+s3], $0x80, v2, vm0, $0xb8;
	[tilespmem:$0x14100] =	vst v63  }
0x39: {  	s31 =	rddreg [dreg:$0x7]  }
0x3a: {  	[tilespmem:s31], [sflag:$0x1] =	stream.indirect_vreg.gather [hbm4b:s7+s3], $0x80, v2, vm0, $0xb8;
	[tilespmem:$0x14100] =	vst v63  }
0x3b: {  	s21 =	rddreg [dreg:$0x8]  }
0x3c: {  	[tilespmem:s21], [sflag:$0x1] =	stream.indirect_vreg.gather [hbm4b:s8+s3], $0x80, v2, vm0, $0xb8;
	[tilespmem:$0x14100] =	vst v63  }
0x3d: {  	s31 =	rddreg [dreg:$0x9]  }
0x3e: {  	[tilespmem:s31], [sflag:$0x1] =	stream.indirect_vreg.gather [hbm4b:s9+s3], $0x80, v2, vm0, $0xb8;
	[tilespmem:$0x14100] =	vst v63  }
0x3f: {  	s21 =	rddreg [dreg:$0xa]  }
0x40: {  	[tilespmem:s21], [sflag:$0x1] =	stream.indirect_vreg.gather [hbm4b:s10+s3], $0x80, v2, vm0, $0xb8;
	[tilespmem:$0x14100] =	vst v63  }
0x41: {  	s31 =	rddreg [dreg:$0xb]  }
0x42: {  	[tilespmem:s31], [sflag:$0x1] =	stream.indirect_vreg.gather [hbm4b:s11+s3], $0x80, v2, vm0, $0xb8;
	[tilespmem:$0x14100] =	vst v63  }
0x43: {  	s21 =	rddreg [dreg:$0xc]  }
0x44: {  	[tilespmem:s21], [sflag:$0x1] =	stream.indirect_vreg.gather [hbm4b:s12+s3], $0x80, v2, vm0, $0xb8;
	[tilespmem:$0x14100] =	vst v63  }
0x45: {  	s31 =	rddreg [dreg:$0xd]  }
0x46: {  	[tilespmem:s31], [sflag:$0x1] =	stream.indirect_vreg.gather [hbm4b:s13+s3], $0x80, v2, vm0, $0xb8;
	[tilespmem:$0x14100] =	vst v63  }
0x47: {  	s21 =	rddreg [dreg:$0xe]  }
0x48: {  	[tilespmem:s21], [sflag:$0x1] =	stream.indirect_vreg.gather [hbm4b:s14+s3], $0x80, v2, vm0, $0xb8;
	[tilespmem:$0x14100] =	vst v63  }
0x49: {  	s31 =	rddreg [dreg:$0xf]  }
0x4a: {  	[tilespmem:s31], [sflag:$0x1] =	stream.indirect_vreg.gather [hbm4b:s15+s3], $0x80, v2, vm0, $0xb8;
	[tilespmem:$0x14100] =	vst v63  }
0x4b: {  	s21 =	rddreg [dreg:$0x10]  }
0x4c: {  	[tilespmem:s21], [sflag:$0x1] =	stream.indirect_vreg.gather [hbm4b:s16+s3], $0x80, v2, vm0, $0xb8;
	[tilespmem:$0x14100] =	vst v63  }
0x4d: {  	s31 =	rddreg [dreg:$0x11]  }
0x4e: {  	[tilespmem:s31], [sflag:$0x1] =	stream.indirect_vreg.gather [hbm4b:s17+s3], $0x80, v2, vm0, $0xb8;
	[tilespmem:$0x14100] =	vst v63  }
0x4f: {  	s21 =	rddreg [dreg:$0x12]  }
0x50: {  	[tilespmem:s21], [sflag:$0x1] =	stream.indirect_vreg.gather [hbm4b:s18+s3], $0x80, v2, vm0, $0xb8;
	[tilespmem:$0x14100] =	vst v63  }
0x51: {  	s20 =	simm.s32 @!p0 $0x4;
	s31 =	rddreg [dreg:$0x13]  }
0x52: {  	[tilespmem:s31], [sflag:$0x1] =	stream.indirect_vreg.gather [hbm4b:s19+s3], $0x80, v2, vm0, $0xb8;
	[tilespmem:$0x14100] =	vst v63  }
0x53: {  	_ =	swait.ge @!p0 [sflag:s20], $0x8000  }
0x54: {  	[sflag:s20] =	ssyncset.done @!p0 $0x0  }
0x55: {  	[sflag:s20] =	ssyncadd.s32 @!p0 $0xFFFF8000  }
0x56: {  	v2 =	vld.msk [tilespmem:s4+$0x0], $0xff;
	_ =	sdelay $0x4  }
0x57: {  	v3 =	vshll.u32 v2, $0x5  }
0x58: {  	v2 =	vand.u32 $0x7, v2;
	v3 =	vand.u32 $0xFFFFFF00, v3  }
0x59: {  	v2 =	vor.u32 v2, v3  }
0x5a: {  	v2 =	vperm.xlane v2, v0;
	_ =	sdelay $0x1  }
0x5b: {  	v2 =	vadd.s32 v1, v2;
	_ =	sdelay $0x4  }
0x5c: {  	[tilespmem:s23], [sflag:$0x2] =	stream.indirect_vreg.gather [hbm4b:s2+s3], $0x80, v2, vm0, $0xb8;
	[tilespmem:$0x14100] =	vst v63  }
0x5d: {  	s4 =	rddreg [dreg:$0x14]  }
0x5e: {  	[tilespmem:s4], [sflag:$0x2] =	stream.indirect_vreg.gather [hbm4b:s5+s3], $0x80, v2, vm0, $0xb8;
	[tilespmem:$0x14100] =	vst v63  }
0x5f: {  	s20 =	rddreg [dreg:$0x15]  }
0x60: {  	[tilespmem:s20], [sflag:$0x2] =	stream.indirect_vreg.gather [hbm4b:s6+s3], $0x80, v2, vm0, $0xb8;
	[tilespmem:$0x14100] =	vst v63  }
0x61: {  	s21 =	rddreg [dreg:$0x16]  }
0x62: {  	[tilespmem:s21], [sflag:$0x2] =	stream.indirect_vreg.gather [hbm4b:s7+s3], $0x80, v2, vm0, $0xb8;
	[tilespmem:$0x14100] =	vst v63  }
0x63: {  	s31 =	rddreg [dreg:$0x17]  }
0x64: {  	[tilespmem:s31], [sflag:$0x2] =	stream.indirect_vreg.gather [hbm4b:s8+s3], $0x80, v2, vm0, $0xb8;
	[tilespmem:$0x14100] =	vst v63  }
0x65: {  	s20 =	rddreg [dreg:$0x18]  }
0x66: {  	[tilespmem:s20], [sflag:$0x2] =	stream.indirect_vreg.gather [hbm4b:s9+s3], $0x80, v2, vm0, $0xb8;
	[tilespmem:$0x14100] =	vst v63  }
0x67: {  	s21 =	rddreg [dreg:$0x19]  }
0x68: {  	[tilespmem:s21], [sflag:$0x2] =	stream.indirect_vreg.gather [hbm4b:s10+s3], $0x80, v2, vm0, $0xb8;
	[tilespmem:$0x14100] =	vst v63  }
0x69: {  	s31 =	rddreg [dreg:$0x1a]  }
0x6a: {  	[tilespmem:s31], [sflag:$0x2] =	stream.indirect_vreg.gather [hbm4b:s11+s3], $0x80, v2, vm0, $0xb8;
	[tilespmem:$0x14100] =	vst v63  }
0x6b: {  	s20 =	rddreg [dreg:$0x1b]  }
0x6c: {  	[tilespmem:s20], [sflag:$0x2] =	stream.indirect_vreg.gather [hbm4b:s12+s3], $0x80, v2, vm0, $0xb8;
	[tilespmem:$0x14100] =	vst v63  }
0x6d: {  	s21 =	rddreg [dreg:$0x1c]  }
0x6e: {  	[tilespmem:s21], [sflag:$0x2] =	stream.indirect_vreg.gather [hbm4b:s13+s3], $0x80, v2, vm0, $0xb8;
	[tilespmem:$0x14100] =	vst v63  }
0x6f: {  	s31 =	rddreg [dreg:$0x1d]  }
0x70: {  	[tilespmem:s31], [sflag:$0x2] =	stream.indirect_vreg.gather [hbm4b:s14+s3], $0x80, v2, vm0, $0xb8;
	[tilespmem:$0x14100] =	vst v63  }
0x71: {  	s20 =	rddreg [dreg:$0x1e]  }
0x72: {  	[tilespmem:s20], [sflag:$0x2] =	stream.indirect_vreg.gather [hbm4b:s15+s3], $0x80, v2, vm0, $0xb8;
	[tilespmem:$0x14100] =	vst v63  }
0x73: {  	s21 =	rddreg [dreg:$0x1f]  }
0x74: {  	[tilespmem:s21], [sflag:$0x2] =	stream.indirect_vreg.gather [hbm4b:s16+s3], $0x80, v2, vm0, $0xb8;
	[tilespmem:$0x14100] =	vst v63  }
0x75: {  	_ = 	snop  }
0x76: {  	[tilespmem:s24], [sflag:$0x2] =	stream.indirect_vreg.gather [hbm4b:s17+s3], $0x80, v2, vm0, $0xb8;
	[tilespmem:$0x14100] =	vst v63  }
0x77: {  	_ = 	snop  }
0x78: {  	[tilespmem:s25], [sflag:$0x2] =	stream.indirect_vreg.gather [hbm4b:s18+s3], $0x80, v2, vm0, $0xb8;
	[tilespmem:$0x14100] =	vst v63  }
0x79: {  	_ = 	snop  }
0x7a: {  	[tilespmem:s26], [sflag:$0x2] =	stream.indirect_vreg.gather [hbm4b:s19+s3], $0x80, v2, vm0, $0xb8;
	[tilespmem:$0x14100] =	vst v63  }
0x7b: {  	_ =	swait.ge [sflag:s28], $0x8000  }
0x7c: {  	s31 =	rddreg [dreg:$0x4];
	[sflag:s28] =	ssyncset.done $0x0  }
0x7d: {  	p1 =	por $0x0, $0x0;
	[sflag:s28] =	ssyncadd.s32 $0xFFFF8000;
	s21 =	sadd.s32 $0x0, s31  }
0x7e: {  	[hbm4b:s21+s3] =	stream.linear.scatter [tilespmem:s22], [sflag:$0x3], $0x8000, $0x38;
	[tilespmem:$0x14100] =	vst v63  }
0x7f: {  	s0 =	simm.s32 $0x2000;
	s4 =	simm.s32 $0x18;
	_ =	swait.ge [sflag:s29], $0x8000  }
0x80: {  	s20 =	simm.s32 $0x4000;
	s30 =	sadd.s32 $0x1000, s21;
	[sflag:s29] =	ssyncset.done $0x0  }
.LBB2_2:
0x81: {  	s31 =	simm.s32 @!p1 $0x3;
	[sflag:s29] =	ssyncadd.s32 $0xFFFF8000  }
0x82: {  	[hbm4b:s30+s3] =	stream.linear.scatter [tilespmem:s23], [sflag:$0x4], $0x8000, $0x38;
	[tilespmem:$0x14100] =	vst v63  }
0x83: {  	_ =	swait.ge @!p1 [sflag:s31], $0x8000  }
0x84: {  	[sflag:s31] =	ssyncset.done @!p1 $0x0  }
0x85: {  	[sflag:s31] =	ssyncadd.s32 @!p1 $0xFFFF8000  }
0x86: {  	v2 =	vld.msk [tilespmem:s4+$0xFFFFFFF8], $0xff;
	_ =	sdelay $0x4  }
0x87: {  	v3 =	vshll.u32 v2, $0x5  }
0x88: {  	v2 =	vand.u32 $0x7, v2;
	v3 =	vand.u32 $0xFFFFFF00, v3  }
0x89: {  	v2 =	vor.u32 v2, v3  }
0x8a: {  	v2 =	vperm.xlane v2, v0;
	_ =	sdelay $0x1  }
0x8b: {  	v2 =	vadd.s32 v1, v2;
	_ =	sdelay $0x4  }
0x8c: {  	[tilespmem:s22], [sflag:$0x1] =	stream.indirect_vreg.gather [hbm4b:s2+s3], $0x80, v2, vm0, $0xb8;
	[tilespmem:$0x14100] =	vst v63  }
0x8d: {  	s30 =	rddreg [dreg:$0x5]  }
0x8e: {  	[tilespmem:s30], [sflag:$0x1] =	stream.indirect_vreg.gather [hbm4b:s5+s3], $0x80, v2, vm0, $0xb8;
	[tilespmem:$0x14100] =	vst v63  }
0x8f: {  	s31 =	rddreg [dreg:$0x6]  }
0x90: {  	[tilespmem:s31], [sflag:$0x1] =	stream.indirect_vreg.gather [hbm4b:s6+s3], $0x80, v2, vm0, $0xb8;
	[tilespmem:$0x14100] =	vst v63  }
0x91: {  	s30 =	rddreg [dreg:$0x7]  }
0x92: {  	[tilespmem:s30], [sflag:$0x1] =	stream.indirect_vreg.gather [hbm4b:s7+s3], $0x80, v2, vm0, $0xb8;
	[tilespmem:$0x14100] =	vst v63  }
0x93: {  	s31 =	rddreg [dreg:$0x8]  }
0x94: {  	[tilespmem:s31], [sflag:$0x1] =	stream.indirect_vreg.gather [hbm4b:s8+s3], $0x80, v2, vm0, $0xb8;
	[tilespmem:$0x14100] =	vst v63  }
0x95: {  	s30 =	rddreg [dreg:$0x9]  }
0x96: {  	[tilespmem:s30], [sflag:$0x1] =	stream.indirect_vreg.gather [hbm4b:s9+s3], $0x80, v2, vm0, $0xb8;
	[tilespmem:$0x14100] =	vst v63  }
0x97: {  	s31 =	rddreg [dreg:$0xa]  }
0x98: {  	[tilespmem:s31], [sflag:$0x1] =	stream.indirect_vreg.gather [hbm4b:s10+s3], $0x80, v2, vm0, $0xb8;
	[tilespmem:$0x14100] =	vst v63  }
0x99: {  	s30 =	rddreg [dreg:$0xb]  }
0x9a: {  	[tilespmem:s30], [sflag:$0x1] =	stream.indirect_vreg.gather [hbm4b:s11+s3], $0x80, v2, vm0, $0xb8;
	[tilespmem:$0x14100] =	vst v63  }
0x9b: {  	s31 =	rddreg [dreg:$0xc]  }
0x9c: {  	[tilespmem:s31], [sflag:$0x1] =	stream.indirect_vreg.gather [hbm4b:s12+s3], $0x80, v2, vm0, $0xb8;
	[tilespmem:$0x14100] =	vst v63  }
0x9d: {  	s30 =	rddreg [dreg:$0xd]  }
0x9e: {  	[tilespmem:s30], [sflag:$0x1] =	stream.indirect_vreg.gather [hbm4b:s13+s3], $0x80, v2, vm0, $0xb8;
	[tilespmem:$0x14100] =	vst v63  }
0x9f: {  	s31 =	rddreg [dreg:$0xe]  }
0xa0: {  	[tilespmem:s31], [sflag:$0x1] =	stream.indirect_vreg.gather [hbm4b:s14+s3], $0x80, v2, vm0, $0xb8;
	[tilespmem:$0x14100] =	vst v63  }
0xa1: {  	s30 =	rddreg [dreg:$0xf]  }
0xa2: {  	[tilespmem:s30], [sflag:$0x1] =	stream.indirect_vreg.gather [hbm4b:s15+s3], $0x80, v2, vm0, $0xb8;
	[tilespmem:$0x14100] =	vst v63  }
0xa3: {  	s31 =	rddreg [dreg:$0x10]  }
0xa4: {  	[tilespmem:s31], [sflag:$0x1] =	stream.indirect_vreg.gather [hbm4b:s16+s3], $0x80, v2, vm0, $0xb8;
	[tilespmem:$0x14100] =	vst v63  }
0xa5: {  	s30 =	rddreg [dreg:$0x11]  }
0xa6: {  	[tilespmem:s30], [sflag:$0x1] =	stream.indirect_vreg.gather [hbm4b:s17+s3], $0x80, v2, vm0, $0xb8;
	[tilespmem:$0x14100] =	vst v63  }
0xa7: {  	s31 =	rddreg [dreg:$0x12]  }
0xa8: {  	[tilespmem:s31], [sflag:$0x1] =	stream.indirect_vreg.gather [hbm4b:s18+s3], $0x80, v2, vm0, $0xb8;
	[tilespmem:$0x14100] =	vst v63  }
0xa9: {  	s30 =	rddreg [dreg:$0x13];
	s31 =	simm.s32 @!p1 $0x4  }
0xaa: {  	[tilespmem:s30], [sflag:$0x1] =	stream.indirect_vreg.gather [hbm4b:s19+s3], $0x80, v2, vm0, $0xb8;
	[tilespmem:$0x14100] =	vst v63  }
0xab: {  	_ =	swait.ge @!p1 [sflag:s31], $0x8000  }
0xac: {  	[sflag:s31] =	ssyncset.done @!p1 $0x0  }
0xad: {  	[sflag:s31] =	ssyncadd.s32 @!p1 $0xFFFF8000  }
0xae: {  	v2 =	vld.msk [tilespmem:s4+$0x0], $0xff;
	_ =	sdelay $0x4  }
0xaf: {  	v3 =	vshll.u32 v2, $0x5  }
0xb0: {  	v2 =	vand.u32 $0x7, v2;
	v3 =	vand.u32 $0xFFFFFF00, v3  }
0xb1: {  	v2 =	vor.u32 v2, v3  }
0xb2: {  	v2 =	vperm.xlane v2, v0;
	_ =	sdelay $0x1  }
0xb3: {  	v2 =	vadd.s32 v1, v2;
	_ =	sdelay $0x4  }
0xb4: {  	[tilespmem:s23], [sflag:$0x2] =	stream.indirect_vreg.gather [hbm4b:s2+s3], $0x80, v2, vm0, $0xb8;
	[tilespmem:$0x14100] =	vst v63  }
0xb5: {  	s30 =	rddreg [dreg:$0x14]  }
0xb6: {  	[tilespmem:s30], [sflag:$0x2] =	stream.indirect_vreg.gather [hbm4b:s5+s3], $0x80, v2, vm0, $0xb8;
	[tilespmem:$0x14100] =	vst v63  }
0xb7: {  	s31 =	rddreg [dreg:$0x15]  }
0xb8: {  	[tilespmem:s31], [sflag:$0x2] =	stream.indirect_vreg.gather [hbm4b:s6+s3], $0x80, v2, vm0, $0xb8;
	[tilespmem:$0x14100] =	vst v63  }
0xb9: {  	s30 =	rddreg [dreg:$0x16]  }
0xba: {  	[tilespmem:s30], [sflag:$0x2] =	stream.indirect_vreg.gather [hbm4b:s7+s3], $0x80, v2, vm0, $0xb8;
	[tilespmem:$0x14100] =	vst v63  }
0xbb: {  	s31 =	rddreg [dreg:$0x17]  }
0xbc: {  	[tilespmem:s31], [sflag:$0x2] =	stream.indirect_vreg.gather [hbm4b:s8+s3], $0x80, v2, vm0, $0xb8;
	[tilespmem:$0x14100] =	vst v63  }
0xbd: {  	s30 =	rddreg [dreg:$0x18]  }
0xbe: {  	[tilespmem:s30], [sflag:$0x2] =	stream.indirect_vreg.gather [hbm4b:s9+s3], $0x80, v2, vm0, $0xb8;
	[tilespmem:$0x14100] =	vst v63  }
0xbf: {  	s31 =	rddreg [dreg:$0x19]  }
0xc0: {  	[tilespmem:s31], [sflag:$0x2] =	stream.indirect_vreg.gather [hbm4b:s10+s3], $0x80, v2, vm0, $0xb8;
	[tilespmem:$0x14100] =	vst v63  }
0xc1: {  	s30 =	rddreg [dreg:$0x1a]  }
0xc2: {  	[tilespmem:s30], [sflag:$0x2] =	stream.indirect_vreg.gather [hbm4b:s11+s3], $0x80, v2, vm0, $0xb8;
	[tilespmem:$0x14100] =	vst v63  }
0xc3: {  	s31 =	rddreg [dreg:$0x1b]  }
0xc4: {  	[tilespmem:s31], [sflag:$0x2] =	stream.indirect_vreg.gather [hbm4b:s12+s3], $0x80, v2, vm0, $0xb8;
	[tilespmem:$0x14100] =	vst v63  }
0xc5: {  	s30 =	rddreg [dreg:$0x1c]  }
0xc6: {  	[tilespmem:s30], [sflag:$0x2] =	stream.indirect_vreg.gather [hbm4b:s13+s3], $0x80, v2, vm0, $0xb8;
	[tilespmem:$0x14100] =	vst v63  }
0xc7: {  	s31 =	rddreg [dreg:$0x1d]  }
0xc8: {  	[tilespmem:s31], [sflag:$0x2] =	stream.indirect_vreg.gather [hbm4b:s14+s3], $0x80, v2, vm0, $0xb8;
	[tilespmem:$0x14100] =	vst v63  }
0xc9: {  	s30 =	rddreg [dreg:$0x1e]  }
0xca: {  	[tilespmem:s30], [sflag:$0x2] =	stream.indirect_vreg.gather [hbm4b:s15+s3], $0x80, v2, vm0, $0xb8;
	[tilespmem:$0x14100] =	vst v63  }
0xcb: {  	s31 =	rddreg [dreg:$0x1f]  }
0xcc: {  	[tilespmem:s31], [sflag:$0x2] =	stream.indirect_vreg.gather [hbm4b:s16+s3], $0x80, v2, vm0, $0xb8;
	[tilespmem:$0x14100] =	vst v63  }
0xcd: {  	_ = 	snop  }
0xce: {  	[tilespmem:s24], [sflag:$0x2] =	stream.indirect_vreg.gather [hbm4b:s17+s3], $0x80, v2, vm0, $0xb8;
	[tilespmem:$0x14100] =	vst v63  }
0xcf: {  	_ = 	snop  }
0xd0: {  	[tilespmem:s25], [sflag:$0x2] =	stream.indirect_vreg.gather [hbm4b:s18+s3], $0x80, v2, vm0, $0xb8;
	[tilespmem:$0x14100] =	vst v63  }
0xd1: {  	s21 =	smov.u32 s20;
	s20 =	sadd.s32 $0x2000, s20  }
0xd2: {  	[tilespmem:s26], [sflag:$0x2] =	stream.indirect_vreg.gather [hbm4b:s19+s3], $0x80, v2, vm0, $0xb8;
	[tilespmem:$0x14100] =	vst v63  }
0xd3: {  	p0 =	sne.s32 s20, $0x18000;
	_ =	swait.ge [sflag:s28], $0x8000  }
.Ltmp1:
0xd4: {  	s30 =	rddreg [dreg:$0x4];
	[sflag:s28] =	ssyncset.done $0x0;
	(pc) =	sbr.rel @p0 .LBB2_2-.Ltmp1, $4  }
0xd5: {  	[sflag:s28] =	ssyncadd.s32 $0xFFFF8000;
	s30 =	sadd.s32 s0, s30  }
0xd6: {  	[hbm4b:s30+s3] =	stream.linear.scatter [tilespmem:s22], [sflag:$0x3], $0x8000, $0x38;
	[tilespmem:$0x14100] =	vst v63  }
0xd7: {  	s4 =	sadd.s32 $0x10, s4;
	s0 =	smov.u32 s21;
	_ =	swait.ge [sflag:s29], $0x8000  }
0xd8: {  	p1 =	seq.s32 s0, $0x0;
	s30 =	sadd.s32 $0x1000, s30;
	[sflag:s29] =	ssyncset.done $0x0  }
0xd9: {  	s20 =	simm.s32 @!p1 $0x3;
	[sflag:s29] =	ssyncadd.s32 $0xFFFF8000  }
0xda: {  	[hbm4b:s30+s3] =	stream.linear.scatter [tilespmem:s23], [sflag:$0x4], $0x8000, $0x38;
	[tilespmem:$0x14100] =	vst v63  }
0xdb: {  	_ =	swait.ge @!p1 [sflag:s20], $0x8000  }
0xdc: {  	[sflag:s20] =	ssyncset.done @!p1 $0x0  }
0xdd: {  	[sflag:s20] =	ssyncadd.s32 @!p1 $0xFFFF8000  }
0xde: {  	v2 =	vld.msk [tilespmem:s4+$0xFFFFFFF8], $0xff;
	_ =	sdelay $0x4  }
0xdf: {  	v3 =	vshll.u32 v2, $0x5  }
0xe0: {  	v2 =	vand.u32 $0x7, v2;
	v3 =	vand.u32 $0xFFFFFF00, v3  }
0xe1: {  	v2 =	vor.u32 v2, v3  }
0xe2: {  	v2 =	vperm.xlane v2, v0;
	_ =	sdelay $0x1  }
0xe3: {  	v2 =	vadd.s32 v1, v2;
	_ =	sdelay $0x4  }
0xe4: {  	[tilespmem:s22], [sflag:$0x1] =	stream.indirect_vreg.gather [hbm4b:s2+s3], $0x80, v2, vm0, $0xb8;
	[tilespmem:$0x14100] =	vst v63  }
0xe5: {  	s30 =	rddreg [dreg:$0x5]  }
0xe6: {  	[tilespmem:s30], [sflag:$0x1] =	stream.indirect_vreg.gather [hbm4b:s5+s3], $0x80, v2, vm0, $0xb8;
	[tilespmem:$0x14100] =	vst v63  }
0xe7: {  	s21 =	rddreg [dreg:$0x6]  }
0xe8: {  	[tilespmem:s21], [sflag:$0x1] =	stream.indirect_vreg.gather [hbm4b:s6+s3], $0x80, v2, vm0, $0xb8;
	[tilespmem:$0x14100] =	vst v63  }
0xe9: {  	s31 =	rddreg [dreg:$0x7]  }
0xea: {  	[tilespmem:s31], [sflag:$0x1] =	stream.indirect_vreg.gather [hbm4b:s7+s3], $0x80, v2, vm0, $0xb8;
	[tilespmem:$0x14100] =	vst v63  }
0xeb: {  	s30 =	rddreg [dreg:$0x8]  }
0xec: {  	[tilespmem:s30], [sflag:$0x1] =	stream.indirect_vreg.gather [hbm4b:s8+s3], $0x80, v2, vm0, $0xb8;
	[tilespmem:$0x14100] =	vst v63  }
0xed: {  	s31 =	rddreg [dreg:$0x9]  }
0xee: {  	[tilespmem:s31], [sflag:$0x1] =	stream.indirect_vreg.gather [hbm4b:s9+s3], $0x80, v2, vm0, $0xb8;
	[tilespmem:$0x14100] =	vst v63  }
0xef: {  	s30 =	rddreg [dreg:$0xa]  }
0xf0: {  	[tilespmem:s30], [sflag:$0x1] =	stream.indirect_vreg.gather [hbm4b:s10+s3], $0x80, v2, vm0, $0xb8;
	[tilespmem:$0x14100] =	vst v63  }
0xf1: {  	s31 =	rddreg [dreg:$0xb]  }
0xf2: {  	[tilespmem:s31], [sflag:$0x1] =	stream.indirect_vreg.gather [hbm4b:s11+s3], $0x80, v2, vm0, $0xb8;
	[tilespmem:$0x14100] =	vst v63  }
0xf3: {  	s30 =	rddreg [dreg:$0xc]  }
0xf4: {  	[tilespmem:s30], [sflag:$0x1] =	stream.indirect_vreg.gather [hbm4b:s12+s3], $0x80, v2, vm0, $0xb8;
	[tilespmem:$0x14100] =	vst v63  }
0xf5: {  	s31 =	rddreg [dreg:$0xd]  }
0xf6: {  	[tilespmem:s31], [sflag:$0x1] =	stream.indirect_vreg.gather [hbm4b:s13+s3], $0x80, v2, vm0, $0xb8;
	[tilespmem:$0x14100] =	vst v63  }
0xf7: {  	s30 =	rddreg [dreg:$0xe]  }
0xf8: {  	[tilespmem:s30], [sflag:$0x1] =	stream.indirect_vreg.gather [hbm4b:s14+s3], $0x80, v2, vm0, $0xb8;
	[tilespmem:$0x14100] =	vst v63  }
0xf9: {  	s31 =	rddreg [dreg:$0xf]  }
0xfa: {  	[tilespmem:s31], [sflag:$0x1] =	stream.indirect_vreg.gather [hbm4b:s15+s3], $0x80, v2, vm0, $0xb8;
	[tilespmem:$0x14100] =	vst v63  }
0xfb: {  	s30 =	rddreg [dreg:$0x10]  }
0xfc: {  	[tilespmem:s30], [sflag:$0x1] =	stream.indirect_vreg.gather [hbm4b:s16+s3], $0x80, v2, vm0, $0xb8;
	[tilespmem:$0x14100] =	vst v63  }
0xfd: {  	s31 =	rddreg [dreg:$0x11]  }
0xfe: {  	[tilespmem:s31], [sflag:$0x1] =	stream.indirect_vreg.gather [hbm4b:s17+s3], $0x80, v2, vm0, $0xb8;
	[tilespmem:$0x14100] =	vst v63  }
0xff: {  	s30 =	rddreg [dreg:$0x12]  }
0x100: {  	[tilespmem:s30], [sflag:$0x1] =	stream.indirect_vreg.gather [hbm4b:s18+s3], $0x80, v2, vm0, $0xb8;
	[tilespmem:$0x14100] =	vst v63  }
0x101: {  	s20 =	simm.s32 @!p1 $0x4;
	s31 =	rddreg [dreg:$0x13]  }
0x102: {  	[tilespmem:s31], [sflag:$0x1] =	stream.indirect_vreg.gather [hbm4b:s19+s3], $0x80, v2, vm0, $0xb8;
	[tilespmem:$0x14100] =	vst v63  }
0x103: {  	_ =	swait.ge @!p1 [sflag:s20], $0x8000  }
0x104: {  	[sflag:s20] =	ssyncset.done @!p1 $0x0  }
0x105: {  	[sflag:s20] =	ssyncadd.s32 @!p1 $0xFFFF8000  }
0x106: {  	v2 =	vld.msk [tilespmem:s4+$0x0], $0xff;
	_ =	sdelay $0x4  }
0x107: {  	v3 =	vshll.u32 v2, $0x5  }
0x108: {  	v2 =	vand.u32 $0x7, v2;
	v3 =	vand.u32 $0xFFFFFF00, v3  }
0x109: {  	v2 =	vor.u32 v2, v3  }
0x10a: {  	v2 =	vperm.xlane v2, v0;
	_ =	sdelay $0x1  }
0x10b: {  	v2 =	vadd.s32 v1, v2;
	_ =	sdelay $0x4  }
0x10c: {  	[tilespmem:s23], [sflag:$0x2] =	stream.indirect_vreg.gather [hbm4b:s2+s3], $0x80, v2, vm0, $0xb8;
	[tilespmem:$0x14100] =	vst v63  }
0x10d: {  	s21 =	rddreg [dreg:$0x14]  }
0x10e: {  	[tilespmem:s21], [sflag:$0x2] =	stream.indirect_vreg.gather [hbm4b:s5+s3], $0x80, v2, vm0, $0xb8;
	[tilespmem:$0x14100] =	vst v63  }
0x10f: {  	s30 =	rddreg [dreg:$0x15]  }
0x110: {  	[tilespmem:s30], [sflag:$0x2] =	stream.indirect_vreg.gather [hbm4b:s6+s3], $0x80, v2, vm0, $0xb8;
	[tilespmem:$0x14100] =	vst v63  }
0x111: {  	s31 =	rddreg [dreg:$0x16]  }
0x112: {  	[tilespmem:s31], [sflag:$0x2] =	stream.indirect_vreg.gather [hbm4b:s7+s3], $0x80, v2, vm0, $0xb8;
	[tilespmem:$0x14100] =	vst v63  }
0x113: {  	s21 =	rddreg [dreg:$0x17]  }
0x114: {  	[tilespmem:s21], [sflag:$0x2] =	stream.indirect_vreg.gather [hbm4b:s8+s3], $0x80, v2, vm0, $0xb8;
	[tilespmem:$0x14100] =	vst v63  }
0x115: {  	s30 =	rddreg [dreg:$0x18]  }
0x116: {  	[tilespmem:s30], [sflag:$0x2] =	stream.indirect_vreg.gather [hbm4b:s9+s3], $0x80, v2, vm0, $0xb8;
	[tilespmem:$0x14100] =	vst v63  }
0x117: {  	s31 =	rddreg [dreg:$0x19]  }
0x118: {  	[tilespmem:s31], [sflag:$0x2] =	stream.indirect_vreg.gather [hbm4b:s10+s3], $0x80, v2, vm0, $0xb8;
	[tilespmem:$0x14100] =	vst v63  }
0x119: {  	s21 =	rddreg [dreg:$0x1a]  }
0x11a: {  	[tilespmem:s21], [sflag:$0x2] =	stream.indirect_vreg.gather [hbm4b:s11+s3], $0x80, v2, vm0, $0xb8;
	[tilespmem:$0x14100] =	vst v63  }
0x11b: {  	s30 =	rddreg [dreg:$0x1b]  }
0x11c: {  	[tilespmem:s30], [sflag:$0x2] =	stream.indirect_vreg.gather [hbm4b:s12+s3], $0x80, v2, vm0, $0xb8;
	[tilespmem:$0x14100] =	vst v63  }
0x11d: {  	s31 =	rddreg [dreg:$0x1c]  }
0x11e: {  	[tilespmem:s31], [sflag:$0x2] =	stream.indirect_vreg.gather [hbm4b:s13+s3], $0x80, v2, vm0, $0xb8;
	[tilespmem:$0x14100] =	vst v63  }
0x11f: {  	s21 =	rddreg [dreg:$0x1d]  }
0x120: {  	[tilespmem:s21], [sflag:$0x2] =	stream.indirect_vreg.gather [hbm4b:s14+s3], $0x80, v2, vm0, $0xb8;
	[tilespmem:$0x14100] =	vst v63  }
0x121: {  	s30 =	rddreg [dreg:$0x1e]  }
0x122: {  	[tilespmem:s30], [sflag:$0x2] =	stream.indirect_vreg.gather [hbm4b:s15+s3], $0x80, v2, vm0, $0xb8;
	[tilespmem:$0x14100] =	vst v63  }
0x123: {  	s31 =	rddreg [dreg:$0x1f]  }
0x124: {  	[tilespmem:s31], [sflag:$0x2] =	stream.indirect_vreg.gather [hbm4b:s16+s3], $0x80, v2, vm0, $0xb8;
	[tilespmem:$0x14100] =	vst v63  }
0x125: {  	_ = 	snop  }
0x126: {  	[tilespmem:s24], [sflag:$0x2] =	stream.indirect_vreg.gather [hbm4b:s17+s3], $0x80, v2, vm0, $0xb8;
	[tilespmem:$0x14100] =	vst v63  }
0x127: {  	_ = 	snop  }
0x128: {  	[tilespmem:s25], [sflag:$0x2] =	stream.indirect_vreg.gather [hbm4b:s18+s3], $0x80, v2, vm0, $0xb8;
	[tilespmem:$0x14100] =	vst v63  }
0x129: {  	_ = 	snop  }
0x12a: {  	[tilespmem:s26], [sflag:$0x2] =	stream.indirect_vreg.gather [hbm4b:s19+s3], $0x80, v2, vm0, $0xb8;
	[tilespmem:$0x14100] =	vst v63  }
0x12b: {  	_ =	swait.ge [sflag:s28], $0x8000  }
0x12c: {  	s20 =	rddreg [dreg:$0x4];
	[sflag:s28] =	ssyncset.done $0x0  }
0x12d: {  	s0 =	sadd.s32 s0, s20;
	[sflag:s28] =	ssyncadd.s32 $0xFFFF8000  }
0x12e: {  	[hbm4b:s0+s3] =	stream.linear.scatter [tilespmem:s22], [sflag:$0x3], $0x8000, $0x38;
	[tilespmem:$0x14100] =	vst v63  }
0x12f: {  	_ =	swait.ge [sflag:s29], $0x8000  }
0x130: {  	[sflag:s29] =	ssyncset.done $0x0  }
0x131: {  	s21 =	simm.s32 $0x3;
	s0 =	sadd.s32 $0x1000, s0;
	[sflag:s29] =	ssyncadd.s32 $0xFFFF8000  }
0x132: {  	[hbm4b:s0+s3] =	stream.linear.scatter [tilespmem:s23], [sflag:$0x4], $0x8000, $0x38;
	[tilespmem:$0x14100] =	vst v63  }
0x133: {  	_ =	swait.ge [sflag:s21], $0x8000  }
0x134: {  	[sflag:s21] =	ssyncset.done $0x0  }
0x135: {  	s30 =	simm.s32 $0x4;
	[sflag:s21] =	ssyncadd.s32 $0xFFFF8000  }
0x136: {  	_ =	swait.ge [sflag:s30], $0x8000  }
0x137: {  	s31 =	sld [smem:$0x7FD];
	_ =	sdelay $0x1  }
0x138: {  	s1 =	sadd.s32 $0x1, s1  }
0x139: {  	p0 =	sne.s32 s1, s31  }
.Ltmp2:
0x13a: {  	_ = 	snop;
	(pc) =	sbr.rel @p0 .LBB2_1-.Ltmp2, $3  }
0x13b: {  	_ =	sdelay $0x1  }
0x13c: {  	[sflag:s30] =	ssyncset.done $0x0  }
0x13d: {  	[sflag:s30] =	ssyncadd.s32 $0xFFFF8000  }
0x13e: {  	_ =	sfence.sel $0x180000  }
0x13f: {  	[bflag:$0x0] =	sbarrier.arrive $0xFFFF  }
0x140: {  	_ =	strace $0x90000047  }
0x141: {  	s0 =	stileid.u32;
	[bflag:$0x2] =	sbarrier.arrive $0xFFFF  }
0x142: {  	p0 =	sne.s32 s0, $0x0;
	s0 =	rddreg [dreg:$0x3]  }
0x143: {  	s0 =	sadd.s32 @!p0 $0x100000, s0  }
0x144: {  	[sflag:s0] =	ssyncadd.tile.s32 @!p0 $0x1;
	_ =	shalt  }
.Lfunc_end2:
_tile_overlayer_lowered:
.L_overlay_start_2:
0x145: {  	(tag) =	ssettag $0x2  }
0x146: {  	s0 =	rddreg [dreg:$0x0];
	s2 =	stileid.u32  }
0x147: {  	s1 =	rddreg [dreg:$0x1];
	p0 =	sne.s32 s2, $0x0  }
0x148: {  	s3 =	rddreg [dreg:$0x2];
	[bflag:$0x3] =	sbarrier.arrive $0xFFFF;
	s2 =	simm.s32 @!p0 $0x1C05  }
0x149: {  	[timem:s3], [sflag:s2] =	dma.local @!p0 [hbm:s0], s1  }
0x14a: {  	s0 =	simm.s32 @!p0 $0x5  }
0x14b: {  	_ =	swait.ge @!p0 [sflag:s0], s1  }
0x14c: {  	s1 =	ssub.s32 @!p0 $0x0, s1;
	[sflag:s0] =	ssyncset.done @!p0 $0x0  }
0x14d: {  	[sflag:s0] =	ssyncadd.s32 @!p0 s1  }
0x14e: {  	[bflag:$0x3] =	sbarrier.arrive $0xFFFF  }
0x14f: {  	_ =	shalt  }

</sc_bundles>
